<compile_context>
chip_gen: v7x
topology: tpu7x:2x2x1
jax: 0.10.2.dev20260603
libtpu: 0.0.44.dev20260713+nightly
codegen_flags: <defaults>
</compile_context>

<pallas_src>
import functools

import jax
import jax.numpy as jnp
from jax import lax
from jax.experimental import pallas as pl
from jax.experimental.pallas import tpu as pltpu
from jax.experimental.pallas import tpu_sc as plsc

_TOP_P = 0.8
_B = 64
_V = 100000
_L = 16
_NW = 32
_ROWS_PER_W = _B // _NW
_UNROLL = 10
_HBINS = 1024
_HWORDS = _L * _HBINS
_NSEC = 2
_CH = _V // _NSEC


def _zero_hist(hist_v):
    zeros = jnp.zeros((_L,), jnp.float32)

    @plsc.parallel_loop(0, _HWORDS, _L, unroll=8)
    def z_loop(i):
        hist_v[pl.ds(i, _L)] = zeros


def _scan_level(hist_v, t):
    def chunk_vec(c):
        acc = hist_v[pl.ds(c * (_L * _L), _L)]
        for w in range(1, _L):
            acc = acc + hist_v[pl.ds(c * (_L * _L) + w * _L, _L)]
        return acc

    def a_body(st):
        c, r, done = st
        new = r + jnp.sum(chunk_vec(c))
        cross = jnp.logical_or(new > t, c == 0)
        return (jnp.where(cross, c, c - 1), jnp.where(cross, r, new), cross)

    c, r, _ = lax.while_loop(
        lambda st: jnp.logical_not(st[2]), a_body,
        (jnp.int32(_HBINS // _L - 1), jnp.float32(0.0), jnp.bool_(False)))

    def b_body(st):
        w, r2, _, done = st
        h = jnp.sum(hist_v[pl.ds((c * _L + w) * _L, _L)])
        cross = jnp.logical_or(r2 + h > t, w == 0)
        return (jnp.where(cross, w, w - 1), jnp.where(cross, r2, r2 + h),
                h, cross)

    w, r2, h_b, _ = lax.while_loop(
        lambda st: jnp.logical_not(st[3]), b_body,
        (jnp.int32(_L - 1), r, jnp.float32(0.0), jnp.bool_(False)))
    return c * _L + w, r2, h_b


def _process_row(row_v, hist_v):
    lanes = lax.iota(jnp.int32, _L)

    _zero_hist(hist_v)
    @plsc.parallel_loop(0, _V, _L, unroll=_UNROLL,
                        carry=jnp.zeros((_L,), jnp.float32))
    def e_loop(i, zacc):
        v = jnp.exp(jnp.minimum(row_v[pl.ds(i, _L)], 8.0) - 8.0)
        row_v[pl.ds(i, _L)] = v
        bits = plsc.bitcast(v, jnp.int32)
        idx = ((bits >> 16) & 0xFFF0) | lanes
        plsc.addupdate_scatter(hist_v, [idx], v)
        return zacc + v
    z = jnp.sum(e_loop)
    target = _TOP_P * z

    b1, m1, _ = _scan_level(hist_v, target)
    t2 = target - m1

    _zero_hist(hist_v)

    @plsc.parallel_loop(0, _V, _L, unroll=_UNROLL)
    def h2_loop(i):
        v = row_v[pl.ds(i, _L)]
        bits = plsc.bitcast(v, jnp.int32)
        sel = (bits >> 20) == b1
        idx = ((bits >> 6) & 0x3FF0) | lanes
        plsc.addupdate_scatter(hist_v, [idx], v, mask=sel)

    b2, m2, _ = _scan_level(hist_v, t2)
    t3 = t2 - m2

    _zero_hist(hist_v)
    hi = b1 * 1024 + b2

    @plsc.parallel_loop(0, _V, _L, unroll=_UNROLL)
    def h3_loop(i):
        v = row_v[pl.ds(i, _L)]
        bits = plsc.bitcast(v, jnp.int32)
        sel = (bits >> 10) == hi
        idx = ((bits << 4) & 0x3FF0) | lanes
        plsc.addupdate_scatter(hist_v, [idx], v, mask=sel)

    b3, m3, h3 = _scan_level(hist_v, t3)

    kstar = (b1 << 20) | (b2 << 10) | b3
    s = m1 + m2 + m3 + h3
    s_vec = jnp.broadcast_to(s, (_L,))
    r0 = plsc.bitcast(jnp.broadcast_to(jnp.int32(0x7EF477D5), (_L,))
                      - plsc.bitcast(s_vec, jnp.int32), jnp.float32)
    for _ in range(4):
        r0 = r0 * (2.0 - s_vec * r0)
    rs = r0

    @plsc.parallel_loop(0, _V, _L, unroll=_UNROLL)
    def w_loop(i):
        v = row_v[pl.ds(i, _L)]
        keep = plsc.bitcast(v, jnp.int32) >= kstar
        row_v[pl.ds(i, _L)] = jnp.where(keep, v * rs, 0.0)


def _sc_body(logits_hbm, out_hbm, row_v, hist_v, sem_in):
    wid = lax.axis_index("s") * 2 + lax.axis_index("c")
    for rb in range(_ROWS_PER_W):
        r = wid * _ROWS_PER_W + rb
        desc = pltpu.async_copy(logits_hbm.at[r], row_v, sem_in)
        _zero_hist(hist_v)
        desc.wait()
        _process_row(row_v, hist_v)
        pltpu.sync_copy(row_v, out_hbm.at[r])


def kernel(logits):
    f = functools.partial(
        pl.kernel,
        out_type=jax.ShapeDtypeStruct((_B, _V), jnp.float32),
        mesh=plsc.VectorSubcoreMesh(core_axis_name="c", subcore_axis_name="s"),
        scratch_types=[
            pltpu.VMEM((_V,), jnp.float32),
            pltpu.VMEM((_HWORDS,), jnp.float32),
            pltpu.SemaphoreType.DMA,
        ],
        compiler_params=pltpu.CompilerParams(needs_layout_passes=False),
    )(_sc_body)
    return f(logits)

# --- scband reference (transcript-rebuilt; emitter-appended) ---
"""Pipeline reference for scband-terra-mind-generation-33655363731520 (READ-ONLY COPY).

The authoritative reference and input builder live on the scoring server;
editing this copy changes nothing except your own understanding.
"""

import jax, jax.numpy as jnp
import numpy as np

TEMP = 1.0
TOP_P = 0.8
TOP_K = 0  # 0 => disabled, matching TerraMindGeneration defaults
NEG_INF = -1e9


def setup_inputs(seed: int = 0) -> dict:
    key = jax.random.key(seed)
    logits = jax.random.normal(key, (64, 100000), dtype=jnp.float32)
    return {"logits": logits}


def reference(logits):
    # Faithful jax translation of the top-p / top-k filtered sampling head used by
    # TerraMindGeneration for each decoding step of a TiM output modality.
    scaled = logits / TEMP
    B, V = scaled.shape
    # sort descending
    order = jnp.argsort(-scaled, axis=-1)
    sorted_logits = jnp.take_along_axis(scaled, order, axis=-1)
    # optional top-k filtering (disabled when TOP_K == 0)
    if TOP_K > 0:
        rank = jnp.arange(V)[None, :]
        sorted_logits = jnp.where(rank >= TOP_K, NEG_INF, sorted_logits)
    # top-p (nucleus) filtering
    sorted_probs = jax.nn.softmax(sorted_logits, axis=-1)
    cum = jnp.cumsum(sorted_probs, axis=-1)
    remove = (cum - sorted_probs) > TOP_P  # keep tokens until cumulative prob exceeds top_p
    filtered_sorted = jnp.where(remove, NEG_INF, sorted_logits)
    # scatter filtered logits back to original vocabulary order
    rows = jnp.arange(B)[:, None]
    filtered = jnp.zeros_like(scaled).at[rows, order].set(filtered_sorted)
    # renormalized sampling distribution (categorical sampling draws from this)
    probs = jax.nn.softmax(filtered, axis=-1)
    return probs

if __name__ == "__main__":
    import jax
    _d = setup_inputs()
    print(jax.jit(kernel)(*tuple(_d.values())))

</pallas_src>

<mosaic_0001>
#map = affine_map<(d0, d1) -> (0, 0)>
module attributes {stable_mosaic.version = 14 : i64} {
  func.func @_sc_body(%arg0: i32, %arg1: i32, %arg2: memref<64x100000xf32, #tpu.memory_space<hbm>>, %arg3: memref<64x100000xf32, #tpu.memory_space<hbm>>, %arg4: memref<100000xf32, #tpu.memory_space<vmem>>, %arg5: memref<16384xf32, #tpu.memory_space<vmem>>, %arg6: memref<!tpu.dma_semaphore, #tpu.memory_space<semaphore_mem>>) attributes {dimension_semantics = [#tpu.dimension_semantics<core_parallel>, #tpu.dimension_semantics<subcore_parallel>], iteration_bounds = array<i64: 2, 16>, scalar_prefetch = 0 : i64, scratch_operands = 3 : i64, tpu.core_type = #tpu.core_type<sc_vector_subcore>, window_params = [{transform_indices = #map}, {transform_indices = #map}]} {
    %mul3A = arith.constant 2 : i32
    %mul3A_0 = arith.muli %arg1, %mul3A : i32
    %add3A = arith.addi %mul3A_0, %arg0 : i32
    %mul3A_1 = arith.constant 2 : i32
    %mul3A_2 = arith.muli %add3A, %mul3A_1 : i32
    %add3A_3 = arith.constant 0 : i32
    %add3A_4 = arith.addi %mul3A_2, %add3A_3 : i32
    %dma_start3A = arith.constant 0 : i32
    %dma_start3A_5 = tpu.memref_slice %arg2[%add3A_4, %dma_start3A] : memref<64x100000xf32, #tpu.memory_space<hbm>> -> memref<1x100000xf32, #tpu.memory_space<hbm>>
    %dma_start3A_6 = tpu.memref_squeeze %dma_start3A_5 : memref<1x100000xf32, #tpu.memory_space<hbm>> -> memref<100000xf32, #tpu.memory_space<hbm>>
    %dma_start3A_7 = arith.constant 0 : i32
    %dma_start3A_8 = tpu.memref_slice %arg2[%add3A_4, %dma_start3A_7] : memref<64x100000xf32, #tpu.memory_space<hbm>> -> memref<1x100000xf32, #tpu.memory_space<hbm>>
    %dma_start3A_9 = tpu.memref_squeeze %dma_start3A_8 : memref<1x100000xf32, #tpu.memory_space<hbm>> -> memref<100000xf32, #tpu.memory_space<hbm>>
    tpu.enqueue_dma source(%dma_start3A_9 : memref<100000xf32, #tpu.memory_space<hbm>>) target(%arg4 : memref<100000xf32, #tpu.memory_space<vmem>>) target_semaphore(%arg6 : memref<!tpu.dma_semaphore, #tpu.memory_space<semaphore_mem>>)
    %broadcast_in_dim3A = arith.constant 0.000000e+00 : f32
    %broadcast_in_dim3A_10 = vector.broadcast %broadcast_in_dim3A : f32 to vector<16xf32>
    %parallel_loop3A = arith.constant 0 : i32
    %parallel_loop3A_11 = arith.constant 16384 : i32
    %parallel_loop3A_12 = arith.constant 16 : i32
    scf.for %parallel_loop3A_252 = %parallel_loop3A to %parallel_loop3A_11 step %parallel_loop3A_12  : i32 {
      %parallel_loop3A_253 = arith.index_cast %parallel_loop3A_252 : i32 to index
      %parallel_loop3A_254 = tpu.vector_load %arg5[%parallel_loop3A_253] {strides = array<i32>} : memref<16384xf32, #tpu.memory_space<vmem>>, vector<16xf32>,
      tpu.vector_store %arg5[%parallel_loop3A_253], %broadcast_in_dim3A_10 {strides = array<i32>} : memref<16384xf32, #tpu.memory_space<vmem>>, vector<16xf32>,
    } {sc.loop_unroll_factor = 8 : i64, sc.parallel_access}
    %dma_wait3A = arith.constant 0 : i32
    %dma_wait3A_13 = tpu.memref_slice %arg2[%add3A_4, %dma_wait3A] : memref<64x100000xf32, #tpu.memory_space<hbm>> -> memref<1x100000xf32, #tpu.memory_space<hbm>>
    %dma_wait3A_14 = tpu.memref_squeeze %dma_wait3A_13 : memref<1x100000xf32, #tpu.memory_space<hbm>> -> memref<100000xf32, #tpu.memory_space<hbm>>
    %dma_wait3A_15 = arith.constant 0 : i32
    %dma_wait3A_16 = tpu.memref_slice %arg2[%add3A_4, %dma_wait3A_15] : memref<64x100000xf32, #tpu.memory_space<hbm>> -> memref<1x100000xf32, #tpu.memory_space<hbm>>
    %dma_wait3A_17 = tpu.memref_squeeze %dma_wait3A_16 : memref<1x100000xf32, #tpu.memory_space<hbm>> -> memref<100000xf32, #tpu.memory_space<hbm>>
    tpu.wait_dma2 semaphore(%arg6 : memref<!tpu.dma_semaphore, #tpu.memory_space<semaphore_mem>>) src(%dma_wait3A_17 : memref<100000xf32, #tpu.memory_space<hbm>>) dst(%arg4 : memref<100000xf32, #tpu.memory_space<vmem>>)
    %iota3A = tpu.iota {dimensions = array<i32: 0>} : vector<16xi32>
    %broadcast_in_dim3A_18 = arith.constant 0.000000e+00 : f32
    %broadcast_in_dim3A_19 = vector.broadcast %broadcast_in_dim3A_18 : f32 to vector<16xf32>
    %parallel_loop3A_20 = arith.constant 0 : i32
    %parallel_loop3A_21 = arith.constant 16384 : i32
    %parallel_loop3A_22 = arith.constant 16 : i32
    scf.for %parallel_loop3A_252 = %parallel_loop3A_20 to %parallel_loop3A_21 step %parallel_loop3A_22  : i32 {
      %parallel_loop3A_253 = arith.index_cast %parallel_loop3A_252 : i32 to index
      %parallel_loop3A_254 = tpu.vector_load %arg5[%parallel_loop3A_253] {strides = array<i32>} : memref<16384xf32, #tpu.memory_space<vmem>>, vector<16xf32>,
      tpu.vector_store %arg5[%parallel_loop3A_253], %broadcast_in_dim3A_19 {strides = array<i32>} : memref<16384xf32, #tpu.memory_space<vmem>>, vector<16xf32>,
    } {sc.loop_unroll_factor = 8 : i64, sc.parallel_access}
    %broadcast_in_dim3A_23 = arith.constant 0.000000e+00 : f32
    %broadcast_in_dim3A_24 = vector.broadcast %broadcast_in_dim3A_23 : f32 to vector<16xf32>
    %parallel_loop3A_25 = arith.constant 0 : i32
    %parallel_loop3A_26 = arith.constant 100000 : i32
    %parallel_loop3A_27 = arith.constant 16 : i32
    %parallel_loop3A_28 = scf.for %parallel_loop3A_252 = %parallel_loop3A_25 to %parallel_loop3A_26 step %parallel_loop3A_27 iter_args(%parallel_loop3A_253 = %broadcast_in_dim3A_24) -> (vector<16xf32>)  : i32 {
      %parallel_loop3A_254 = arith.index_cast %parallel_loop3A_252 : i32 to index
      %parallel_loop3A_255 = tpu.vector_load %arg4[%parallel_loop3A_254] {strides = array<i32>} : memref<100000xf32, #tpu.memory_space<vmem>>, vector<16xf32>,
      %parallel_loop3A_256 = arith.constant 8.000000e+00 : f32
      %parallel_loop3A_257 = vector.broadcast %parallel_loop3A_256 : f32 to vector<16xf32>
      %parallel_loop3A_258 = arith.minimumf %parallel_loop3A_255, %parallel_loop3A_257 : vector<16xf32>
      %parallel_loop3A_259 = arith.constant 8.000000e+00 : f32
      %parallel_loop3A_260 = vector.broadcast %parallel_loop3A_259 : f32 to vector<16xf32>
      %parallel_loop3A_261 = arith.subf %parallel_loop3A_258, %parallel_loop3A_260 : vector<16xf32>
      %parallel_loop3A_262 = math.exp %parallel_loop3A_261 : vector<16xf32>
      %parallel_loop3A_263 = arith.index_cast %parallel_loop3A_252 : i32 to index
      %parallel_loop3A_264 = tpu.vector_load %arg4[%parallel_loop3A_263] {strides = array<i32>} : memref<100000xf32, #tpu.memory_space<vmem>>, vector<16xf32>,
      tpu.vector_store %arg4[%parallel_loop3A_263], %parallel_loop3A_262 {strides = array<i32>} : memref<100000xf32, #tpu.memory_space<vmem>>, vector<16xf32>,
      %parallel_loop3A_265 = vector.bitcast %parallel_loop3A_262 : vector<16xf32> to vector<16xi32>
      %parallel_loop3A_266 = arith.constant 16 : i32
      %parallel_loop3A_267 = vector.broadcast %parallel_loop3A_266 : i32 to vector<16xi32>
      %parallel_loop3A_268 = arith.shrsi %parallel_loop3A_265, %parallel_loop3A_267 : vector<16xi32>
      %parallel_loop3A_269 = arith.constant 65520 : i32
      %parallel_loop3A_270 = vector.broadcast %parallel_loop3A_269 : i32 to vector<16xi32>
      %parallel_loop3A_271 = arith.andi %parallel_loop3A_268, %parallel_loop3A_270 : vector<16xi32>
      %parallel_loop3A_272 = arith.ori %parallel_loop3A_271, %iota3A : vector<16xi32>
      tpu.vector_store_idx %arg5[%parallel_loop3A_272], %parallel_loop3A_262 {add = true} : memref<16384xf32, #tpu.memory_space<vmem>>[vector<16xi32>], vector<16xf32>,
      %parallel_loop3A_273 = arith.addf %parallel_loop3A_253, %parallel_loop3A_262 : vector<16xf32>
      scf.yield %parallel_loop3A_273 : vector<16xf32>
    } {sc.loop_unroll_factor = 10 : i64, sc.parallel_access}
    %reduce_sum3A = arith.constant true
    %reduce_sum3A_29 = vector.broadcast %reduce_sum3A : i1 to vector<16xi1>
    %reduce_sum3A_30 = tpu.scan <sum>, %parallel_loop3A_28 masked %reduce_sum3A_29 : vector<16xf32>, vector<16xi1> -> vector<16xf32>
    %reduce_sum3A_31 = vector.extract %reduce_sum3A_30[15] : f32 from vector<16xf32>
    %mul3A_32 = arith.constant 8.000000e-01 : f32
    %mul3A_33 = arith.mulf %mul3A_32, %reduce_sum3A_31 : f32
    %while3A = arith.constant 63 : i32
    %while3A_34 = arith.constant 0.000000e+00 : f32
    %while3A_35 = arith.constant false
    %while3A_36:3 = scf.while (%while3A_252 = %while3A, %while3A_253 = %while3A_34, %while3A_254 = %while3A_35) : (i32, f32, i1) -> (i32, f32, i1) {
      %not3A = arith.constant true
      %not3A_255 = arith.xori %while3A_254, %not3A : i1
      scf.condition(%not3A_255) %while3A_252, %while3A_253, %while3A_254 : i32, f32, i1
    } do {
    ^bb0(%while3A_252: i32, %while3A_253: f32, %while3A_254: i1):
      %mul3A_255 = arith.constant 256 : i32
      %mul3A_256 = arith.muli %while3A_252, %mul3A_255 : i32
      %get3A = arith.index_cast %mul3A_256 : i32 to index
      %get3A_257 = tpu.vector_load %arg5[%get3A] {strides = array<i32>} : memref<16384xf32, #tpu.memory_space<vmem>>, vector<16xf32>,
      %mul3A_258 = arith.constant 256 : i32
      %mul3A_259 = arith.muli %while3A_252, %mul3A_258 : i32
      %add3A_260 = arith.constant 16 : i32
      %add3A_261 = arith.addi %mul3A_259, %add3A_260 : i32
      %get3A_262 = arith.index_cast %add3A_261 : i32 to index
      %get3A_263 = tpu.vector_load %arg5[%get3A_262] {strides = array<i32>} : memref<16384xf32, #tpu.memory_space<vmem>>, vector<16xf32>,
      %add3A_264 = arith.addf %get3A_257, %get3A_263 : vector<16xf32>
      %mul3A_265 = arith.constant 256 : i32
      %mul3A_266 = arith.muli %while3A_252, %mul3A_265 : i32
      %add3A_267 = arith.constant 32 : i32
      %add3A_268 = arith.addi %mul3A_266, %add3A_267 : i32
      %get3A_269 = arith.index_cast %add3A_268 : i32 to index
      %get3A_270 = tpu.vector_load %arg5[%get3A_269] {strides = array<i32>} : memref<16384xf32, #tpu.memory_space<vmem>>, vector<16xf32>,
      %add3A_271 = arith.addf %add3A_264, %get3A_270 : vector<16xf32>
      %mul3A_272 = arith.constant 256 : i32
      %mul3A_273 = arith.muli %while3A_252, %mul3A_272 : i32
      %add3A_274 = arith.constant 48 : i32
      %add3A_275 = arith.addi %mul3A_273, %add3A_274 : i32
      %get3A_276 = arith.index_cast %add3A_275 : i32 to index
      %get3A_277 = tpu.vector_load %arg5[%get3A_276] {strides = array<i32>} : memref<16384xf32, #tpu.memory_space<vmem>>, vector<16xf32>,
      %add3A_278 = arith.addf %add3A_271, %get3A_277 : vector<16xf32>
      %mul3A_279 = arith.constant 256 : i32
      %mul3A_280 = arith.muli %while3A_252, %mul3A_279 : i32
      %add3A_281 = arith.constant 64 : i32
      %add3A_282 = arith.addi %mul3A_280, %add3A_281 : i32
      %get3A_283 = arith.index_cast %add3A_282 : i32 to index
      %get3A_284 = tpu.vector_load %arg5[%get3A_283] {strides = array<i32>} : memref<16384xf32, #tpu.memory_space<vmem>>, vector<16xf32>,
      %add3A_285 = arith.addf %add3A_278, %get3A_284 : vector<16xf32>
      %mul3A_286 = arith.constant 256 : i32
      %mul3A_287 = arith.muli %while3A_252, %mul3A_286 : i32
      %add3A_288 = arith.constant 80 : i32
      %add3A_289 = arith.addi %mul3A_287, %add3A_288 : i32
      %get3A_290 = arith.index_cast %add3A_289 : i32 to index
      %get3A_291 = tpu.vector_load %arg5[%get3A_290] {strides = array<i32>} : memref<16384xf32, #tpu.memory_space<vmem>>, vector<16xf32>,
      %add3A_292 = arith.addf %add3A_285, %get3A_291 : vector<16xf32>
      %mul3A_293 = arith.constant 256 : i32
      %mul3A_294 = arith.muli %while3A_252, %mul3A_293 : i32
      %add3A_295 = arith.constant 96 : i32
      %add3A_296 = arith.addi %mul3A_294, %add3A_295 : i32
      %get3A_297 = arith.index_cast %add3A_296 : i32 to index
      %get3A_298 = tpu.vector_load %arg5[%get3A_297] {strides = array<i32>} : memref<16384xf32, #tpu.memory_space<vmem>>, vector<16xf32>,
      %add3A_299 = arith.addf %add3A_292, %get3A_298 : vector<16xf32>
      %mul3A_300 = arith.constant 256 : i32
      %mul3A_301 = arith.muli %while3A_252, %mul3A_300 : i32
      %add3A_302 = arith.constant 112 : i32
      %add3A_303 = arith.addi %mul3A_301, %add3A_302 : i32
      %get3A_304 = arith.index_cast %add3A_303 : i32 to index
      %get3A_305 = tpu.vector_load %arg5[%get3A_304] {strides = array<i32>} : memref<16384xf32, #tpu.memory_space<vmem>>, vector<16xf32>,
      %add3A_306 = arith.addf %add3A_299, %get3A_305 : vector<16xf32>
      %mul3A_307 = arith.constant 256 : i32
      %mul3A_308 = arith.muli %while3A_252, %mul3A_307 : i32
      %add3A_309 = arith.constant 128 : i32
      %add3A_310 = arith.addi %mul3A_308, %add3A_309 : i32
      %get3A_311 = arith.index_cast %add3A_310 : i32 to index
      %get3A_312 = tpu.vector_load %arg5[%get3A_311] {strides = array<i32>} : memref<16384xf32, #tpu.memory_space<vmem>>, vector<16xf32>,
      %add3A_313 = arith.addf %add3A_306, %get3A_312 : vector<16xf32>
      %mul3A_314 = arith.constant 256 : i32
      %mul3A_315 = arith.muli %while3A_252, %mul3A_314 : i32
      %add3A_316 = arith.constant 144 : i32
      %add3A_317 = arith.addi %mul3A_315, %add3A_316 : i32
      %get3A_318 = arith.index_cast %add3A_317 : i32 to index
      %get3A_319 = tpu.vector_load %arg5[%get3A_318] {strides = array<i32>} : memref<16384xf32, #tpu.memory_space<vmem>>, vector<16xf32>,
      %add3A_320 = arith.addf %add3A_313, %get3A_319 : vector<16xf32>
      %mul3A_321 = arith.constant 256 : i32
      %mul3A_322 = arith.muli %while3A_252, %mul3A_321 : i32
      %add3A_323 = arith.constant 160 : i32
      %add3A_324 = arith.addi %mul3A_322, %add3A_323 : i32
      %get3A_325 = arith.index_cast %add3A_324 : i32 to index
      %get3A_326 = tpu.vector_load %arg5[%get3A_325] {strides = array<i32>} : memref<16384xf32, #tpu.memory_space<vmem>>, vector<16xf32>,
      %add3A_327 = arith.addf %add3A_320, %get3A_326 : vector<16xf32>
      %mul3A_328 = arith.constant 256 : i32
      %mul3A_329 = arith.muli %while3A_252, %mul3A_328 : i32
      %add3A_330 = arith.constant 176 : i32
      %add3A_331 = arith.addi %mul3A_329, %add3A_330 : i32
      %get3A_332 = arith.index_cast %add3A_331 : i32 to index
      %get3A_333 = tpu.vector_load %arg5[%get3A_332] {strides = array<i32>} : memref<16384xf32, #tpu.memory_space<vmem>>, vector<16xf32>,
      %add3A_334 = arith.addf %add3A_327, %get3A_333 : vector<16xf32>
      %mul3A_335 = arith.constant 256 : i32
      %mul3A_336 = arith.muli %while3A_252, %mul3A_335 : i32
      %add3A_337 = arith.constant 192 : i32
      %add3A_338 = arith.addi %mul3A_336, %add3A_337 : i32
      %get3A_339 = arith.index_cast %add3A_338 : i32 to index
      %get3A_340 = tpu.vector_load %arg5[%get3A_339] {strides = array<i32>} : memref<16384xf32, #tpu.memory_space<vmem>>, vector<16xf32>,
      %add3A_341 = arith.addf %add3A_334, %get3A_340 : vector<16xf32>
      %mul3A_342 = arith.constant 256 : i32
      %mul3A_343 = arith.muli %while3A_252, %mul3A_342 : i32
      %add3A_344 = arith.constant 208 : i32
      %add3A_345 = arith.addi %mul3A_343, %add3A_344 : i32
      %get3A_346 = arith.index_cast %add3A_345 : i32 to index
      %get3A_347 = tpu.vector_load %arg5[%get3A_346] {strides = array<i32>} : memref<16384xf32, #tpu.memory_space<vmem>>, vector<16xf32>,
      %add3A_348 = arith.addf %add3A_341, %get3A_347 : vector<16xf32>
      %mul3A_349 = arith.constant 256 : i32
      %mul3A_350 = arith.muli %while3A_252, %mul3A_349 : i32
      %add3A_351 = arith.constant 224 : i32
      %add3A_352 = arith.addi %mul3A_350, %add3A_351 : i32
      %get3A_353 = arith.index_cast %add3A_352 : i32 to index
      %get3A_354 = tpu.vector_load %arg5[%get3A_353] {strides = array<i32>} : memref<16384xf32, #tpu.memory_space<vmem>>, vector<16xf32>,
      %add3A_355 = arith.addf %add3A_348, %get3A_354 : vector<16xf32>
      %mul3A_356 = arith.constant 256 : i32
      %mul3A_357 = arith.muli %while3A_252, %mul3A_356 : i32
      %add3A_358 = arith.constant 240 : i32
      %add3A_359 = arith.addi %mul3A_357, %add3A_358 : i32
      %get3A_360 = arith.index_cast %add3A_359 : i32 to index
      %get3A_361 = tpu.vector_load %arg5[%get3A_360] {strides = array<i32>} : memref<16384xf32, #tpu.memory_space<vmem>>, vector<16xf32>,
      %add3A_362 = arith.addf %add3A_355, %get3A_361 : vector<16xf32>
      %reduce_sum3A_363 = arith.constant true
      %reduce_sum3A_364 = vector.broadcast %reduce_sum3A_363 : i1 to vector<16xi1>
      %reduce_sum3A_365 = tpu.scan <sum>, %add3A_362 masked %reduce_sum3A_364 : vector<16xf32>, vector<16xi1> -> vector<16xf32>
      %reduce_sum3A_366 = vector.extract %reduce_sum3A_365[15] : f32 from vector<16xf32>
      %add3A_367 = arith.addf %while3A_253, %reduce_sum3A_366 : f32
      %gt3A = arith.cmpf ogt, %add3A_367, %mul3A_33 : f32
      %eq3A = arith.constant 0 : i32
      %eq3A_368 = arith.cmpi eq, %while3A_252, %eq3A : i32
      %or3A_369 = arith.ori %gt3A, %eq3A_368 : i1
      %sub3A_370 = arith.constant 1 : i32
      %sub3A_371 = arith.subi %while3A_252, %sub3A_370 : i32
      %select_n3A = arith.select %or3A_369, %while3A_252, %sub3A_371 : i32
      %select_n3A_372 = arith.select %or3A_369, %while3A_253, %add3A_367 : f32
      scf.yield %select_n3A, %select_n3A_372, %or3A_369 : i32, f32, i1
    }
    %while3A_37 = arith.constant 15 : i32
    %while3A_38 = arith.constant 0.000000e+00 : f32
    %while3A_39 = arith.constant false
    %while3A_40:4 = scf.while (%while3A_252 = %while3A_37, %while3A_253 = %while3A_36#1, %while3A_254 = %while3A_38, %while3A_255 = %while3A_39) : (i32, f32, f32, i1) -> (i32, f32, f32, i1) {
      %not3A = arith.constant true
      %not3A_256 = arith.xori %while3A_255, %not3A : i1
      scf.condition(%not3A_256) %while3A_252, %while3A_253, %while3A_254, %while3A_255 : i32, f32, f32, i1
    } do {
    ^bb0(%while3A_252: i32, %while3A_253: f32, %while3A_254: f32, %while3A_255: i1):
      %mul3A_256 = arith.constant 16 : i32
      %mul3A_257 = arith.muli %while3A_36#0, %mul3A_256 : i32
      %add3A_258 = arith.addi %mul3A_257, %while3A_252 : i32
      %mul3A_259 = arith.constant 16 : i32
      %mul3A_260 = arith.muli %add3A_258, %mul3A_259 : i32
      %get3A = arith.index_cast %mul3A_260 : i32 to index
      %get3A_261 = tpu.vector_load %arg5[%get3A] {strides = array<i32>} : memref<16384xf32, #tpu.memory_space<vmem>>, vector<16xf32>,
      %reduce_sum3A_262 = arith.constant true
      %reduce_sum3A_263 = vector.broadcast %reduce_sum3A_262 : i1 to vector<16xi1>
      %reduce_sum3A_264 = tpu.scan <sum>, %get3A_261 masked %reduce_sum3A_263 : vector<16xf32>, vector<16xi1> -> vector<16xf32>
      %reduce_sum3A_265 = vector.extract %reduce_sum3A_264[15] : f32 from vector<16xf32>
      %add3A_266 = arith.addf %while3A_253, %reduce_sum3A_265 : f32
      %gt3A = arith.cmpf ogt, %add3A_266, %mul3A_33 : f32
      %eq3A = arith.constant 0 : i32
      %eq3A_267 = arith.cmpi eq, %while3A_252, %eq3A : i32
      %or3A_268 = arith.ori %gt3A, %eq3A_267 : i1
      %sub3A_269 = arith.constant 1 : i32
      %sub3A_270 = arith.subi %while3A_252, %sub3A_269 : i32
      %select_n3A = arith.select %or3A_268, %while3A_252, %sub3A_270 : i32
      %add3A_271 = arith.addf %while3A_253, %reduce_sum3A_265 : f32
      %select_n3A_272 = arith.select %or3A_268, %while3A_253, %add3A_271 : f32
      scf.yield %select_n3A, %select_n3A_272, %reduce_sum3A_265, %or3A_268 : i32, f32, f32, i1
    }
    %mul3A_41 = arith.constant 16 : i32
    %mul3A_42 = arith.muli %while3A_36#0, %mul3A_41 : i32
    %add3A_43 = arith.addi %mul3A_42, %while3A_40#0 : i32
    %sub3A = arith.subf %mul3A_33, %while3A_40#1 : f32
    %broadcast_in_dim3A_44 = arith.constant 0.000000e+00 : f32
    %broadcast_in_dim3A_45 = vector.broadcast %broadcast_in_dim3A_44 : f32 to vector<16xf32>
    %parallel_loop3A_46 = arith.constant 0 : i32
    %parallel_loop3A_47 = arith.constant 16384 : i32
    %parallel_loop3A_48 = arith.constant 16 : i32
    scf.for %parallel_loop3A_252 = %parallel_loop3A_46 to %parallel_loop3A_47 step %parallel_loop3A_48  : i32 {
      %parallel_loop3A_253 = arith.index_cast %parallel_loop3A_252 : i32 to index
      %parallel_loop3A_254 = tpu.vector_load %arg5[%parallel_loop3A_253] {strides = array<i32>} : memref<16384xf32, #tpu.memory_space<vmem>>, vector<16xf32>,
      tpu.vector_store %arg5[%parallel_loop3A_253], %broadcast_in_dim3A_45 {strides = array<i32>} : memref<16384xf32, #tpu.memory_space<vmem>>, vector<16xf32>,
    } {sc.loop_unroll_factor = 8 : i64, sc.parallel_access}
    %parallel_loop3A_49 = arith.constant 0 : i32
    %parallel_loop3A_50 = arith.constant 100000 : i32
    %parallel_loop3A_51 = arith.constant 16 : i32
    scf.for %parallel_loop3A_252 = %parallel_loop3A_49 to %parallel_loop3A_50 step %parallel_loop3A_51  : i32 {
      %parallel_loop3A_253 = arith.index_cast %parallel_loop3A_252 : i32 to index
      %parallel_loop3A_254 = tpu.vector_load %arg4[%parallel_loop3A_253] {strides = array<i32>} : memref<100000xf32, #tpu.memory_space<vmem>>, vector<16xf32>,
      %parallel_loop3A_255 = vector.bitcast %parallel_loop3A_254 : vector<16xf32> to vector<16xi32>
      %parallel_loop3A_256 = arith.constant 20 : i32
      %parallel_loop3A_257 = vector.broadcast %parallel_loop3A_256 : i32 to vector<16xi32>
      %parallel_loop3A_258 = arith.shrsi %parallel_loop3A_255, %parallel_loop3A_257 : vector<16xi32>
      %parallel_loop3A_259 = vector.broadcast %add3A_43 : i32 to vector<16xi32>
      %parallel_loop3A_260 = arith.cmpi eq, %parallel_loop3A_258, %parallel_loop3A_259 : vector<16xi32>
      %parallel_loop3A_261 = arith.constant 6 : i32
      %parallel_loop3A_262 = vector.broadcast %parallel_loop3A_261 : i32 to vector<16xi32>
      %parallel_loop3A_263 = arith.shrsi %parallel_loop3A_255, %parallel_loop3A_262 : vector<16xi32>
      %parallel_loop3A_264 = arith.constant 16368 : i32
      %parallel_loop3A_265 = vector.broadcast %parallel_loop3A_264 : i32 to vector<16xi32>
      %parallel_loop3A_266 = arith.andi %parallel_loop3A_263, %parallel_loop3A_265 : vector<16xi32>
      %parallel_loop3A_267 = arith.ori %parallel_loop3A_266, %iota3A : vector<16xi32>
      tpu.vector_store_idx %arg5[%parallel_loop3A_267], %parallel_loop3A_254 masked %parallel_loop3A_260 {add = true} : memref<16384xf32, #tpu.memory_space<vmem>>[vector<16xi32>], vector<16xf32>, vector<16xi1>
    } {sc.loop_unroll_factor = 10 : i64, sc.parallel_access}
    %while3A_52 = arith.constant 63 : i32
    %while3A_53 = arith.constant 0.000000e+00 : f32
    %while3A_54 = arith.constant false
    %while3A_55:3 = scf.while (%while3A_252 = %while3A_52, %while3A_253 = %while3A_53, %while3A_254 = %while3A_54) : (i32, f32, i1) -> (i32, f32, i1) {
      %not3A = arith.constant true
      %not3A_255 = arith.xori %while3A_254, %not3A : i1
      scf.condition(%not3A_255) %while3A_252, %while3A_253, %while3A_254 : i32, f32, i1
    } do {
    ^bb0(%while3A_252: i32, %while3A_253: f32, %while3A_254: i1):
      %mul3A_255 = arith.constant 256 : i32
      %mul3A_256 = arith.muli %while3A_252, %mul3A_255 : i32
      %get3A = arith.index_cast %mul3A_256 : i32 to index
      %get3A_257 = tpu.vector_load %arg5[%get3A] {strides = array<i32>} : memref<16384xf32, #tpu.memory_space<vmem>>, vector<16xf32>,
      %mul3A_258 = arith.constant 256 : i32
      %mul3A_259 = arith.muli %while3A_252, %mul3A_258 : i32
      %add3A_260 = arith.constant 16 : i32
      %add3A_261 = arith.addi %mul3A_259, %add3A_260 : i32
      %get3A_262 = arith.index_cast %add3A_261 : i32 to index
      %get3A_263 = tpu.vector_load %arg5[%get3A_262] {strides = array<i32>} : memref<16384xf32, #tpu.memory_space<vmem>>, vector<16xf32>,
      %add3A_264 = arith.addf %get3A_257, %get3A_263 : vector<16xf32>
      %mul3A_265 = arith.constant 256 : i32
      %mul3A_266 = arith.muli %while3A_252, %mul3A_265 : i32
      %add3A_267 = arith.constant 32 : i32
      %add3A_268 = arith.addi %mul3A_266, %add3A_267 : i32
      %get3A_269 = arith.index_cast %add3A_268 : i32 to index
      %get3A_270 = tpu.vector_load %arg5[%get3A_269] {strides = array<i32>} : memref<16384xf32, #tpu.memory_space<vmem>>, vector<16xf32>,
      %add3A_271 = arith.addf %add3A_264, %get3A_270 : vector<16xf32>
      %mul3A_272 = arith.constant 256 : i32
      %mul3A_273 = arith.muli %while3A_252, %mul3A_272 : i32
      %add3A_274 = arith.constant 48 : i32
      %add3A_275 = arith.addi %mul3A_273, %add3A_274 : i32
      %get3A_276 = arith.index_cast %add3A_275 : i32 to index
      %get3A_277 = tpu.vector_load %arg5[%get3A_276] {strides = array<i32>} : memref<16384xf32, #tpu.memory_space<vmem>>, vector<16xf32>,
      %add3A_278 = arith.addf %add3A_271, %get3A_277 : vector<16xf32>
      %mul3A_279 = arith.constant 256 : i32
      %mul3A_280 = arith.muli %while3A_252, %mul3A_279 : i32
      %add3A_281 = arith.constant 64 : i32
      %add3A_282 = arith.addi %mul3A_280, %add3A_281 : i32
      %get3A_283 = arith.index_cast %add3A_282 : i32 to index
      %get3A_284 = tpu.vector_load %arg5[%get3A_283] {strides = array<i32>} : memref<16384xf32, #tpu.memory_space<vmem>>, vector<16xf32>,
      %add3A_285 = arith.addf %add3A_278, %get3A_284 : vector<16xf32>
      %mul3A_286 = arith.constant 256 : i32
      %mul3A_287 = arith.muli %while3A_252, %mul3A_286 : i32
      %add3A_288 = arith.constant 80 : i32
      %add3A_289 = arith.addi %mul3A_287, %add3A_288 : i32
      %get3A_290 = arith.index_cast %add3A_289 : i32 to index
      %get3A_291 = tpu.vector_load %arg5[%get3A_290] {strides = array<i32>} : memref<16384xf32, #tpu.memory_space<vmem>>, vector<16xf32>,
      %add3A_292 = arith.addf %add3A_285, %get3A_291 : vector<16xf32>
      %mul3A_293 = arith.constant 256 : i32
      %mul3A_294 = arith.muli %while3A_252, %mul3A_293 : i32
      %add3A_295 = arith.constant 96 : i32
      %add3A_296 = arith.addi %mul3A_294, %add3A_295 : i32
      %get3A_297 = arith.index_cast %add3A_296 : i32 to index
      %get3A_298 = tpu.vector_load %arg5[%get3A_297] {strides = array<i32>} : memref<16384xf32, #tpu.memory_space<vmem>>, vector<16xf32>,
      %add3A_299 = arith.addf %add3A_292, %get3A_298 : vector<16xf32>
      %mul3A_300 = arith.constant 256 : i32
      %mul3A_301 = arith.muli %while3A_252, %mul3A_300 : i32
      %add3A_302 = arith.constant 112 : i32
      %add3A_303 = arith.addi %mul3A_301, %add3A_302 : i32
      %get3A_304 = arith.index_cast %add3A_303 : i32 to index
      %get3A_305 = tpu.vector_load %arg5[%get3A_304] {strides = array<i32>} : memref<16384xf32, #tpu.memory_space<vmem>>, vector<16xf32>,
      %add3A_306 = arith.addf %add3A_299, %get3A_305 : vector<16xf32>
      %mul3A_307 = arith.constant 256 : i32
      %mul3A_308 = arith.muli %while3A_252, %mul3A_307 : i32
      %add3A_309 = arith.constant 128 : i32
      %add3A_310 = arith.addi %mul3A_308, %add3A_309 : i32
      %get3A_311 = arith.index_cast %add3A_310 : i32 to index
      %get3A_312 = tpu.vector_load %arg5[%get3A_311] {strides = array<i32>} : memref<16384xf32, #tpu.memory_space<vmem>>, vector<16xf32>,
      %add3A_313 = arith.addf %add3A_306, %get3A_312 : vector<16xf32>
      %mul3A_314 = arith.constant 256 : i32
      %mul3A_315 = arith.muli %while3A_252, %mul3A_314 : i32
      %add3A_316 = arith.constant 144 : i32
      %add3A_317 = arith.addi %mul3A_315, %add3A_316 : i32
      %get3A_318 = arith.index_cast %add3A_317 : i32 to index
      %get3A_319 = tpu.vector_load %arg5[%get3A_318] {strides = array<i32>} : memref<16384xf32, #tpu.memory_space<vmem>>, vector<16xf32>,
      %add3A_320 = arith.addf %add3A_313, %get3A_319 : vector<16xf32>
      %mul3A_321 = arith.constant 256 : i32
      %mul3A_322 = arith.muli %while3A_252, %mul3A_321 : i32
      %add3A_323 = arith.constant 160 : i32
      %add3A_324 = arith.addi %mul3A_322, %add3A_323 : i32
      %get3A_325 = arith.index_cast %add3A_324 : i32 to index
      %get3A_326 = tpu.vector_load %arg5[%get3A_325] {strides = array<i32>} : memref<16384xf32, #tpu.memory_space<vmem>>, vector<16xf32>,
      %add3A_327 = arith.addf %add3A_320, %get3A_326 : vector<16xf32>
      %mul3A_328 = arith.constant 256 : i32
      %mul3A_329 = arith.muli %while3A_252, %mul3A_328 : i32
      %add3A_330 = arith.constant 176 : i32
      %add3A_331 = arith.addi %mul3A_329, %add3A_330 : i32
      %get3A_332 = arith.index_cast %add3A_331 : i32 to index
      %get3A_333 = tpu.vector_load %arg5[%get3A_332] {strides = array<i32>} : memref<16384xf32, #tpu.memory_space<vmem>>, vector<16xf32>,
      %add3A_334 = arith.addf %add3A_327, %get3A_333 : vector<16xf32>
      %mul3A_335 = arith.constant 256 : i32
      %mul3A_336 = arith.muli %while3A_252, %mul3A_335 : i32
      %add3A_337 = arith.constant 192 : i32
      %add3A_338 = arith.addi %mul3A_336, %add3A_337 : i32
      %get3A_339 = arith.index_cast %add3A_338 : i32 to index
      %get3A_340 = tpu.vector_load %arg5[%get3A_339] {strides = array<i32>} : memref<16384xf32, #tpu.memory_space<vmem>>, vector<16xf32>,
      %add3A_341 = arith.addf %add3A_334, %get3A_340 : vector<16xf32>
      %mul3A_342 = arith.constant 256 : i32
      %mul3A_343 = arith.muli %while3A_252, %mul3A_342 : i32
      %add3A_344 = arith.constant 208 : i32
      %add3A_345 = arith.addi %mul3A_343, %add3A_344 : i32
      %get3A_346 = arith.index_cast %add3A_345 : i32 to index
      %get3A_347 = tpu.vector_load %arg5[%get3A_346] {strides = array<i32>} : memref<16384xf32, #tpu.memory_space<vmem>>, vector<16xf32>,
      %add3A_348 = arith.addf %add3A_341, %get3A_347 : vector<16xf32>
      %mul3A_349 = arith.constant 256 : i32
      %mul3A_350 = arith.muli %while3A_252, %mul3A_349 : i32
      %add3A_351 = arith.constant 224 : i32
      %add3A_352 = arith.addi %mul3A_350, %add3A_351 : i32
      %get3A_353 = arith.index_cast %add3A_352 : i32 to index
      %get3A_354 = tpu.vector_load %arg5[%get3A_353] {strides = array<i32>} : memref<16384xf32, #tpu.memory_space<vmem>>, vector<16xf32>,
      %add3A_355 = arith.addf %add3A_348, %get3A_354 : vector<16xf32>
      %mul3A_356 = arith.constant 256 : i32
      %mul3A_357 = arith.muli %while3A_252, %mul3A_356 : i32
      %add3A_358 = arith.constant 240 : i32
      %add3A_359 = arith.addi %mul3A_357, %add3A_358 : i32
      %get3A_360 = arith.index_cast %add3A_359 : i32 to index
      %get3A_361 = tpu.vector_load %arg5[%get3A_360] {strides = array<i32>} : memref<16384xf32, #tpu.memory_space<vmem>>, vector<16xf32>,
      %add3A_362 = arith.addf %add3A_355, %get3A_361 : vector<16xf32>
      %reduce_sum3A_363 = arith.constant true
      %reduce_sum3A_364 = vector.broadcast %reduce_sum3A_363 : i1 to vector<16xi1>
      %reduce_sum3A_365 = tpu.scan <sum>, %add3A_362 masked %reduce_sum3A_364 : vector<16xf32>, vector<16xi1> -> vector<16xf32>
      %reduce_sum3A_366 = vector.extract %reduce_sum3A_365[15] : f32 from vector<16xf32>
      %add3A_367 = arith.addf %while3A_253, %reduce_sum3A_366 : f32
      %gt3A = arith.cmpf ogt, %add3A_367, %sub3A : f32
      %eq3A = arith.constant 0 : i32
      %eq3A_368 = arith.cmpi eq, %while3A_252, %eq3A : i32
      %or3A_369 = arith.ori %gt3A, %eq3A_368 : i1
      %sub3A_370 = arith.constant 1 : i32
      %sub3A_371 = arith.subi %while3A_252, %sub3A_370 : i32
      %select_n3A = arith.select %or3A_369, %while3A_252, %sub3A_371 : i32
      %select_n3A_372 = arith.select %or3A_369, %while3A_253, %add3A_367 : f32
      scf.yield %select_n3A, %select_n3A_372, %or3A_369 : i32, f32, i1
    }
    %while3A_56 = arith.constant 15 : i32
    %while3A_57 = arith.constant 0.000000e+00 : f32
    %while3A_58 = arith.constant false
    %while3A_59:4 = scf.while (%while3A_252 = %while3A_56, %while3A_253 = %while3A_55#1, %while3A_254 = %while3A_57, %while3A_255 = %while3A_58) : (i32, f32, f32, i1) -> (i32, f32, f32, i1) {
      %not3A = arith.constant true
      %not3A_256 = arith.xori %while3A_255, %not3A : i1
      scf.condition(%not3A_256) %while3A_252, %while3A_253, %while3A_254, %while3A_255 : i32, f32, f32, i1
    } do {
    ^bb0(%while3A_252: i32, %while3A_253: f32, %while3A_254: f32, %while3A_255: i1):
      %mul3A_256 = arith.constant 16 : i32
      %mul3A_257 = arith.muli %while3A_55#0, %mul3A_256 : i32
      %add3A_258 = arith.addi %mul3A_257, %while3A_252 : i32
      %mul3A_259 = arith.constant 16 : i32
      %mul3A_260 = arith.muli %add3A_258, %mul3A_259 : i32
      %get3A = arith.index_cast %mul3A_260 : i32 to index
      %get3A_261 = tpu.vector_load %arg5[%get3A] {strides = array<i32>} : memref<16384xf32, #tpu.memory_space<vmem>>, vector<16xf32>,
      %reduce_sum3A_262 = arith.constant true
      %reduce_sum3A_263 = vector.broadcast %reduce_sum3A_262 : i1 to vector<16xi1>
      %reduce_sum3A_264 = tpu.scan <sum>, %get3A_261 masked %reduce_sum3A_263 : vector<16xf32>, vector<16xi1> -> vector<16xf32>
      %reduce_sum3A_265 = vector.extract %reduce_sum3A_264[15] : f32 from vector<16xf32>
      %add3A_266 = arith.addf %while3A_253, %reduce_sum3A_265 : f32
      %gt3A = arith.cmpf ogt, %add3A_266, %sub3A : f32
      %eq3A = arith.constant 0 : i32
      %eq3A_267 = arith.cmpi eq, %while3A_252, %eq3A : i32
      %or3A_268 = arith.ori %gt3A, %eq3A_267 : i1
      %sub3A_269 = arith.constant 1 : i32
      %sub3A_270 = arith.subi %while3A_252, %sub3A_269 : i32
      %select_n3A = arith.select %or3A_268, %while3A_252, %sub3A_270 : i32
      %add3A_271 = arith.addf %while3A_253, %reduce_sum3A_265 : f32
      %select_n3A_272 = arith.select %or3A_268, %while3A_253, %add3A_271 : f32
      scf.yield %select_n3A, %select_n3A_272, %reduce_sum3A_265, %or3A_268 : i32, f32, f32, i1
    }
    %mul3A_60 = arith.constant 16 : i32
    %mul3A_61 = arith.muli %while3A_55#0, %mul3A_60 : i32
    %add3A_62 = arith.addi %mul3A_61, %while3A_59#0 : i32
    %sub3A_63 = arith.subf %sub3A, %while3A_59#1 : f32
    %broadcast_in_dim3A_64 = arith.constant 0.000000e+00 : f32
    %broadcast_in_dim3A_65 = vector.broadcast %broadcast_in_dim3A_64 : f32 to vector<16xf32>
    %parallel_loop3A_66 = arith.constant 0 : i32
    %parallel_loop3A_67 = arith.constant 16384 : i32
    %parallel_loop3A_68 = arith.constant 16 : i32
    scf.for %parallel_loop3A_252 = %parallel_loop3A_66 to %parallel_loop3A_67 step %parallel_loop3A_68  : i32 {
      %parallel_loop3A_253 = arith.index_cast %parallel_loop3A_252 : i32 to index
      %parallel_loop3A_254 = tpu.vector_load %arg5[%parallel_loop3A_253] {strides = array<i32>} : memref<16384xf32, #tpu.memory_space<vmem>>, vector<16xf32>,
      tpu.vector_store %arg5[%parallel_loop3A_253], %broadcast_in_dim3A_65 {strides = array<i32>} : memref<16384xf32, #tpu.memory_space<vmem>>, vector<16xf32>,
    } {sc.loop_unroll_factor = 8 : i64, sc.parallel_access}
    %mul3A_69 = arith.constant 1024 : i32
    %mul3A_70 = arith.muli %add3A_43, %mul3A_69 : i32
    %add3A_71 = arith.addi %mul3A_70, %add3A_62 : i32
    %parallel_loop3A_72 = arith.constant 0 : i32
    %parallel_loop3A_73 = arith.constant 100000 : i32
    %parallel_loop3A_74 = arith.constant 16 : i32
    scf.for %parallel_loop3A_252 = %parallel_loop3A_72 to %parallel_loop3A_73 step %parallel_loop3A_74  : i32 {
      %parallel_loop3A_253 = arith.index_cast %parallel_loop3A_252 : i32 to index
      %parallel_loop3A_254 = tpu.vector_load %arg4[%parallel_loop3A_253] {strides = array<i32>} : memref<100000xf32, #tpu.memory_space<vmem>>, vector<16xf32>,
      %parallel_loop3A_255 = vector.bitcast %parallel_loop3A_254 : vector<16xf32> to vector<16xi32>
      %parallel_loop3A_256 = arith.constant 10 : i32
      %parallel_loop3A_257 = vector.broadcast %parallel_loop3A_256 : i32 to vector<16xi32>
      %parallel_loop3A_258 = arith.shrsi %parallel_loop3A_255, %parallel_loop3A_257 : vector<16xi32>
      %parallel_loop3A_259 = vector.broadcast %add3A_71 : i32 to vector<16xi32>
      %parallel_loop3A_260 = arith.cmpi eq, %parallel_loop3A_258, %parallel_loop3A_259 : vector<16xi32>
      %parallel_loop3A_261 = arith.constant 4 : i32
      %parallel_loop3A_262 = vector.broadcast %parallel_loop3A_261 : i32 to vector<16xi32>
      %parallel_loop3A_263 = arith.shli %parallel_loop3A_255, %parallel_loop3A_262 : vector<16xi32>
      %parallel_loop3A_264 = arith.constant 16368 : i32
      %parallel_loop3A_265 = vector.broadcast %parallel_loop3A_264 : i32 to vector<16xi32>
      %parallel_loop3A_266 = arith.andi %parallel_loop3A_263, %parallel_loop3A_265 : vector<16xi32>
      %parallel_loop3A_267 = arith.ori %parallel_loop3A_266, %iota3A : vector<16xi32>
      tpu.vector_store_idx %arg5[%parallel_loop3A_267], %parallel_loop3A_254 masked %parallel_loop3A_260 {add = true} : memref<16384xf32, #tpu.memory_space<vmem>>[vector<16xi32>], vector<16xf32>, vector<16xi1>
    } {sc.loop_unroll_factor = 10 : i64, sc.parallel_access}
    %while3A_75 = arith.constant 63 : i32
    %while3A_76 = arith.constant 0.000000e+00 : f32
    %while3A_77 = arith.constant false
    %while3A_78:3 = scf.while (%while3A_252 = %while3A_75, %while3A_253 = %while3A_76, %while3A_254 = %while3A_77) : (i32, f32, i1) -> (i32, f32, i1) {
      %not3A = arith.constant true
      %not3A_255 = arith.xori %while3A_254, %not3A : i1
      scf.condition(%not3A_255) %while3A_252, %while3A_253, %while3A_254 : i32, f32, i1
    } do {
    ^bb0(%while3A_252: i32, %while3A_253: f32, %while3A_254: i1):
      %mul3A_255 = arith.constant 256 : i32
      %mul3A_256 = arith.muli %while3A_252, %mul3A_255 : i32
      %get3A = arith.index_cast %mul3A_256 : i32 to index
      %get3A_257 = tpu.vector_load %arg5[%get3A] {strides = array<i32>} : memref<16384xf32, #tpu.memory_space<vmem>>, vector<16xf32>,
      %mul3A_258 = arith.constant 256 : i32
      %mul3A_259 = arith.muli %while3A_252, %mul3A_258 : i32
      %add3A_260 = arith.constant 16 : i32
      %add3A_261 = arith.addi %mul3A_259, %add3A_260 : i32
      %get3A_262 = arith.index_cast %add3A_261 : i32 to index
      %get3A_263 = tpu.vector_load %arg5[%get3A_262] {strides = array<i32>} : memref<16384xf32, #tpu.memory_space<vmem>>, vector<16xf32>,
      %add3A_264 = arith.addf %get3A_257, %get3A_263 : vector<16xf32>
      %mul3A_265 = arith.constant 256 : i32
      %mul3A_266 = arith.muli %while3A_252, %mul3A_265 : i32
      %add3A_267 = arith.constant 32 : i32
      %add3A_268 = arith.addi %mul3A_266, %add3A_267 : i32
      %get3A_269 = arith.index_cast %add3A_268 : i32 to index
      %get3A_270 = tpu.vector_load %arg5[%get3A_269] {strides = array<i32>} : memref<16384xf32, #tpu.memory_space<vmem>>, vector<16xf32>,
      %add3A_271 = arith.addf %add3A_264, %get3A_270 : vector<16xf32>
      %mul3A_272 = arith.constant 256 : i32
      %mul3A_273 = arith.muli %while3A_252, %mul3A_272 : i32
      %add3A_274 = arith.constant 48 : i32
      %add3A_275 = arith.addi %mul3A_273, %add3A_274 : i32
      %get3A_276 = arith.index_cast %add3A_275 : i32 to index
      %get3A_277 = tpu.vector_load %arg5[%get3A_276] {strides = array<i32>} : memref<16384xf32, #tpu.memory_space<vmem>>, vector<16xf32>,
      %add3A_278 = arith.addf %add3A_271, %get3A_277 : vector<16xf32>
      %mul3A_279 = arith.constant 256 : i32
      %mul3A_280 = arith.muli %while3A_252, %mul3A_279 : i32
      %add3A_281 = arith.constant 64 : i32
      %add3A_282 = arith.addi %mul3A_280, %add3A_281 : i32
      %get3A_283 = arith.index_cast %add3A_282 : i32 to index
      %get3A_284 = tpu.vector_load %arg5[%get3A_283] {strides = array<i32>} : memref<16384xf32, #tpu.memory_space<vmem>>, vector<16xf32>,
      %add3A_285 = arith.addf %add3A_278, %get3A_284 : vector<16xf32>
      %mul3A_286 = arith.constant 256 : i32
      %mul3A_287 = arith.muli %while3A_252, %mul3A_286 : i32
      %add3A_288 = arith.constant 80 : i32
      %add3A_289 = arith.addi %mul3A_287, %add3A_288 : i32
      %get3A_290 = arith.index_cast %add3A_289 : i32 to index
      %get3A_291 = tpu.vector_load %arg5[%get3A_290] {strides = array<i32>} : memref<16384xf32, #tpu.memory_space<vmem>>, vector<16xf32>,
      %add3A_292 = arith.addf %add3A_285, %get3A_291 : vector<16xf32>
      %mul3A_293 = arith.constant 256 : i32
      %mul3A_294 = arith.muli %while3A_252, %mul3A_293 : i32
      %add3A_295 = arith.constant 96 : i32
      %add3A_296 = arith.addi %mul3A_294, %add3A_295 : i32
      %get3A_297 = arith.index_cast %add3A_296 : i32 to index
      %get3A_298 = tpu.vector_load %arg5[%get3A_297] {strides = array<i32>} : memref<16384xf32, #tpu.memory_space<vmem>>, vector<16xf32>,
      %add3A_299 = arith.addf %add3A_292, %get3A_298 : vector<16xf32>
      %mul3A_300 = arith.constant 256 : i32
      %mul3A_301 = arith.muli %while3A_252, %mul3A_300 : i32
      %add3A_302 = arith.constant 112 : i32
      %add3A_303 = arith.addi %mul3A_301, %add3A_302 : i32
      %get3A_304 = arith.index_cast %add3A_303 : i32 to index
      %get3A_305 = tpu.vector_load %arg5[%get3A_304] {strides = array<i32>} : memref<16384xf32, #tpu.memory_space<vmem>>, vector<16xf32>,
      %add3A_306 = arith.addf %add3A_299, %get3A_305 : vector<16xf32>
      %mul3A_307 = arith.constant 256 : i32
      %mul3A_308 = arith.muli %while3A_252, %mul3A_307 : i32
      %add3A_309 = arith.constant 128 : i32
      %add3A_310 = arith.addi %mul3A_308, %add3A_309 : i32
      %get3A_311 = arith.index_cast %add3A_310 : i32 to index
      %get3A_312 = tpu.vector_load %arg5[%get3A_311] {strides = array<i32>} : memref<16384xf32, #tpu.memory_space<vmem>>, vector<16xf32>,
      %add3A_313 = arith.addf %add3A_306, %get3A_312 : vector<16xf32>
      %mul3A_314 = arith.constant 256 : i32
      %mul3A_315 = arith.muli %while3A_252, %mul3A_314 : i32
      %add3A_316 = arith.constant 144 : i32
      %add3A_317 = arith.addi %mul3A_315, %add3A_316 : i32
      %get3A_318 = arith.index_cast %add3A_317 : i32 to index
      %get3A_319 = tpu.vector_load %arg5[%get3A_318] {strides = array<i32>} : memref<16384xf32, #tpu.memory_space<vmem>>, vector<16xf32>,
      %add3A_320 = arith.addf %add3A_313, %get3A_319 : vector<16xf32>
      %mul3A_321 = arith.constant 256 : i32
      %mul3A_322 = arith.muli %while3A_252, %mul3A_321 : i32
      %add3A_323 = arith.constant 160 : i32
      %add3A_324 = arith.addi %mul3A_322, %add3A_323 : i32
      %get3A_325 = arith.index_cast %add3A_324 : i32 to index
      %get3A_326 = tpu.vector_load %arg5[%get3A_325] {strides = array<i32>} : memref<16384xf32, #tpu.memory_space<vmem>>, vector<16xf32>,
      %add3A_327 = arith.addf %add3A_320, %get3A_326 : vector<16xf32>
      %mul3A_328 = arith.constant 256 : i32
      %mul3A_329 = arith.muli %while3A_252, %mul3A_328 : i32
      %add3A_330 = arith.constant 176 : i32
      %add3A_331 = arith.addi %mul3A_329, %add3A_330 : i32
      %get3A_332 = arith.index_cast %add3A_331 : i32 to index
      %get3A_333 = tpu.vector_load %arg5[%get3A_332] {strides = array<i32>} : memref<16384xf32, #tpu.memory_space<vmem>>, vector<16xf32>,
      %add3A_334 = arith.addf %add3A_327, %get3A_333 : vector<16xf32>
      %mul3A_335 = arith.constant 256 : i32
      %mul3A_336 = arith.muli %while3A_252, %mul3A_335 : i32
      %add3A_337 = arith.constant 192 : i32
      %add3A_338 = arith.addi %mul3A_336, %add3A_337 : i32
      %get3A_339 = arith.index_cast %add3A_338 : i32 to index
      %get3A_340 = tpu.vector_load %arg5[%get3A_339] {strides = array<i32>} : memref<16384xf32, #tpu.memory_space<vmem>>, vector<16xf32>,
      %add3A_341 = arith.addf %add3A_334, %get3A_340 : vector<16xf32>
      %mul3A_342 = arith.constant 256 : i32
      %mul3A_343 = arith.muli %while3A_252, %mul3A_342 : i32
      %add3A_344 = arith.constant 208 : i32
      %add3A_345 = arith.addi %mul3A_343, %add3A_344 : i32
      %get3A_346 = arith.index_cast %add3A_345 : i32 to index
      %get3A_347 = tpu.vector_load %arg5[%get3A_346] {strides = array<i32>} : memref<16384xf32, #tpu.memory_space<vmem>>, vector<16xf32>,
      %add3A_348 = arith.addf %add3A_341, %get3A_347 : vector<16xf32>
      %mul3A_349 = arith.constant 256 : i32
      %mul3A_350 = arith.muli %while3A_252, %mul3A_349 : i32
      %add3A_351 = arith.constant 224 : i32
      %add3A_352 = arith.addi %mul3A_350, %add3A_351 : i32
      %get3A_353 = arith.index_cast %add3A_352 : i32 to index
      %get3A_354 = tpu.vector_load %arg5[%get3A_353] {strides = array<i32>} : memref<16384xf32, #tpu.memory_space<vmem>>, vector<16xf32>,
      %add3A_355 = arith.addf %add3A_348, %get3A_354 : vector<16xf32>
      %mul3A_356 = arith.constant 256 : i32
      %mul3A_357 = arith.muli %while3A_252, %mul3A_356 : i32
      %add3A_358 = arith.constant 240 : i32
      %add3A_359 = arith.addi %mul3A_357, %add3A_358 : i32
      %get3A_360 = arith.index_cast %add3A_359 : i32 to index
      %get3A_361 = tpu.vector_load %arg5[%get3A_360] {strides = array<i32>} : memref<16384xf32, #tpu.memory_space<vmem>>, vector<16xf32>,
      %add3A_362 = arith.addf %add3A_355, %get3A_361 : vector<16xf32>
      %reduce_sum3A_363 = arith.constant true
      %reduce_sum3A_364 = vector.broadcast %reduce_sum3A_363 : i1 to vector<16xi1>
      %reduce_sum3A_365 = tpu.scan <sum>, %add3A_362 masked %reduce_sum3A_364 : vector<16xf32>, vector<16xi1> -> vector<16xf32>
      %reduce_sum3A_366 = vector.extract %reduce_sum3A_365[15] : f32 from vector<16xf32>
      %add3A_367 = arith.addf %while3A_253, %reduce_sum3A_366 : f32
      %gt3A = arith.cmpf ogt, %add3A_367, %sub3A_63 : f32
      %eq3A = arith.constant 0 : i32
      %eq3A_368 = arith.cmpi eq, %while3A_252, %eq3A : i32
      %or3A_369 = arith.ori %gt3A, %eq3A_368 : i1
      %sub3A_370 = arith.constant 1 : i32
      %sub3A_371 = arith.subi %while3A_252, %sub3A_370 : i32
      %select_n3A = arith.select %or3A_369, %while3A_252, %sub3A_371 : i32
      %select_n3A_372 = arith.select %or3A_369, %while3A_253, %add3A_367 : f32
      scf.yield %select_n3A, %select_n3A_372, %or3A_369 : i32, f32, i1
    }
    %while3A_79 = arith.constant 15 : i32
    %while3A_80 = arith.constant 0.000000e+00 : f32
    %while3A_81 = arith.constant false
    %while3A_82:4 = scf.while (%while3A_252 = %while3A_79, %while3A_253 = %while3A_78#1, %while3A_254 = %while3A_80, %while3A_255 = %while3A_81) : (i32, f32, f32, i1) -> (i32, f32, f32, i1) {
      %not3A = arith.constant true
      %not3A_256 = arith.xori %while3A_255, %not3A : i1
      scf.condition(%not3A_256) %while3A_252, %while3A_253, %while3A_254, %while3A_255 : i32, f32, f32, i1
    } do {
    ^bb0(%while3A_252: i32, %while3A_253: f32, %while3A_254: f32, %while3A_255: i1):
      %mul3A_256 = arith.constant 16 : i32
      %mul3A_257 = arith.muli %while3A_78#0, %mul3A_256 : i32
      %add3A_258 = arith.addi %mul3A_257, %while3A_252 : i32
      %mul3A_259 = arith.constant 16 : i32
      %mul3A_260 = arith.muli %add3A_258, %mul3A_259 : i32
      %get3A = arith.index_cast %mul3A_260 : i32 to index
      %get3A_261 = tpu.vector_load %arg5[%get3A] {strides = array<i32>} : memref<16384xf32, #tpu.memory_space<vmem>>, vector<16xf32>,
      %reduce_sum3A_262 = arith.constant true
      %reduce_sum3A_263 = vector.broadcast %reduce_sum3A_262 : i1 to vector<16xi1>
      %reduce_sum3A_264 = tpu.scan <sum>, %get3A_261 masked %reduce_sum3A_263 : vector<16xf32>, vector<16xi1> -> vector<16xf32>
      %reduce_sum3A_265 = vector.extract %reduce_sum3A_264[15] : f32 from vector<16xf32>
      %add3A_266 = arith.addf %while3A_253, %reduce_sum3A_265 : f32
      %gt3A = arith.cmpf ogt, %add3A_266, %sub3A_63 : f32
      %eq3A = arith.constant 0 : i32
      %eq3A_267 = arith.cmpi eq, %while3A_252, %eq3A : i32
      %or3A_268 = arith.ori %gt3A, %eq3A_267 : i1
      %sub3A_269 = arith.constant 1 : i32
      %sub3A_270 = arith.subi %while3A_252, %sub3A_269 : i32
      %select_n3A = arith.select %or3A_268, %while3A_252, %sub3A_270 : i32
      %add3A_271 = arith.addf %while3A_253, %reduce_sum3A_265 : f32
      %select_n3A_272 = arith.select %or3A_268, %while3A_253, %add3A_271 : f32
      scf.yield %select_n3A, %select_n3A_272, %reduce_sum3A_265, %or3A_268 : i32, f32, f32, i1
    }
    %mul3A_83 = arith.constant 16 : i32
    %mul3A_84 = arith.muli %while3A_78#0, %mul3A_83 : i32
    %add3A_85 = arith.addi %mul3A_84, %while3A_82#0 : i32
    %shift_left3A = arith.constant 20 : i32
    %shift_left3A_86 = arith.shli %add3A_43, %shift_left3A : i32
    %shift_left3A_87 = arith.constant 10 : i32
    %shift_left3A_88 = arith.shli %add3A_62, %shift_left3A_87 : i32
    %or3A = arith.ori %shift_left3A_86, %shift_left3A_88 : i32
    %or3A_89 = arith.ori %or3A, %add3A_85 : i32
    %add3A_90 = arith.addf %while3A_40#1, %while3A_59#1 : f32
    %add3A_91 = arith.addf %add3A_90, %while3A_82#1 : f32
    %add3A_92 = arith.addf %add3A_91, %while3A_82#2 : f32
    %broadcast_in_dim3A_93 = vector.broadcast %add3A_92 : f32 to vector<16xf32>
    %broadcast_in_dim3A_94 = arith.constant 2129950677 : i32
    %broadcast_in_dim3A_95 = vector.broadcast %broadcast_in_dim3A_94 : i32 to vector<16xi32>
    %bitcast3A = vector.bitcast %broadcast_in_dim3A_93 : vector<16xf32> to vector<16xi32>
    %sub3A_96 = arith.subi %broadcast_in_dim3A_95, %bitcast3A : vector<16xi32>
    %bitcast3A_97 = vector.bitcast %sub3A_96 : vector<16xi32> to vector<16xf32>
    %mul3A_98 = arith.mulf %broadcast_in_dim3A_93, %bitcast3A_97 : vector<16xf32>
    %sub3A_99 = arith.constant 2.000000e+00 : f32
    %sub3A_100 = vector.broadcast %sub3A_99 : f32 to vector<16xf32>
    %sub3A_101 = arith.subf %sub3A_100, %mul3A_98 : vector<16xf32>
    %mul3A_102 = arith.mulf %bitcast3A_97, %sub3A_101 : vector<16xf32>
    %mul3A_103 = arith.mulf %broadcast_in_dim3A_93, %mul3A_102 : vector<16xf32>
    %sub3A_104 = arith.constant 2.000000e+00 : f32
    %sub3A_105 = vector.broadcast %sub3A_104 : f32 to vector<16xf32>
    %sub3A_106 = arith.subf %sub3A_105, %mul3A_103 : vector<16xf32>
    %mul3A_107 = arith.mulf %mul3A_102, %sub3A_106 : vector<16xf32>
    %mul3A_108 = arith.mulf %broadcast_in_dim3A_93, %mul3A_107 : vector<16xf32>
    %sub3A_109 = arith.constant 2.000000e+00 : f32
    %sub3A_110 = vector.broadcast %sub3A_109 : f32 to vector<16xf32>
    %sub3A_111 = arith.subf %sub3A_110, %mul3A_108 : vector<16xf32>
    %mul3A_112 = arith.mulf %mul3A_107, %sub3A_111 : vector<16xf32>
    %mul3A_113 = arith.mulf %broadcast_in_dim3A_93, %mul3A_112 : vector<16xf32>
    %sub3A_114 = arith.constant 2.000000e+00 : f32
    %sub3A_115 = vector.broadcast %sub3A_114 : f32 to vector<16xf32>
    %sub3A_116 = arith.subf %sub3A_115, %mul3A_113 : vector<16xf32>
    %mul3A_117 = arith.mulf %mul3A_112, %sub3A_116 : vector<16xf32>
    %parallel_loop3A_118 = arith.constant 0 : i32
    %parallel_loop3A_119 = arith.constant 100000 : i32
    %parallel_loop3A_120 = arith.constant 16 : i32
    scf.for %parallel_loop3A_252 = %parallel_loop3A_118 to %parallel_loop3A_119 step %parallel_loop3A_120  : i32 {
      %parallel_loop3A_253 = arith.index_cast %parallel_loop3A_252 : i32 to index
      %parallel_loop3A_254 = tpu.vector_load %arg4[%parallel_loop3A_253] {strides = array<i32>} : memref<100000xf32, #tpu.memory_space<vmem>>, vector<16xf32>,
      %parallel_loop3A_255 = vector.bitcast %parallel_loop3A_254 : vector<16xf32> to vector<16xi32>
      %parallel_loop3A_256 = vector.broadcast %or3A_89 : i32 to vector<16xi32>
      %parallel_loop3A_257 = arith.cmpi sge, %parallel_loop3A_255, %parallel_loop3A_256 : vector<16xi32>
      %parallel_loop3A_258 = arith.mulf %parallel_loop3A_254, %mul3A_117 : vector<16xf32>
      %parallel_loop3A_259 = arith.constant 0.000000e+00 : f32
      %parallel_loop3A_260 = vector.broadcast %parallel_loop3A_259 : f32 to vector<16xf32>
      %parallel_loop3A_261 = arith.select %parallel_loop3A_257, %parallel_loop3A_258, %parallel_loop3A_260 : vector<16xi1>, vector<16xf32>
      %parallel_loop3A_262 = arith.index_cast %parallel_loop3A_252 : i32 to index
      %parallel_loop3A_263 = tpu.vector_load %arg4[%parallel_loop3A_262] {strides = array<i32>} : memref<100000xf32, #tpu.memory_space<vmem>>, vector<16xf32>,
      tpu.vector_store %arg4[%parallel_loop3A_262], %parallel_loop3A_261 {strides = array<i32>} : memref<100000xf32, #tpu.memory_space<vmem>>, vector<16xf32>,
    } {sc.loop_unroll_factor = 10 : i64, sc.parallel_access}
    "tpu.region"() ({
      %run_scoped3A = tpu.sem_alloc : memref<!tpu.dma_semaphore, #tpu.memory_space<semaphore_mem>>
      %dma_start3A_252 = arith.constant 0 : i32
      %dma_start3A_253 = tpu.memref_slice %arg3[%add3A_4, %dma_start3A_252] : memref<64x100000xf32, #tpu.memory_space<hbm>> -> memref<1x100000xf32, #tpu.memory_space<hbm>>
      %dma_start3A_254 = tpu.memref_squeeze %dma_start3A_253 : memref<1x100000xf32, #tpu.memory_space<hbm>> -> memref<100000xf32, #tpu.memory_space<hbm>>
      %dma_start3A_255 = arith.constant 0 : i32
      %dma_start3A_256 = tpu.memref_slice %arg3[%add3A_4, %dma_start3A_255] : memref<64x100000xf32, #tpu.memory_space<hbm>> -> memref<1x100000xf32, #tpu.memory_space<hbm>>
      %dma_start3A_257 = tpu.memref_squeeze %dma_start3A_256 : memref<1x100000xf32, #tpu.memory_space<hbm>> -> memref<100000xf32, #tpu.memory_space<hbm>>
      tpu.enqueue_dma source(%arg4 : memref<100000xf32, #tpu.memory_space<vmem>>) target(%dma_start3A_257 : memref<100000xf32, #tpu.memory_space<hbm>>) target_semaphore(%run_scoped3A : memref<!tpu.dma_semaphore, #tpu.memory_space<semaphore_mem>>)
      %dma_wait3A_258 = arith.constant 0 : i32
      %dma_wait3A_259 = tpu.memref_slice %arg3[%add3A_4, %dma_wait3A_258] : memref<64x100000xf32, #tpu.memory_space<hbm>> -> memref<1x100000xf32, #tpu.memory_space<hbm>>
      %dma_wait3A_260 = tpu.memref_squeeze %dma_wait3A_259 : memref<1x100000xf32, #tpu.memory_space<hbm>> -> memref<100000xf32, #tpu.memory_space<hbm>>
      %dma_wait3A_261 = arith.constant 0 : i32
      %dma_wait3A_262 = tpu.memref_slice %arg3[%add3A_4, %dma_wait3A_261] : memref<64x100000xf32, #tpu.memory_space<hbm>> -> memref<1x100000xf32, #tpu.memory_space<hbm>>
      %dma_wait3A_263 = tpu.memref_squeeze %dma_wait3A_262 : memref<1x100000xf32, #tpu.memory_space<hbm>> -> memref<100000xf32, #tpu.memory_space<hbm>>
      tpu.wait_dma2 semaphore(%run_scoped3A : memref<!tpu.dma_semaphore, #tpu.memory_space<semaphore_mem>>) src(%arg4 : memref<100000xf32, #tpu.memory_space<vmem>>) dst(%dma_wait3A_263 : memref<100000xf32, #tpu.memory_space<hbm>>)
      tpu.yield
    }) : () -> ()
    %mul3A_121 = arith.constant 2 : i32
    %mul3A_122 = arith.muli %add3A, %mul3A_121 : i32
    %add3A_123 = arith.constant 1 : i32
    %add3A_124 = arith.addi %mul3A_122, %add3A_123 : i32
    %dma_start3A_125 = arith.constant 0 : i32
    %dma_start3A_126 = tpu.memref_slice %arg2[%add3A_124, %dma_start3A_125] : memref<64x100000xf32, #tpu.memory_space<hbm>> -> memref<1x100000xf32, #tpu.memory_space<hbm>>
    %dma_start3A_127 = tpu.memref_squeeze %dma_start3A_126 : memref<1x100000xf32, #tpu.memory_space<hbm>> -> memref<100000xf32, #tpu.memory_space<hbm>>
    %dma_start3A_128 = arith.constant 0 : i32
    %dma_start3A_129 = tpu.memref_slice %arg2[%add3A_124, %dma_start3A_128] : memref<64x100000xf32, #tpu.memory_space<hbm>> -> memref<1x100000xf32, #tpu.memory_space<hbm>>
    %dma_start3A_130 = tpu.memref_squeeze %dma_start3A_129 : memref<1x100000xf32, #tpu.memory_space<hbm>> -> memref<100000xf32, #tpu.memory_space<hbm>>
    tpu.enqueue_dma source(%dma_start3A_130 : memref<100000xf32, #tpu.memory_space<hbm>>) target(%arg4 : memref<100000xf32, #tpu.memory_space<vmem>>) target_semaphore(%arg6 : memref<!tpu.dma_semaphore, #tpu.memory_space<semaphore_mem>>)
    %broadcast_in_dim3A_131 = arith.constant 0.000000e+00 : f32
    %broadcast_in_dim3A_132 = vector.broadcast %broadcast_in_dim3A_131 : f32 to vector<16xf32>
    %parallel_loop3A_133 = arith.constant 0 : i32
    %parallel_loop3A_134 = arith.constant 16384 : i32
    %parallel_loop3A_135 = arith.constant 16 : i32
    scf.for %parallel_loop3A_252 = %parallel_loop3A_133 to %parallel_loop3A_134 step %parallel_loop3A_135  : i32 {
      %parallel_loop3A_253 = arith.index_cast %parallel_loop3A_252 : i32 to index
      %parallel_loop3A_254 = tpu.vector_load %arg5[%parallel_loop3A_253] {strides = array<i32>} : memref<16384xf32, #tpu.memory_space<vmem>>, vector<16xf32>,
      tpu.vector_store %arg5[%parallel_loop3A_253], %broadcast_in_dim3A_132 {strides = array<i32>} : memref<16384xf32, #tpu.memory_space<vmem>>, vector<16xf32>,
    } {sc.loop_unroll_factor = 8 : i64, sc.parallel_access}
    %dma_wait3A_136 = arith.constant 0 : i32
    %dma_wait3A_137 = tpu.memref_slice %arg2[%add3A_124, %dma_wait3A_136] : memref<64x100000xf32, #tpu.memory_space<hbm>> -> memref<1x100000xf32, #tpu.memory_space<hbm>>
    %dma_wait3A_138 = tpu.memref_squeeze %dma_wait3A_137 : memref<1x100000xf32, #tpu.memory_space<hbm>> -> memref<100000xf32, #tpu.memory_space<hbm>>
    %dma_wait3A_139 = arith.constant 0 : i32
    %dma_wait3A_140 = tpu.memref_slice %arg2[%add3A_124, %dma_wait3A_139] : memref<64x100000xf32, #tpu.memory_space<hbm>> -> memref<1x100000xf32, #tpu.memory_space<hbm>>
    %dma_wait3A_141 = tpu.memref_squeeze %dma_wait3A_140 : memref<1x100000xf32, #tpu.memory_space<hbm>> -> memref<100000xf32, #tpu.memory_space<hbm>>
    tpu.wait_dma2 semaphore(%arg6 : memref<!tpu.dma_semaphore, #tpu.memory_space<semaphore_mem>>) src(%dma_wait3A_141 : memref<100000xf32, #tpu.memory_space<hbm>>) dst(%arg4 : memref<100000xf32, #tpu.memory_space<vmem>>)
    %iota3A_142 = tpu.iota {dimensions = array<i32: 0>} : vector<16xi32>
    %broadcast_in_dim3A_143 = arith.constant 0.000000e+00 : f32
    %broadcast_in_dim3A_144 = vector.broadcast %broadcast_in_dim3A_143 : f32 to vector<16xf32>
    %parallel_loop3A_145 = arith.constant 0 : i32
    %parallel_loop3A_146 = arith.constant 16384 : i32
    %parallel_loop3A_147 = arith.constant 16 : i32
    scf.for %parallel_loop3A_252 = %parallel_loop3A_145 to %parallel_loop3A_146 step %parallel_loop3A_147  : i32 {
      %parallel_loop3A_253 = arith.index_cast %parallel_loop3A_252 : i32 to index
      %parallel_loop3A_254 = tpu.vector_load %arg5[%parallel_loop3A_253] {strides = array<i32>} : memref<16384xf32, #tpu.memory_space<vmem>>, vector<16xf32>,
      tpu.vector_store %arg5[%parallel_loop3A_253], %broadcast_in_dim3A_144 {strides = array<i32>} : memref<16384xf32, #tpu.memory_space<vmem>>, vector<16xf32>,
    } {sc.loop_unroll_factor = 8 : i64, sc.parallel_access}
    %broadcast_in_dim3A_148 = arith.constant 0.000000e+00 : f32
    %broadcast_in_dim3A_149 = vector.broadcast %broadcast_in_dim3A_148 : f32 to vector<16xf32>
    %parallel_loop3A_150 = arith.constant 0 : i32
    %parallel_loop3A_151 = arith.constant 100000 : i32
    %parallel_loop3A_152 = arith.constant 16 : i32
    %parallel_loop3A_153 = scf.for %parallel_loop3A_252 = %parallel_loop3A_150 to %parallel_loop3A_151 step %parallel_loop3A_152 iter_args(%parallel_loop3A_253 = %broadcast_in_dim3A_149) -> (vector<16xf32>)  : i32 {
      %parallel_loop3A_254 = arith.index_cast %parallel_loop3A_252 : i32 to index
      %parallel_loop3A_255 = tpu.vector_load %arg4[%parallel_loop3A_254] {strides = array<i32>} : memref<100000xf32, #tpu.memory_space<vmem>>, vector<16xf32>,
      %parallel_loop3A_256 = arith.constant 8.000000e+00 : f32
      %parallel_loop3A_257 = vector.broadcast %parallel_loop3A_256 : f32 to vector<16xf32>
      %parallel_loop3A_258 = arith.minimumf %parallel_loop3A_255, %parallel_loop3A_257 : vector<16xf32>
      %parallel_loop3A_259 = arith.constant 8.000000e+00 : f32
      %parallel_loop3A_260 = vector.broadcast %parallel_loop3A_259 : f32 to vector<16xf32>
      %parallel_loop3A_261 = arith.subf %parallel_loop3A_258, %parallel_loop3A_260 : vector<16xf32>
      %parallel_loop3A_262 = math.exp %parallel_loop3A_261 : vector<16xf32>
      %parallel_loop3A_263 = arith.index_cast %parallel_loop3A_252 : i32 to index
      %parallel_loop3A_264 = tpu.vector_load %arg4[%parallel_loop3A_263] {strides = array<i32>} : memref<100000xf32, #tpu.memory_space<vmem>>, vector<16xf32>,
      tpu.vector_store %arg4[%parallel_loop3A_263], %parallel_loop3A_262 {strides = array<i32>} : memref<100000xf32, #tpu.memory_space<vmem>>, vector<16xf32>,
      %parallel_loop3A_265 = vector.bitcast %parallel_loop3A_262 : vector<16xf32> to vector<16xi32>
      %parallel_loop3A_266 = arith.constant 16 : i32
      %parallel_loop3A_267 = vector.broadcast %parallel_loop3A_266 : i32 to vector<16xi32>
      %parallel_loop3A_268 = arith.shrsi %parallel_loop3A_265, %parallel_loop3A_267 : vector<16xi32>
      %parallel_loop3A_269 = arith.constant 65520 : i32
      %parallel_loop3A_270 = vector.broadcast %parallel_loop3A_269 : i32 to vector<16xi32>
      %parallel_loop3A_271 = arith.andi %parallel_loop3A_268, %parallel_loop3A_270 : vector<16xi32>
      %parallel_loop3A_272 = arith.ori %parallel_loop3A_271, %iota3A_142 : vector<16xi32>
      tpu.vector_store_idx %arg5[%parallel_loop3A_272], %parallel_loop3A_262 {add = true} : memref<16384xf32, #tpu.memory_space<vmem>>[vector<16xi32>], vector<16xf32>,
      %parallel_loop3A_273 = arith.addf %parallel_loop3A_253, %parallel_loop3A_262 : vector<16xf32>
      scf.yield %parallel_loop3A_273 : vector<16xf32>
    } {sc.loop_unroll_factor = 10 : i64, sc.parallel_access}
    %reduce_sum3A_154 = arith.constant true
    %reduce_sum3A_155 = vector.broadcast %reduce_sum3A_154 : i1 to vector<16xi1>
    %reduce_sum3A_156 = tpu.scan <sum>, %parallel_loop3A_153 masked %reduce_sum3A_155 : vector<16xf32>, vector<16xi1> -> vector<16xf32>
    %reduce_sum3A_157 = vector.extract %reduce_sum3A_156[15] : f32 from vector<16xf32>
    %mul3A_158 = arith.constant 8.000000e-01 : f32
    %mul3A_159 = arith.mulf %mul3A_158, %reduce_sum3A_157 : f32
    %while3A_160 = arith.constant 63 : i32
    %while3A_161 = arith.constant 0.000000e+00 : f32
    %while3A_162 = arith.constant false
    %while3A_163:3 = scf.while (%while3A_252 = %while3A_160, %while3A_253 = %while3A_161, %while3A_254 = %while3A_162) : (i32, f32, i1) -> (i32, f32, i1) {
      %not3A = arith.constant true
      %not3A_255 = arith.xori %while3A_254, %not3A : i1
      scf.condition(%not3A_255) %while3A_252, %while3A_253, %while3A_254 : i32, f32, i1
    } do {
    ^bb0(%while3A_252: i32, %while3A_253: f32, %while3A_254: i1):
      %mul3A_255 = arith.constant 256 : i32
      %mul3A_256 = arith.muli %while3A_252, %mul3A_255 : i32
      %get3A = arith.index_cast %mul3A_256 : i32 to index
      %get3A_257 = tpu.vector_load %arg5[%get3A] {strides = array<i32>} : memref<16384xf32, #tpu.memory_space<vmem>>, vector<16xf32>,
      %mul3A_258 = arith.constant 256 : i32
      %mul3A_259 = arith.muli %while3A_252, %mul3A_258 : i32
      %add3A_260 = arith.constant 16 : i32
      %add3A_261 = arith.addi %mul3A_259, %add3A_260 : i32
      %get3A_262 = arith.index_cast %add3A_261 : i32 to index
      %get3A_263 = tpu.vector_load %arg5[%get3A_262] {strides = array<i32>} : memref<16384xf32, #tpu.memory_space<vmem>>, vector<16xf32>,
      %add3A_264 = arith.addf %get3A_257, %get3A_263 : vector<16xf32>
      %mul3A_265 = arith.constant 256 : i32
      %mul3A_266 = arith.muli %while3A_252, %mul3A_265 : i32
      %add3A_267 = arith.constant 32 : i32
      %add3A_268 = arith.addi %mul3A_266, %add3A_267 : i32
      %get3A_269 = arith.index_cast %add3A_268 : i32 to index
      %get3A_270 = tpu.vector_load %arg5[%get3A_269] {strides = array<i32>} : memref<16384xf32, #tpu.memory_space<vmem>>, vector<16xf32>,
      %add3A_271 = arith.addf %add3A_264, %get3A_270 : vector<16xf32>
      %mul3A_272 = arith.constant 256 : i32
      %mul3A_273 = arith.muli %while3A_252, %mul3A_272 : i32
      %add3A_274 = arith.constant 48 : i32
      %add3A_275 = arith.addi %mul3A_273, %add3A_274 : i32
      %get3A_276 = arith.index_cast %add3A_275 : i32 to index
      %get3A_277 = tpu.vector_load %arg5[%get3A_276] {strides = array<i32>} : memref<16384xf32, #tpu.memory_space<vmem>>, vector<16xf32>,
      %add3A_278 = arith.addf %add3A_271, %get3A_277 : vector<16xf32>
      %mul3A_279 = arith.constant 256 : i32
      %mul3A_280 = arith.muli %while3A_252, %mul3A_279 : i32
      %add3A_281 = arith.constant 64 : i32
      %add3A_282 = arith.addi %mul3A_280, %add3A_281 : i32
      %get3A_283 = arith.index_cast %add3A_282 : i32 to index
      %get3A_284 = tpu.vector_load %arg5[%get3A_283] {strides = array<i32>} : memref<16384xf32, #tpu.memory_space<vmem>>, vector<16xf32>,
      %add3A_285 = arith.addf %add3A_278, %get3A_284 : vector<16xf32>
      %mul3A_286 = arith.constant 256 : i32
      %mul3A_287 = arith.muli %while3A_252, %mul3A_286 : i32
      %add3A_288 = arith.constant 80 : i32
      %add3A_289 = arith.addi %mul3A_287, %add3A_288 : i32
      %get3A_290 = arith.index_cast %add3A_289 : i32 to index
      %get3A_291 = tpu.vector_load %arg5[%get3A_290] {strides = array<i32>} : memref<16384xf32, #tpu.memory_space<vmem>>, vector<16xf32>,
      %add3A_292 = arith.addf %add3A_285, %get3A_291 : vector<16xf32>
      %mul3A_293 = arith.constant 256 : i32
      %mul3A_294 = arith.muli %while3A_252, %mul3A_293 : i32
      %add3A_295 = arith.constant 96 : i32
      %add3A_296 = arith.addi %mul3A_294, %add3A_295 : i32
      %get3A_297 = arith.index_cast %add3A_296 : i32 to index
      %get3A_298 = tpu.vector_load %arg5[%get3A_297] {strides = array<i32>} : memref<16384xf32, #tpu.memory_space<vmem>>, vector<16xf32>,
      %add3A_299 = arith.addf %add3A_292, %get3A_298 : vector<16xf32>
      %mul3A_300 = arith.constant 256 : i32
      %mul3A_301 = arith.muli %while3A_252, %mul3A_300 : i32
      %add3A_302 = arith.constant 112 : i32
      %add3A_303 = arith.addi %mul3A_301, %add3A_302 : i32
      %get3A_304 = arith.index_cast %add3A_303 : i32 to index
      %get3A_305 = tpu.vector_load %arg5[%get3A_304] {strides = array<i32>} : memref<16384xf32, #tpu.memory_space<vmem>>, vector<16xf32>,
      %add3A_306 = arith.addf %add3A_299, %get3A_305 : vector<16xf32>
      %mul3A_307 = arith.constant 256 : i32
      %mul3A_308 = arith.muli %while3A_252, %mul3A_307 : i32
      %add3A_309 = arith.constant 128 : i32
      %add3A_310 = arith.addi %mul3A_308, %add3A_309 : i32
      %get3A_311 = arith.index_cast %add3A_310 : i32 to index
      %get3A_312 = tpu.vector_load %arg5[%get3A_311] {strides = array<i32>} : memref<16384xf32, #tpu.memory_space<vmem>>, vector<16xf32>,
      %add3A_313 = arith.addf %add3A_306, %get3A_312 : vector<16xf32>
      %mul3A_314 = arith.constant 256 : i32
      %mul3A_315 = arith.muli %while3A_252, %mul3A_314 : i32
      %add3A_316 = arith.constant 144 : i32
      %add3A_317 = arith.addi %mul3A_315, %add3A_316 : i32
      %get3A_318 = arith.index_cast %add3A_317 : i32 to index
      %get3A_319 = tpu.vector_load %arg5[%get3A_318] {strides = array<i32>} : memref<16384xf32, #tpu.memory_space<vmem>>, vector<16xf32>,
      %add3A_320 = arith.addf %add3A_313, %get3A_319 : vector<16xf32>
      %mul3A_321 = arith.constant 256 : i32
      %mul3A_322 = arith.muli %while3A_252, %mul3A_321 : i32
      %add3A_323 = arith.constant 160 : i32
      %add3A_324 = arith.addi %mul3A_322, %add3A_323 : i32
      %get3A_325 = arith.index_cast %add3A_324 : i32 to index
      %get3A_326 = tpu.vector_load %arg5[%get3A_325] {strides = array<i32>} : memref<16384xf32, #tpu.memory_space<vmem>>, vector<16xf32>,
      %add3A_327 = arith.addf %add3A_320, %get3A_326 : vector<16xf32>
      %mul3A_328 = arith.constant 256 : i32
      %mul3A_329 = arith.muli %while3A_252, %mul3A_328 : i32
      %add3A_330 = arith.constant 176 : i32
      %add3A_331 = arith.addi %mul3A_329, %add3A_330 : i32
      %get3A_332 = arith.index_cast %add3A_331 : i32 to index
      %get3A_333 = tpu.vector_load %arg5[%get3A_332] {strides = array<i32>} : memref<16384xf32, #tpu.memory_space<vmem>>, vector<16xf32>,
      %add3A_334 = arith.addf %add3A_327, %get3A_333 : vector<16xf32>
      %mul3A_335 = arith.constant 256 : i32
      %mul3A_336 = arith.muli %while3A_252, %mul3A_335 : i32
      %add3A_337 = arith.constant 192 : i32
      %add3A_338 = arith.addi %mul3A_336, %add3A_337 : i32
      %get3A_339 = arith.index_cast %add3A_338 : i32 to index
      %get3A_340 = tpu.vector_load %arg5[%get3A_339] {strides = array<i32>} : memref<16384xf32, #tpu.memory_space<vmem>>, vector<16xf32>,
      %add3A_341 = arith.addf %add3A_334, %get3A_340 : vector<16xf32>
      %mul3A_342 = arith.constant 256 : i32
      %mul3A_343 = arith.muli %while3A_252, %mul3A_342 : i32
      %add3A_344 = arith.constant 208 : i32
      %add3A_345 = arith.addi %mul3A_343, %add3A_344 : i32
      %get3A_346 = arith.index_cast %add3A_345 : i32 to index
      %get3A_347 = tpu.vector_load %arg5[%get3A_346] {strides = array<i32>} : memref<16384xf32, #tpu.memory_space<vmem>>, vector<16xf32>,
      %add3A_348 = arith.addf %add3A_341, %get3A_347 : vector<16xf32>
      %mul3A_349 = arith.constant 256 : i32
      %mul3A_350 = arith.muli %while3A_252, %mul3A_349 : i32
      %add3A_351 = arith.constant 224 : i32
      %add3A_352 = arith.addi %mul3A_350, %add3A_351 : i32
      %get3A_353 = arith.index_cast %add3A_352 : i32 to index
      %get3A_354 = tpu.vector_load %arg5[%get3A_353] {strides = array<i32>} : memref<16384xf32, #tpu.memory_space<vmem>>, vector<16xf32>,
      %add3A_355 = arith.addf %add3A_348, %get3A_354 : vector<16xf32>
      %mul3A_356 = arith.constant 256 : i32
      %mul3A_357 = arith.muli %while3A_252, %mul3A_356 : i32
      %add3A_358 = arith.constant 240 : i32
      %add3A_359 = arith.addi %mul3A_357, %add3A_358 : i32
      %get3A_360 = arith.index_cast %add3A_359 : i32 to index
      %get3A_361 = tpu.vector_load %arg5[%get3A_360] {strides = array<i32>} : memref<16384xf32, #tpu.memory_space<vmem>>, vector<16xf32>,
      %add3A_362 = arith.addf %add3A_355, %get3A_361 : vector<16xf32>
      %reduce_sum3A_363 = arith.constant true
      %reduce_sum3A_364 = vector.broadcast %reduce_sum3A_363 : i1 to vector<16xi1>
      %reduce_sum3A_365 = tpu.scan <sum>, %add3A_362 masked %reduce_sum3A_364 : vector<16xf32>, vector<16xi1> -> vector<16xf32>
      %reduce_sum3A_366 = vector.extract %reduce_sum3A_365[15] : f32 from vector<16xf32>
      %add3A_367 = arith.addf %while3A_253, %reduce_sum3A_366 : f32
      %gt3A = arith.cmpf ogt, %add3A_367, %mul3A_159 : f32
      %eq3A = arith.constant 0 : i32
      %eq3A_368 = arith.cmpi eq, %while3A_252, %eq3A : i32
      %or3A_369 = arith.ori %gt3A, %eq3A_368 : i1
      %sub3A_370 = arith.constant 1 : i32
      %sub3A_371 = arith.subi %while3A_252, %sub3A_370 : i32
      %select_n3A = arith.select %or3A_369, %while3A_252, %sub3A_371 : i32
      %select_n3A_372 = arith.select %or3A_369, %while3A_253, %add3A_367 : f32
      scf.yield %select_n3A, %select_n3A_372, %or3A_369 : i32, f32, i1
    }
    %while3A_164 = arith.constant 15 : i32
    %while3A_165 = arith.constant 0.000000e+00 : f32
    %while3A_166 = arith.constant false
    %while3A_167:4 = scf.while (%while3A_252 = %while3A_164, %while3A_253 = %while3A_163#1, %while3A_254 = %while3A_165, %while3A_255 = %while3A_166) : (i32, f32, f32, i1) -> (i32, f32, f32, i1) {
      %not3A = arith.constant true
      %not3A_256 = arith.xori %while3A_255, %not3A : i1
      scf.condition(%not3A_256) %while3A_252, %while3A_253, %while3A_254, %while3A_255 : i32, f32, f32, i1
    } do {
    ^bb0(%while3A_252: i32, %while3A_253: f32, %while3A_254: f32, %while3A_255: i1):
      %mul3A_256 = arith.constant 16 : i32
      %mul3A_257 = arith.muli %while3A_163#0, %mul3A_256 : i32
      %add3A_258 = arith.addi %mul3A_257, %while3A_252 : i32
      %mul3A_259 = arith.constant 16 : i32
      %mul3A_260 = arith.muli %add3A_258, %mul3A_259 : i32
      %get3A = arith.index_cast %mul3A_260 : i32 to index
      %get3A_261 = tpu.vector_load %arg5[%get3A] {strides = array<i32>} : memref<16384xf32, #tpu.memory_space<vmem>>, vector<16xf32>,
      %reduce_sum3A_262 = arith.constant true
      %reduce_sum3A_263 = vector.broadcast %reduce_sum3A_262 : i1 to vector<16xi1>
      %reduce_sum3A_264 = tpu.scan <sum>, %get3A_261 masked %reduce_sum3A_263 : vector<16xf32>, vector<16xi1> -> vector<16xf32>
      %reduce_sum3A_265 = vector.extract %reduce_sum3A_264[15] : f32 from vector<16xf32>
      %add3A_266 = arith.addf %while3A_253, %reduce_sum3A_265 : f32
      %gt3A = arith.cmpf ogt, %add3A_266, %mul3A_159 : f32
      %eq3A = arith.constant 0 : i32
      %eq3A_267 = arith.cmpi eq, %while3A_252, %eq3A : i32
      %or3A_268 = arith.ori %gt3A, %eq3A_267 : i1
      %sub3A_269 = arith.constant 1 : i32
      %sub3A_270 = arith.subi %while3A_252, %sub3A_269 : i32
      %select_n3A = arith.select %or3A_268, %while3A_252, %sub3A_270 : i32
      %add3A_271 = arith.addf %while3A_253, %reduce_sum3A_265 : f32
      %select_n3A_272 = arith.select %or3A_268, %while3A_253, %add3A_271 : f32
      scf.yield %select_n3A, %select_n3A_272, %reduce_sum3A_265, %or3A_268 : i32, f32, f32, i1
    }
    %mul3A_168 = arith.constant 16 : i32
    %mul3A_169 = arith.muli %while3A_163#0, %mul3A_168 : i32
    %add3A_170 = arith.addi %mul3A_169, %while3A_167#0 : i32
    %sub3A_171 = arith.subf %mul3A_159, %while3A_167#1 : f32
    %broadcast_in_dim3A_172 = arith.constant 0.000000e+00 : f32
    %broadcast_in_dim3A_173 = vector.broadcast %broadcast_in_dim3A_172 : f32 to vector<16xf32>
    %parallel_loop3A_174 = arith.constant 0 : i32
    %parallel_loop3A_175 = arith.constant 16384 : i32
    %parallel_loop3A_176 = arith.constant 16 : i32
    scf.for %parallel_loop3A_252 = %parallel_loop3A_174 to %parallel_loop3A_175 step %parallel_loop3A_176  : i32 {
      %parallel_loop3A_253 = arith.index_cast %parallel_loop3A_252 : i32 to index
      %parallel_loop3A_254 = tpu.vector_load %arg5[%parallel_loop3A_253] {strides = array<i32>} : memref<16384xf32, #tpu.memory_space<vmem>>, vector<16xf32>,
      tpu.vector_store %arg5[%parallel_loop3A_253], %broadcast_in_dim3A_173 {strides = array<i32>} : memref<16384xf32, #tpu.memory_space<vmem>>, vector<16xf32>,
    } {sc.loop_unroll_factor = 8 : i64, sc.parallel_access}
    %parallel_loop3A_177 = arith.constant 0 : i32
    %parallel_loop3A_178 = arith.constant 100000 : i32
    %parallel_loop3A_179 = arith.constant 16 : i32
    scf.for %parallel_loop3A_252 = %parallel_loop3A_177 to %parallel_loop3A_178 step %parallel_loop3A_179  : i32 {
      %parallel_loop3A_253 = arith.index_cast %parallel_loop3A_252 : i32 to index
      %parallel_loop3A_254 = tpu.vector_load %arg4[%parallel_loop3A_253] {strides = array<i32>} : memref<100000xf32, #tpu.memory_space<vmem>>, vector<16xf32>,
      %parallel_loop3A_255 = vector.bitcast %parallel_loop3A_254 : vector<16xf32> to vector<16xi32>
      %parallel_loop3A_256 = arith.constant 20 : i32
      %parallel_loop3A_257 = vector.broadcast %parallel_loop3A_256 : i32 to vector<16xi32>
      %parallel_loop3A_258 = arith.shrsi %parallel_loop3A_255, %parallel_loop3A_257 : vector<16xi32>
      %parallel_loop3A_259 = vector.broadcast %add3A_170 : i32 to vector<16xi32>
      %parallel_loop3A_260 = arith.cmpi eq, %parallel_loop3A_258, %parallel_loop3A_259 : vector<16xi32>
      %parallel_loop3A_261 = arith.constant 6 : i32
      %parallel_loop3A_262 = vector.broadcast %parallel_loop3A_261 : i32 to vector<16xi32>
      %parallel_loop3A_263 = arith.shrsi %parallel_loop3A_255, %parallel_loop3A_262 : vector<16xi32>
      %parallel_loop3A_264 = arith.constant 16368 : i32
      %parallel_loop3A_265 = vector.broadcast %parallel_loop3A_264 : i32 to vector<16xi32>
      %parallel_loop3A_266 = arith.andi %parallel_loop3A_263, %parallel_loop3A_265 : vector<16xi32>
      %parallel_loop3A_267 = arith.ori %parallel_loop3A_266, %iota3A_142 : vector<16xi32>
      tpu.vector_store_idx %arg5[%parallel_loop3A_267], %parallel_loop3A_254 masked %parallel_loop3A_260 {add = true} : memref<16384xf32, #tpu.memory_space<vmem>>[vector<16xi32>], vector<16xf32>, vector<16xi1>
    } {sc.loop_unroll_factor = 10 : i64, sc.parallel_access}
    %while3A_180 = arith.constant 63 : i32
    %while3A_181 = arith.constant 0.000000e+00 : f32
    %while3A_182 = arith.constant false
    %while3A_183:3 = scf.while (%while3A_252 = %while3A_180, %while3A_253 = %while3A_181, %while3A_254 = %while3A_182) : (i32, f32, i1) -> (i32, f32, i1) {
      %not3A = arith.constant true
      %not3A_255 = arith.xori %while3A_254, %not3A : i1
      scf.condition(%not3A_255) %while3A_252, %while3A_253, %while3A_254 : i32, f32, i1
    } do {
    ^bb0(%while3A_252: i32, %while3A_253: f32, %while3A_254: i1):
      %mul3A_255 = arith.constant 256 : i32
      %mul3A_256 = arith.muli %while3A_252, %mul3A_255 : i32
      %get3A = arith.index_cast %mul3A_256 : i32 to index
      %get3A_257 = tpu.vector_load %arg5[%get3A] {strides = array<i32>} : memref<16384xf32, #tpu.memory_space<vmem>>, vector<16xf32>,
      %mul3A_258 = arith.constant 256 : i32
      %mul3A_259 = arith.muli %while3A_252, %mul3A_258 : i32
      %add3A_260 = arith.constant 16 : i32
      %add3A_261 = arith.addi %mul3A_259, %add3A_260 : i32
      %get3A_262 = arith.index_cast %add3A_261 : i32 to index
      %get3A_263 = tpu.vector_load %arg5[%get3A_262] {strides = array<i32>} : memref<16384xf32, #tpu.memory_space<vmem>>, vector<16xf32>,
      %add3A_264 = arith.addf %get3A_257, %get3A_263 : vector<16xf32>
      %mul3A_265 = arith.constant 256 : i32
      %mul3A_266 = arith.muli %while3A_252, %mul3A_265 : i32
      %add3A_267 = arith.constant 32 : i32
      %add3A_268 = arith.addi %mul3A_266, %add3A_267 : i32
      %get3A_269 = arith.index_cast %add3A_268 : i32 to index
      %get3A_270 = tpu.vector_load %arg5[%get3A_269] {strides = array<i32>} : memref<16384xf32, #tpu.memory_space<vmem>>, vector<16xf32>,
      %add3A_271 = arith.addf %add3A_264, %get3A_270 : vector<16xf32>
      %mul3A_272 = arith.constant 256 : i32
      %mul3A_273 = arith.muli %while3A_252, %mul3A_272 : i32
      %add3A_274 = arith.constant 48 : i32
      %add3A_275 = arith.addi %mul3A_273, %add3A_274 : i32
      %get3A_276 = arith.index_cast %add3A_275 : i32 to index
      %get3A_277 = tpu.vector_load %arg5[%get3A_276] {strides = array<i32>} : memref<16384xf32, #tpu.memory_space<vmem>>, vector<16xf32>,
      %add3A_278 = arith.addf %add3A_271, %get3A_277 : vector<16xf32>
      %mul3A_279 = arith.constant 256 : i32
      %mul3A_280 = arith.muli %while3A_252, %mul3A_279 : i32
      %add3A_281 = arith.constant 64 : i32
      %add3A_282 = arith.addi %mul3A_280, %add3A_281 : i32
      %get3A_283 = arith.index_cast %add3A_282 : i32 to index
      %get3A_284 = tpu.vector_load %arg5[%get3A_283] {strides = array<i32>} : memref<16384xf32, #tpu.memory_space<vmem>>, vector<16xf32>,
      %add3A_285 = arith.addf %add3A_278, %get3A_284 : vector<16xf32>
      %mul3A_286 = arith.constant 256 : i32
      %mul3A_287 = arith.muli %while3A_252, %mul3A_286 : i32
      %add3A_288 = arith.constant 80 : i32
      %add3A_289 = arith.addi %mul3A_287, %add3A_288 : i32
      %get3A_290 = arith.index_cast %add3A_289 : i32 to index
      %get3A_291 = tpu.vector_load %arg5[%get3A_290] {strides = array<i32>} : memref<16384xf32, #tpu.memory_space<vmem>>, vector<16xf32>,
      %add3A_292 = arith.addf %add3A_285, %get3A_291 : vector<16xf32>
      %mul3A_293 = arith.constant 256 : i32
      %mul3A_294 = arith.muli %while3A_252, %mul3A_293 : i32
      %add3A_295 = arith.constant 96 : i32
      %add3A_296 = arith.addi %mul3A_294, %add3A_295 : i32
      %get3A_297 = arith.index_cast %add3A_296 : i32 to index
      %get3A_298 = tpu.vector_load %arg5[%get3A_297] {strides = array<i32>} : memref<16384xf32, #tpu.memory_space<vmem>>, vector<16xf32>,
      %add3A_299 = arith.addf %add3A_292, %get3A_298 : vector<16xf32>
      %mul3A_300 = arith.constant 256 : i32
      %mul3A_301 = arith.muli %while3A_252, %mul3A_300 : i32
      %add3A_302 = arith.constant 112 : i32
      %add3A_303 = arith.addi %mul3A_301, %add3A_302 : i32
      %get3A_304 = arith.index_cast %add3A_303 : i32 to index
      %get3A_305 = tpu.vector_load %arg5[%get3A_304] {strides = array<i32>} : memref<16384xf32, #tpu.memory_space<vmem>>, vector<16xf32>,
      %add3A_306 = arith.addf %add3A_299, %get3A_305 : vector<16xf32>
      %mul3A_307 = arith.constant 256 : i32
      %mul3A_308 = arith.muli %while3A_252, %mul3A_307 : i32
      %add3A_309 = arith.constant 128 : i32
      %add3A_310 = arith.addi %mul3A_308, %add3A_309 : i32
      %get3A_311 = arith.index_cast %add3A_310 : i32 to index
      %get3A_312 = tpu.vector_load %arg5[%get3A_311] {strides = array<i32>} : memref<16384xf32, #tpu.memory_space<vmem>>, vector<16xf32>,
      %add3A_313 = arith.addf %add3A_306, %get3A_312 : vector<16xf32>
      %mul3A_314 = arith.constant 256 : i32
      %mul3A_315 = arith.muli %while3A_252, %mul3A_314 : i32
      %add3A_316 = arith.constant 144 : i32
      %add3A_317 = arith.addi %mul3A_315, %add3A_316 : i32
      %get3A_318 = arith.index_cast %add3A_317 : i32 to index
      %get3A_319 = tpu.vector_load %arg5[%get3A_318] {strides = array<i32>} : memref<16384xf32, #tpu.memory_space<vmem>>, vector<16xf32>,
      %add3A_320 = arith.addf %add3A_313, %get3A_319 : vector<16xf32>
      %mul3A_321 = arith.constant 256 : i32
      %mul3A_322 = arith.muli %while3A_252, %mul3A_321 : i32
      %add3A_323 = arith.constant 160 : i32
      %add3A_324 = arith.addi %mul3A_322, %add3A_323 : i32
      %get3A_325 = arith.index_cast %add3A_324 : i32 to index
      %get3A_326 = tpu.vector_load %arg5[%get3A_325] {strides = array<i32>} : memref<16384xf32, #tpu.memory_space<vmem>>, vector<16xf32>,
      %add3A_327 = arith.addf %add3A_320, %get3A_326 : vector<16xf32>
      %mul3A_328 = arith.constant 256 : i32
      %mul3A_329 = arith.muli %while3A_252, %mul3A_328 : i32
      %add3A_330 = arith.constant 176 : i32
      %add3A_331 = arith.addi %mul3A_329, %add3A_330 : i32
      %get3A_332 = arith.index_cast %add3A_331 : i32 to index
      %get3A_333 = tpu.vector_load %arg5[%get3A_332] {strides = array<i32>} : memref<16384xf32, #tpu.memory_space<vmem>>, vector<16xf32>,
      %add3A_334 = arith.addf %add3A_327, %get3A_333 : vector<16xf32>
      %mul3A_335 = arith.constant 256 : i32
      %mul3A_336 = arith.muli %while3A_252, %mul3A_335 : i32
      %add3A_337 = arith.constant 192 : i32
      %add3A_338 = arith.addi %mul3A_336, %add3A_337 : i32
      %get3A_339 = arith.index_cast %add3A_338 : i32 to index
      %get3A_340 = tpu.vector_load %arg5[%get3A_339] {strides = array<i32>} : memref<16384xf32, #tpu.memory_space<vmem>>, vector<16xf32>,
      %add3A_341 = arith.addf %add3A_334, %get3A_340 : vector<16xf32>
      %mul3A_342 = arith.constant 256 : i32
      %mul3A_343 = arith.muli %while3A_252, %mul3A_342 : i32
      %add3A_344 = arith.constant 208 : i32
      %add3A_345 = arith.addi %mul3A_343, %add3A_344 : i32
      %get3A_346 = arith.index_cast %add3A_345 : i32 to index
      %get3A_347 = tpu.vector_load %arg5[%get3A_346] {strides = array<i32>} : memref<16384xf32, #tpu.memory_space<vmem>>, vector<16xf32>,
      %add3A_348 = arith.addf %add3A_341, %get3A_347 : vector<16xf32>
      %mul3A_349 = arith.constant 256 : i32
      %mul3A_350 = arith.muli %while3A_252, %mul3A_349 : i32
      %add3A_351 = arith.constant 224 : i32
      %add3A_352 = arith.addi %mul3A_350, %add3A_351 : i32
      %get3A_353 = arith.index_cast %add3A_352 : i32 to index
      %get3A_354 = tpu.vector_load %arg5[%get3A_353] {strides = array<i32>} : memref<16384xf32, #tpu.memory_space<vmem>>, vector<16xf32>,
      %add3A_355 = arith.addf %add3A_348, %get3A_354 : vector<16xf32>
      %mul3A_356 = arith.constant 256 : i32
      %mul3A_357 = arith.muli %while3A_252, %mul3A_356 : i32
      %add3A_358 = arith.constant 240 : i32
      %add3A_359 = arith.addi %mul3A_357, %add3A_358 : i32
      %get3A_360 = arith.index_cast %add3A_359 : i32 to index
      %get3A_361 = tpu.vector_load %arg5[%get3A_360] {strides = array<i32>} : memref<16384xf32, #tpu.memory_space<vmem>>, vector<16xf32>,
      %add3A_362 = arith.addf %add3A_355, %get3A_361 : vector<16xf32>
      %reduce_sum3A_363 = arith.constant true
      %reduce_sum3A_364 = vector.broadcast %reduce_sum3A_363 : i1 to vector<16xi1>
      %reduce_sum3A_365 = tpu.scan <sum>, %add3A_362 masked %reduce_sum3A_364 : vector<16xf32>, vector<16xi1> -> vector<16xf32>
      %reduce_sum3A_366 = vector.extract %reduce_sum3A_365[15] : f32 from vector<16xf32>
      %add3A_367 = arith.addf %while3A_253, %reduce_sum3A_366 : f32
      %gt3A = arith.cmpf ogt, %add3A_367, %sub3A_171 : f32
      %eq3A = arith.constant 0 : i32
      %eq3A_368 = arith.cmpi eq, %while3A_252, %eq3A : i32
      %or3A_369 = arith.ori %gt3A, %eq3A_368 : i1
      %sub3A_370 = arith.constant 1 : i32
      %sub3A_371 = arith.subi %while3A_252, %sub3A_370 : i32
      %select_n3A = arith.select %or3A_369, %while3A_252, %sub3A_371 : i32
      %select_n3A_372 = arith.select %or3A_369, %while3A_253, %add3A_367 : f32
      scf.yield %select_n3A, %select_n3A_372, %or3A_369 : i32, f32, i1
    }
    %while3A_184 = arith.constant 15 : i32
    %while3A_185 = arith.constant 0.000000e+00 : f32
    %while3A_186 = arith.constant false
    %while3A_187:4 = scf.while (%while3A_252 = %while3A_184, %while3A_253 = %while3A_183#1, %while3A_254 = %while3A_185, %while3A_255 = %while3A_186) : (i32, f32, f32, i1) -> (i32, f32, f32, i1) {
      %not3A = arith.constant true
      %not3A_256 = arith.xori %while3A_255, %not3A : i1
      scf.condition(%not3A_256) %while3A_252, %while3A_253, %while3A_254, %while3A_255 : i32, f32, f32, i1
    } do {
    ^bb0(%while3A_252: i32, %while3A_253: f32, %while3A_254: f32, %while3A_255: i1):
      %mul3A_256 = arith.constant 16 : i32
      %mul3A_257 = arith.muli %while3A_183#0, %mul3A_256 : i32
      %add3A_258 = arith.addi %mul3A_257, %while3A_252 : i32
      %mul3A_259 = arith.constant 16 : i32
      %mul3A_260 = arith.muli %add3A_258, %mul3A_259 : i32
      %get3A = arith.index_cast %mul3A_260 : i32 to index
      %get3A_261 = tpu.vector_load %arg5[%get3A] {strides = array<i32>} : memref<16384xf32, #tpu.memory_space<vmem>>, vector<16xf32>,
      %reduce_sum3A_262 = arith.constant true
      %reduce_sum3A_263 = vector.broadcast %reduce_sum3A_262 : i1 to vector<16xi1>
      %reduce_sum3A_264 = tpu.scan <sum>, %get3A_261 masked %reduce_sum3A_263 : vector<16xf32>, vector<16xi1> -> vector<16xf32>
      %reduce_sum3A_265 = vector.extract %reduce_sum3A_264[15] : f32 from vector<16xf32>
      %add3A_266 = arith.addf %while3A_253, %reduce_sum3A_265 : f32
      %gt3A = arith.cmpf ogt, %add3A_266, %sub3A_171 : f32
      %eq3A = arith.constant 0 : i32
      %eq3A_267 = arith.cmpi eq, %while3A_252, %eq3A : i32
      %or3A_268 = arith.ori %gt3A, %eq3A_267 : i1
      %sub3A_269 = arith.constant 1 : i32
      %sub3A_270 = arith.subi %while3A_252, %sub3A_269 : i32
      %select_n3A = arith.select %or3A_268, %while3A_252, %sub3A_270 : i32
      %add3A_271 = arith.addf %while3A_253, %reduce_sum3A_265 : f32
      %select_n3A_272 = arith.select %or3A_268, %while3A_253, %add3A_271 : f32
      scf.yield %select_n3A, %select_n3A_272, %reduce_sum3A_265, %or3A_268 : i32, f32, f32, i1
    }
    %mul3A_188 = arith.constant 16 : i32
    %mul3A_189 = arith.muli %while3A_183#0, %mul3A_188 : i32
    %add3A_190 = arith.addi %mul3A_189, %while3A_187#0 : i32
    %sub3A_191 = arith.subf %sub3A_171, %while3A_187#1 : f32
    %broadcast_in_dim3A_192 = arith.constant 0.000000e+00 : f32
    %broadcast_in_dim3A_193 = vector.broadcast %broadcast_in_dim3A_192 : f32 to vector<16xf32>
    %parallel_loop3A_194 = arith.constant 0 : i32
    %parallel_loop3A_195 = arith.constant 16384 : i32
    %parallel_loop3A_196 = arith.constant 16 : i32
    scf.for %parallel_loop3A_252 = %parallel_loop3A_194 to %parallel_loop3A_195 step %parallel_loop3A_196  : i32 {
      %parallel_loop3A_253 = arith.index_cast %parallel_loop3A_252 : i32 to index
      %parallel_loop3A_254 = tpu.vector_load %arg5[%parallel_loop3A_253] {strides = array<i32>} : memref<16384xf32, #tpu.memory_space<vmem>>, vector<16xf32>,
      tpu.vector_store %arg5[%parallel_loop3A_253], %broadcast_in_dim3A_193 {strides = array<i32>} : memref<16384xf32, #tpu.memory_space<vmem>>, vector<16xf32>,
    } {sc.loop_unroll_factor = 8 : i64, sc.parallel_access}
    %mul3A_197 = arith.constant 1024 : i32
    %mul3A_198 = arith.muli %add3A_170, %mul3A_197 : i32
    %add3A_199 = arith.addi %mul3A_198, %add3A_190 : i32
    %parallel_loop3A_200 = arith.constant 0 : i32
    %parallel_loop3A_201 = arith.constant 100000 : i32
    %parallel_loop3A_202 = arith.constant 16 : i32
    scf.for %parallel_loop3A_252 = %parallel_loop3A_200 to %parallel_loop3A_201 step %parallel_loop3A_202  : i32 {
      %parallel_loop3A_253 = arith.index_cast %parallel_loop3A_252 : i32 to index
      %parallel_loop3A_254 = tpu.vector_load %arg4[%parallel_loop3A_253] {strides = array<i32>} : memref<100000xf32, #tpu.memory_space<vmem>>, vector<16xf32>,
      %parallel_loop3A_255 = vector.bitcast %parallel_loop3A_254 : vector<16xf32> to vector<16xi32>
      %parallel_loop3A_256 = arith.constant 10 : i32
      %parallel_loop3A_257 = vector.broadcast %parallel_loop3A_256 : i32 to vector<16xi32>
      %parallel_loop3A_258 = arith.shrsi %parallel_loop3A_255, %parallel_loop3A_257 : vector<16xi32>
      %parallel_loop3A_259 = vector.broadcast %add3A_199 : i32 to vector<16xi32>
      %parallel_loop3A_260 = arith.cmpi eq, %parallel_loop3A_258, %parallel_loop3A_259 : vector<16xi32>
      %parallel_loop3A_261 = arith.constant 4 : i32
      %parallel_loop3A_262 = vector.broadcast %parallel_loop3A_261 : i32 to vector<16xi32>
      %parallel_loop3A_263 = arith.shli %parallel_loop3A_255, %parallel_loop3A_262 : vector<16xi32>
      %parallel_loop3A_264 = arith.constant 16368 : i32
      %parallel_loop3A_265 = vector.broadcast %parallel_loop3A_264 : i32 to vector<16xi32>
      %parallel_loop3A_266 = arith.andi %parallel_loop3A_263, %parallel_loop3A_265 : vector<16xi32>
      %parallel_loop3A_267 = arith.ori %parallel_loop3A_266, %iota3A_142 : vector<16xi32>
      tpu.vector_store_idx %arg5[%parallel_loop3A_267], %parallel_loop3A_254 masked %parallel_loop3A_260 {add = true} : memref<16384xf32, #tpu.memory_space<vmem>>[vector<16xi32>], vector<16xf32>, vector<16xi1>
    } {sc.loop_unroll_factor = 10 : i64, sc.parallel_access}
    %while3A_203 = arith.constant 63 : i32
    %while3A_204 = arith.constant 0.000000e+00 : f32
    %while3A_205 = arith.constant false
    %while3A_206:3 = scf.while (%while3A_252 = %while3A_203, %while3A_253 = %while3A_204, %while3A_254 = %while3A_205) : (i32, f32, i1) -> (i32, f32, i1) {
      %not3A = arith.constant true
      %not3A_255 = arith.xori %while3A_254, %not3A : i1
      scf.condition(%not3A_255) %while3A_252, %while3A_253, %while3A_254 : i32, f32, i1
    } do {
    ^bb0(%while3A_252: i32, %while3A_253: f32, %while3A_254: i1):
      %mul3A_255 = arith.constant 256 : i32
      %mul3A_256 = arith.muli %while3A_252, %mul3A_255 : i32
      %get3A = arith.index_cast %mul3A_256 : i32 to index
      %get3A_257 = tpu.vector_load %arg5[%get3A] {strides = array<i32>} : memref<16384xf32, #tpu.memory_space<vmem>>, vector<16xf32>,
      %mul3A_258 = arith.constant 256 : i32
      %mul3A_259 = arith.muli %while3A_252, %mul3A_258 : i32
      %add3A_260 = arith.constant 16 : i32
      %add3A_261 = arith.addi %mul3A_259, %add3A_260 : i32
      %get3A_262 = arith.index_cast %add3A_261 : i32 to index
      %get3A_263 = tpu.vector_load %arg5[%get3A_262] {strides = array<i32>} : memref<16384xf32, #tpu.memory_space<vmem>>, vector<16xf32>,
      %add3A_264 = arith.addf %get3A_257, %get3A_263 : vector<16xf32>
      %mul3A_265 = arith.constant 256 : i32
      %mul3A_266 = arith.muli %while3A_252, %mul3A_265 : i32
      %add3A_267 = arith.constant 32 : i32
      %add3A_268 = arith.addi %mul3A_266, %add3A_267 : i32
      %get3A_269 = arith.index_cast %add3A_268 : i32 to index
      %get3A_270 = tpu.vector_load %arg5[%get3A_269] {strides = array<i32>} : memref<16384xf32, #tpu.memory_space<vmem>>, vector<16xf32>,
      %add3A_271 = arith.addf %add3A_264, %get3A_270 : vector<16xf32>
      %mul3A_272 = arith.constant 256 : i32
      %mul3A_273 = arith.muli %while3A_252, %mul3A_272 : i32
      %add3A_274 = arith.constant 48 : i32
      %add3A_275 = arith.addi %mul3A_273, %add3A_274 : i32
      %get3A_276 = arith.index_cast %add3A_275 : i32 to index
      %get3A_277 = tpu.vector_load %arg5[%get3A_276] {strides = array<i32>} : memref<16384xf32, #tpu.memory_space<vmem>>, vector<16xf32>,
      %add3A_278 = arith.addf %add3A_271, %get3A_277 : vector<16xf32>
      %mul3A_279 = arith.constant 256 : i32
      %mul3A_280 = arith.muli %while3A_252, %mul3A_279 : i32
      %add3A_281 = arith.constant 64 : i32
      %add3A_282 = arith.addi %mul3A_280, %add3A_281 : i32
      %get3A_283 = arith.index_cast %add3A_282 : i32 to index
      %get3A_284 = tpu.vector_load %arg5[%get3A_283] {strides = array<i32>} : memref<16384xf32, #tpu.memory_space<vmem>>, vector<16xf32>,
      %add3A_285 = arith.addf %add3A_278, %get3A_284 : vector<16xf32>
      %mul3A_286 = arith.constant 256 : i32
      %mul3A_287 = arith.muli %while3A_252, %mul3A_286 : i32
      %add3A_288 = arith.constant 80 : i32
      %add3A_289 = arith.addi %mul3A_287, %add3A_288 : i32
      %get3A_290 = arith.index_cast %add3A_289 : i32 to index
      %get3A_291 = tpu.vector_load %arg5[%get3A_290] {strides = array<i32>} : memref<16384xf32, #tpu.memory_space<vmem>>, vector<16xf32>,
      %add3A_292 = arith.addf %add3A_285, %get3A_291 : vector<16xf32>
      %mul3A_293 = arith.constant 256 : i32
      %mul3A_294 = arith.muli %while3A_252, %mul3A_293 : i32
      %add3A_295 = arith.constant 96 : i32
      %add3A_296 = arith.addi %mul3A_294, %add3A_295 : i32
      %get3A_297 = arith.index_cast %add3A_296 : i32 to index
      %get3A_298 = tpu.vector_load %arg5[%get3A_297] {strides = array<i32>} : memref<16384xf32, #tpu.memory_space<vmem>>, vector<16xf32>,
      %add3A_299 = arith.addf %add3A_292, %get3A_298 : vector<16xf32>
      %mul3A_300 = arith.constant 256 : i32
      %mul3A_301 = arith.muli %while3A_252, %mul3A_300 : i32
      %add3A_302 = arith.constant 112 : i32
      %add3A_303 = arith.addi %mul3A_301, %add3A_302 : i32
      %get3A_304 = arith.index_cast %add3A_303 : i32 to index
      %get3A_305 = tpu.vector_load %arg5[%get3A_304] {strides = array<i32>} : memref<16384xf32, #tpu.memory_space<vmem>>, vector<16xf32>,
      %add3A_306 = arith.addf %add3A_299, %get3A_305 : vector<16xf32>
      %mul3A_307 = arith.constant 256 : i32
      %mul3A_308 = arith.muli %while3A_252, %mul3A_307 : i32
      %add3A_309 = arith.constant 128 : i32
      %add3A_310 = arith.addi %mul3A_308, %add3A_309 : i32
      %get3A_311 = arith.index_cast %add3A_310 : i32 to index
      %get3A_312 = tpu.vector_load %arg5[%get3A_311] {strides = array<i32>} : memref<16384xf32, #tpu.memory_space<vmem>>, vector<16xf32>,
      %add3A_313 = arith.addf %add3A_306, %get3A_312 : vector<16xf32>
      %mul3A_314 = arith.constant 256 : i32
      %mul3A_315 = arith.muli %while3A_252, %mul3A_314 : i32
      %add3A_316 = arith.constant 144 : i32
      %add3A_317 = arith.addi %mul3A_315, %add3A_316 : i32
      %get3A_318 = arith.index_cast %add3A_317 : i32 to index
      %get3A_319 = tpu.vector_load %arg5[%get3A_318] {strides = array<i32>} : memref<16384xf32, #tpu.memory_space<vmem>>, vector<16xf32>,
      %add3A_320 = arith.addf %add3A_313, %get3A_319 : vector<16xf32>
      %mul3A_321 = arith.constant 256 : i32
      %mul3A_322 = arith.muli %while3A_252, %mul3A_321 : i32
      %add3A_323 = arith.constant 160 : i32
      %add3A_324 = arith.addi %mul3A_322, %add3A_323 : i32
      %get3A_325 = arith.index_cast %add3A_324 : i32 to index
      %get3A_326 = tpu.vector_load %arg5[%get3A_325] {strides = array<i32>} : memref<16384xf32, #tpu.memory_space<vmem>>, vector<16xf32>,
      %add3A_327 = arith.addf %add3A_320, %get3A_326 : vector<16xf32>
      %mul3A_328 = arith.constant 256 : i32
      %mul3A_329 = arith.muli %while3A_252, %mul3A_328 : i32
      %add3A_330 = arith.constant 176 : i32
      %add3A_331 = arith.addi %mul3A_329, %add3A_330 : i32
      %get3A_332 = arith.index_cast %add3A_331 : i32 to index
      %get3A_333 = tpu.vector_load %arg5[%get3A_332] {strides = array<i32>} : memref<16384xf32, #tpu.memory_space<vmem>>, vector<16xf32>,
      %add3A_334 = arith.addf %add3A_327, %get3A_333 : vector<16xf32>
      %mul3A_335 = arith.constant 256 : i32
      %mul3A_336 = arith.muli %while3A_252, %mul3A_335 : i32
      %add3A_337 = arith.constant 192 : i32
      %add3A_338 = arith.addi %mul3A_336, %add3A_337 : i32
      %get3A_339 = arith.index_cast %add3A_338 : i32 to index
      %get3A_340 = tpu.vector_load %arg5[%get3A_339] {strides = array<i32>} : memref<16384xf32, #tpu.memory_space<vmem>>, vector<16xf32>,
      %add3A_341 = arith.addf %add3A_334, %get3A_340 : vector<16xf32>
      %mul3A_342 = arith.constant 256 : i32
      %mul3A_343 = arith.muli %while3A_252, %mul3A_342 : i32
      %add3A_344 = arith.constant 208 : i32
      %add3A_345 = arith.addi %mul3A_343, %add3A_344 : i32
      %get3A_346 = arith.index_cast %add3A_345 : i32 to index
      %get3A_347 = tpu.vector_load %arg5[%get3A_346] {strides = array<i32>} : memref<16384xf32, #tpu.memory_space<vmem>>, vector<16xf32>,
      %add3A_348 = arith.addf %add3A_341, %get3A_347 : vector<16xf32>
      %mul3A_349 = arith.constant 256 : i32
      %mul3A_350 = arith.muli %while3A_252, %mul3A_349 : i32
      %add3A_351 = arith.constant 224 : i32
      %add3A_352 = arith.addi %mul3A_350, %add3A_351 : i32
      %get3A_353 = arith.index_cast %add3A_352 : i32 to index
      %get3A_354 = tpu.vector_load %arg5[%get3A_353] {strides = array<i32>} : memref<16384xf32, #tpu.memory_space<vmem>>, vector<16xf32>,
      %add3A_355 = arith.addf %add3A_348, %get3A_354 : vector<16xf32>
      %mul3A_356 = arith.constant 256 : i32
      %mul3A_357 = arith.muli %while3A_252, %mul3A_356 : i32
      %add3A_358 = arith.constant 240 : i32
      %add3A_359 = arith.addi %mul3A_357, %add3A_358 : i32
      %get3A_360 = arith.index_cast %add3A_359 : i32 to index
      %get3A_361 = tpu.vector_load %arg5[%get3A_360] {strides = array<i32>} : memref<16384xf32, #tpu.memory_space<vmem>>, vector<16xf32>,
      %add3A_362 = arith.addf %add3A_355, %get3A_361 : vector<16xf32>
      %reduce_sum3A_363 = arith.constant true
      %reduce_sum3A_364 = vector.broadcast %reduce_sum3A_363 : i1 to vector<16xi1>
      %reduce_sum3A_365 = tpu.scan <sum>, %add3A_362 masked %reduce_sum3A_364 : vector<16xf32>, vector<16xi1> -> vector<16xf32>
      %reduce_sum3A_366 = vector.extract %reduce_sum3A_365[15] : f32 from vector<16xf32>
      %add3A_367 = arith.addf %while3A_253, %reduce_sum3A_366 : f32
      %gt3A = arith.cmpf ogt, %add3A_367, %sub3A_191 : f32
      %eq3A = arith.constant 0 : i32
      %eq3A_368 = arith.cmpi eq, %while3A_252, %eq3A : i32
      %or3A_369 = arith.ori %gt3A, %eq3A_368 : i1
      %sub3A_370 = arith.constant 1 : i32
      %sub3A_371 = arith.subi %while3A_252, %sub3A_370 : i32
      %select_n3A = arith.select %or3A_369, %while3A_252, %sub3A_371 : i32
      %select_n3A_372 = arith.select %or3A_369, %while3A_253, %add3A_367 : f32
      scf.yield %select_n3A, %select_n3A_372, %or3A_369 : i32, f32, i1
    }
    %while3A_207 = arith.constant 15 : i32
    %while3A_208 = arith.constant 0.000000e+00 : f32
    %while3A_209 = arith.constant false
    %while3A_210:4 = scf.while (%while3A_252 = %while3A_207, %while3A_253 = %while3A_206#1, %while3A_254 = %while3A_208, %while3A_255 = %while3A_209) : (i32, f32, f32, i1) -> (i32, f32, f32, i1) {
      %not3A = arith.constant true
      %not3A_256 = arith.xori %while3A_255, %not3A : i1
      scf.condition(%not3A_256) %while3A_252, %while3A_253, %while3A_254, %while3A_255 : i32, f32, f32, i1
    } do {
    ^bb0(%while3A_252: i32, %while3A_253: f32, %while3A_254: f32, %while3A_255: i1):
      %mul3A_256 = arith.constant 16 : i32
      %mul3A_257 = arith.muli %while3A_206#0, %mul3A_256 : i32
      %add3A_258 = arith.addi %mul3A_257, %while3A_252 : i32
      %mul3A_259 = arith.constant 16 : i32
      %mul3A_260 = arith.muli %add3A_258, %mul3A_259 : i32
      %get3A = arith.index_cast %mul3A_260 : i32 to index
      %get3A_261 = tpu.vector_load %arg5[%get3A] {strides = array<i32>} : memref<16384xf32, #tpu.memory_space<vmem>>, vector<16xf32>,
      %reduce_sum3A_262 = arith.constant true
      %reduce_sum3A_263 = vector.broadcast %reduce_sum3A_262 : i1 to vector<16xi1>
      %reduce_sum3A_264 = tpu.scan <sum>, %get3A_261 masked %reduce_sum3A_263 : vector<16xf32>, vector<16xi1> -> vector<16xf32>
      %reduce_sum3A_265 = vector.extract %reduce_sum3A_264[15] : f32 from vector<16xf32>
      %add3A_266 = arith.addf %while3A_253, %reduce_sum3A_265 : f32
      %gt3A = arith.cmpf ogt, %add3A_266, %sub3A_191 : f32
      %eq3A = arith.constant 0 : i32
      %eq3A_267 = arith.cmpi eq, %while3A_252, %eq3A : i32
      %or3A_268 = arith.ori %gt3A, %eq3A_267 : i1
      %sub3A_269 = arith.constant 1 : i32
      %sub3A_270 = arith.subi %while3A_252, %sub3A_269 : i32
      %select_n3A = arith.select %or3A_268, %while3A_252, %sub3A_270 : i32
      %add3A_271 = arith.addf %while3A_253, %reduce_sum3A_265 : f32
      %select_n3A_272 = arith.select %or3A_268, %while3A_253, %add3A_271 : f32
      scf.yield %select_n3A, %select_n3A_272, %reduce_sum3A_265, %or3A_268 : i32, f32, f32, i1
    }
    %mul3A_211 = arith.constant 16 : i32
    %mul3A_212 = arith.muli %while3A_206#0, %mul3A_211 : i32
    %add3A_213 = arith.addi %mul3A_212, %while3A_210#0 : i32
    %shift_left3A_214 = arith.constant 20 : i32
    %shift_left3A_215 = arith.shli %add3A_170, %shift_left3A_214 : i32
    %shift_left3A_216 = arith.constant 10 : i32
    %shift_left3A_217 = arith.shli %add3A_190, %shift_left3A_216 : i32
    %or3A_218 = arith.ori %shift_left3A_215, %shift_left3A_217 : i32
    %or3A_219 = arith.ori %or3A_218, %add3A_213 : i32
    %add3A_220 = arith.addf %while3A_167#1, %while3A_187#1 : f32
    %add3A_221 = arith.addf %add3A_220, %while3A_210#1 : f32
    %add3A_222 = arith.addf %add3A_221, %while3A_210#2 : f32
    %broadcast_in_dim3A_223 = vector.broadcast %add3A_222 : f32 to vector<16xf32>
    %broadcast_in_dim3A_224 = arith.constant 2129950677 : i32
    %broadcast_in_dim3A_225 = vector.broadcast %broadcast_in_dim3A_224 : i32 to vector<16xi32>
    %bitcast3A_226 = vector.bitcast %broadcast_in_dim3A_223 : vector<16xf32> to vector<16xi32>
    %sub3A_227 = arith.subi %broadcast_in_dim3A_225, %bitcast3A_226 : vector<16xi32>
    %bitcast3A_228 = vector.bitcast %sub3A_227 : vector<16xi32> to vector<16xf32>
    %mul3A_229 = arith.mulf %broadcast_in_dim3A_223, %bitcast3A_228 : vector<16xf32>
    %sub3A_230 = arith.constant 2.000000e+00 : f32
    %sub3A_231 = vector.broadcast %sub3A_230 : f32 to vector<16xf32>
    %sub3A_232 = arith.subf %sub3A_231, %mul3A_229 : vector<16xf32>
    %mul3A_233 = arith.mulf %bitcast3A_228, %sub3A_232 : vector<16xf32>
    %mul3A_234 = arith.mulf %broadcast_in_dim3A_223, %mul3A_233 : vector<16xf32>
    %sub3A_235 = arith.constant 2.000000e+00 : f32
    %sub3A_236 = vector.broadcast %sub3A_235 : f32 to vector<16xf32>
    %sub3A_237 = arith.subf %sub3A_236, %mul3A_234 : vector<16xf32>
    %mul3A_238 = arith.mulf %mul3A_233, %sub3A_237 : vector<16xf32>
    %mul3A_239 = arith.mulf %broadcast_in_dim3A_223, %mul3A_238 : vector<16xf32>
    %sub3A_240 = arith.constant 2.000000e+00 : f32
    %sub3A_241 = vector.broadcast %sub3A_240 : f32 to vector<16xf32>
    %sub3A_242 = arith.subf %sub3A_241, %mul3A_239 : vector<16xf32>
    %mul3A_243 = arith.mulf %mul3A_238, %sub3A_242 : vector<16xf32>
    %mul3A_244 = arith.mulf %broadcast_in_dim3A_223, %mul3A_243 : vector<16xf32>
    %sub3A_245 = arith.constant 2.000000e+00 : f32
    %sub3A_246 = vector.broadcast %sub3A_245 : f32 to vector<16xf32>
    %sub3A_247 = arith.subf %sub3A_246, %mul3A_244 : vector<16xf32>
    %mul3A_248 = arith.mulf %mul3A_243, %sub3A_247 : vector<16xf32>
    %parallel_loop3A_249 = arith.constant 0 : i32
    %parallel_loop3A_250 = arith.constant 100000 : i32
    %parallel_loop3A_251 = arith.constant 16 : i32
    scf.for %parallel_loop3A_252 = %parallel_loop3A_249 to %parallel_loop3A_250 step %parallel_loop3A_251  : i32 {
      %parallel_loop3A_253 = arith.index_cast %parallel_loop3A_252 : i32 to index
      %parallel_loop3A_254 = tpu.vector_load %arg4[%parallel_loop3A_253] {strides = array<i32>} : memref<100000xf32, #tpu.memory_space<vmem>>, vector<16xf32>,
      %parallel_loop3A_255 = vector.bitcast %parallel_loop3A_254 : vector<16xf32> to vector<16xi32>
      %parallel_loop3A_256 = vector.broadcast %or3A_219 : i32 to vector<16xi32>
      %parallel_loop3A_257 = arith.cmpi sge, %parallel_loop3A_255, %parallel_loop3A_256 : vector<16xi32>
      %parallel_loop3A_258 = arith.mulf %parallel_loop3A_254, %mul3A_248 : vector<16xf32>
      %parallel_loop3A_259 = arith.constant 0.000000e+00 : f32
      %parallel_loop3A_260 = vector.broadcast %parallel_loop3A_259 : f32 to vector<16xf32>
      %parallel_loop3A_261 = arith.select %parallel_loop3A_257, %parallel_loop3A_258, %parallel_loop3A_260 : vector<16xi1>, vector<16xf32>
      %parallel_loop3A_262 = arith.index_cast %parallel_loop3A_252 : i32 to index
      %parallel_loop3A_263 = tpu.vector_load %arg4[%parallel_loop3A_262] {strides = array<i32>} : memref<100000xf32, #tpu.memory_space<vmem>>, vector<16xf32>,
      tpu.vector_store %arg4[%parallel_loop3A_262], %parallel_loop3A_261 {strides = array<i32>} : memref<100000xf32, #tpu.memory_space<vmem>>, vector<16xf32>,
    } {sc.loop_unroll_factor = 10 : i64, sc.parallel_access}
    "tpu.region"() ({
      %run_scoped3A = tpu.sem_alloc : memref<!tpu.dma_semaphore, #tpu.memory_space<semaphore_mem>>
      %dma_start3A_252 = arith.constant 0 : i32
      %dma_start3A_253 = tpu.memref_slice %arg3[%add3A_124, %dma_start3A_252] : memref<64x100000xf32, #tpu.memory_space<hbm>> -> memref<1x100000xf32, #tpu.memory_space<hbm>>
      %dma_start3A_254 = tpu.memref_squeeze %dma_start3A_253 : memref<1x100000xf32, #tpu.memory_space<hbm>> -> memref<100000xf32, #tpu.memory_space<hbm>>
      %dma_start3A_255 = arith.constant 0 : i32
      %dma_start3A_256 = tpu.memref_slice %arg3[%add3A_124, %dma_start3A_255] : memref<64x100000xf32, #tpu.memory_space<hbm>> -> memref<1x100000xf32, #tpu.memory_space<hbm>>
      %dma_start3A_257 = tpu.memref_squeeze %dma_start3A_256 : memref<1x100000xf32, #tpu.memory_space<hbm>> -> memref<100000xf32, #tpu.memory_space<hbm>>
      tpu.enqueue_dma source(%arg4 : memref<100000xf32, #tpu.memory_space<vmem>>) target(%dma_start3A_257 : memref<100000xf32, #tpu.memory_space<hbm>>) target_semaphore(%run_scoped3A : memref<!tpu.dma_semaphore, #tpu.memory_space<semaphore_mem>>)
      %dma_wait3A_258 = arith.constant 0 : i32
      %dma_wait3A_259 = tpu.memref_slice %arg3[%add3A_124, %dma_wait3A_258] : memref<64x100000xf32, #tpu.memory_space<hbm>> -> memref<1x100000xf32, #tpu.memory_space<hbm>>
      %dma_wait3A_260 = tpu.memref_squeeze %dma_wait3A_259 : memref<1x100000xf32, #tpu.memory_space<hbm>> -> memref<100000xf32, #tpu.memory_space<hbm>>
      %dma_wait3A_261 = arith.constant 0 : i32
      %dma_wait3A_262 = tpu.memref_slice %arg3[%add3A_124, %dma_wait3A_261] : memref<64x100000xf32, #tpu.memory_space<hbm>> -> memref<1x100000xf32, #tpu.memory_space<hbm>>
      %dma_wait3A_263 = tpu.memref_squeeze %dma_wait3A_262 : memref<1x100000xf32, #tpu.memory_space<hbm>> -> memref<100000xf32, #tpu.memory_space<hbm>>
      tpu.wait_dma2 semaphore(%run_scoped3A : memref<!tpu.dma_semaphore, #tpu.memory_space<semaphore_mem>>) src(%arg4 : memref<100000xf32, #tpu.memory_space<vmem>>) dst(%dma_wait3A_263 : memref<100000xf32, #tpu.memory_space<hbm>>)
      tpu.yield
    }) : () -> ()
    return
  }
}

</mosaic_0001>

<sc_bundles>
// kernel: kernel.3.cloned.1.call-start
scs
__scs_entry_jumppad:
0x0: {  	(pc) =	sbr.rel $0x88, $3  }
0x1: {  	(tag) =	ssettag $0x0;
	lr =	simm.s32 $0x1  }
0x2: {  	[smem:$0x3FA0] =	sst lr;
	_ =	strace $0xD0000000  }
0x3: {  	_ = 	snop  }
0x4: {  	_ = 	snop  }
0x5: {  	_ = 	snop  }
0x6: {  	_ = 	snop  }
0x7: {  	_ = 	snop  }
__scs_overlays_trampoline_lowered:
0x8: {  	[smem:$0x3FAF] =	sst s0  }
0x9: {  	[smem:$0x3FB0] =	sst s1  }
0xa: {  	[smem:$0x3FB1] =	sst s2  }
0xb: {  	[smem:$0x3FB2] =	sst s3  }
0xc: {  	[smem:$0x3FB3] =	sst s4  }
0xd: {  	[smem:$0x3FB4] =	sst s5  }
0xe: {  	[smem:$0x3FB5] =	sst s6  }
0xf: {  	[smem:$0x3FB6] =	sst s7  }
0x10: {  	[smem:$0x3FB7] =	sst s8  }
0x11: {  	[smem:$0x3FB8] =	sst s9;
	s0 =	simm.s32 @!p0 $0x0  }
0x12: {  	s1 =	sld [smem:$0x3F9E];
	s0 =	simm.s32 @p0 $0x1  }
0x13: {  	[smem:$0x3FB9] =	sst s0;
	s0 =	simm.s32 @!p1 $0x0  }
0x14: {  	s2 =	sld [smem:$0x3F9D];
	s0 =	simm.s32 @p1 $0x1  }
0x15: {  	[smem:$0x3FBA] =	sst s0;
	s0 =	simm.s32 @!p2 $0x0  }
0x16: {  	s3 =	sld [smem:$0x3FDB];
	s0 =	simm.s32 @p2 $0x1  }
0x17: {  	s4 =	simm.s32 $0x1BF5;
	[smem:$0x3FBC] =	sst s0  }
0x18: {  	s0 =	sld [smem:$0x3F9F];
	_ =	swait.ge [sflag:s4], $0x0  }
0x19: {  	s7 =	sld [smem:$0x3FA0]  }
0x1a: {  	s8 =	sadd.s32 $0xFFFFE003, lr  }
0x1b: {  	s9 =	sadd.s32 $0xFFFFFEF7, lr;
	s5 =	simm.s32 $0xFFFFFFFF;
	p2 =	slt.u32 s8, $0xFFFFF086  }
0x1c: {  	p1 =	slt.u32 s9, $0xF7A;
	s5 =	simm.s32 @!p2 $0x0  }
0x1d: {  	s5 =	simm.s32 @p1 $0x1;
	p0 =	seq.s32 s7, s2  }
0x1e: {  	s7 =	smul.u32 @!p0 $0xF7A, s2;
	p2 =	seq.s32 @!p0 s5, $0x0  }
0x1f: {  	s9 =	smul.u32 $0xF7A, s1;
	s8 =	simm.s32 @!p0 $0x1BF5;
	p2 =	por !p2, p0  }
0x20: {  	[sflag:s8] =	ssyncset.s32 @!p0 $0xFFFFF086;
	s6 =	sadd.s32 @!p0 s3, s7;
	s7 =	simm.s32 @!p0 $0x108  }
0x21: {  	s3 =	sadd.s32 s3, s9;
	s6 =	sadd.s32 @!p0 $0x88, s6;
	s7 =	simm.s32 @p2 $0x1082  }
0x22: {  	[simem:s7], [sflag:s8] =	dma.local @!p0 [hbm:s6], $0xF7A  }
0x23: {  	s9 =	sor.u32 $0xD0000000, s2;
	s6 =	simm.s32 $0x108;
	_ =	swait.ge @!p0 [sflag:s8], $0x0  }
0x24: {  	s3 =	sadd.s32 $0x88, s3;
	s6 =	simm.s32 @!p1 $0x1082;
	[sflag:s4] =	ssyncset.s32 $0xFFFFF086  }
0x25: {  	[simem:s6], [sflag:s4] =	dma.local [hbm:s3], $0xF7A  }
0x26: {  	[smem:$0x3FA0] =	sst s1;
	(tag) =	ssettag s2;
	_ =	strace s9  }
0x27: {  	s1 =	sld [smem:$0x3FB0]  }
0x28: {  	s2 =	sld [smem:$0x3FB1]  }
0x29: {  	s4 =	sld [smem:$0x3FB3]  }
0x2a: {  	p0 =	seq.s32 s5, $0x0;
	s5 =	sld [smem:$0x3FB4]  }
0x2b: {  	s6 =	sld [smem:$0x3FB5]  }
0x2c: {  	s7 =	sld [smem:$0x3FB6]  }
0x2d: {  	s3 =	simm.s32 $0x108;
	s8 =	sld [smem:$0x3FB7]  }
0x2e: {  	s3 =	simm.s32 @!p0 $0x1082;
	s9 =	sld [smem:$0x3FB8]  }
0x2f: {  	lr =	sadd.s32 s0, s3;
	s0 =	sld [smem:$0x3FAF]  }
0x30: {  	s3 =	sld [smem:$0x3FB2]  }
0x31: {  	[smem:$0x3FBB] =	sst s10  }
0x32: {  	s10 =	sld [smem:$0x3FB9];
	_ =	sdelay $0x3  }
0x33: {  	p0 =	seq.s32 s10, $0x1;
	s10 =	sld [smem:$0x3FBB];
	_ =	sdelay $0x3  }
0x34: {  	[smem:$0x3FBB] =	sst s10  }
0x35: {  	s10 =	sld [smem:$0x3FBA];
	_ =	sdelay $0x3  }
0x36: {  	p1 =	seq.s32 s10, $0x1;
	s10 =	sld [smem:$0x3FBB];
	_ =	sdelay $0x3  }
0x37: {  	[smem:$0x3FBB] =	sst s10  }
0x38: {  	s10 =	sld [smem:$0x3FBC]  }
0x39: {  	_ = 	snop;
	(pc) =	sbr.ind lr, $3  }
0x3a: {  	_ = 	snop  }
0x3b: {  	_ = 	snop  }
0x3c: {  	p2 =	seq.s32 s10, $0x1;
	s10 =	sld [smem:$0x3FBB]  }
0x3d: {  	_ =	shalt  }
0x3e: {  	_ =	shalt  }
0x3f: {  	_ =	shalt  }
0x40: {  	_ =	shalt  }
0x41: {  	_ =	shalt  }
0x42: {  	_ =	shalt  }
0x43: {  	_ =	shalt  }
0x44: {  	_ =	shalt  }
0x45: {  	_ =	shalt  }
0x46: {  	_ =	shalt  }
0x47: {  	_ =	shalt  }
0x48: {  	_ =	shalt  }
0x49: {  	_ =	shalt  }
0x4a: {  	_ =	shalt  }
0x4b: {  	_ =	shalt  }
0x4c: {  	_ =	shalt  }
0x4d: {  	_ =	shalt  }
0x4e: {  	_ =	shalt  }
0x4f: {  	_ =	shalt  }
0x50: {  	_ =	shalt  }
0x51: {  	_ =	shalt  }
0x52: {  	_ =	shalt  }
0x53: {  	_ =	shalt  }
0x54: {  	_ =	shalt  }
0x55: {  	_ =	shalt  }
0x56: {  	_ =	shalt  }
0x57: {  	_ =	shalt  }
0x58: {  	_ =	shalt  }
0x59: {  	_ =	shalt  }
0x5a: {  	_ =	shalt  }
0x5b: {  	_ =	shalt  }
0x5c: {  	_ =	shalt  }
0x5d: {  	_ =	shalt  }
0x5e: {  	_ =	shalt  }
0x5f: {  	_ =	shalt  }
0x60: {  	_ =	shalt  }
0x61: {  	_ =	shalt  }
0x62: {  	_ =	shalt  }
0x63: {  	_ =	shalt  }
0x64: {  	_ =	shalt  }
0x65: {  	_ =	shalt  }
0x66: {  	_ =	shalt  }
0x67: {  	_ =	shalt  }
0x68: {  	_ =	shalt  }
0x69: {  	_ =	shalt  }
0x6a: {  	_ =	shalt  }
0x6b: {  	_ =	shalt  }
0x6c: {  	_ =	shalt  }
0x6d: {  	_ =	shalt  }
0x6e: {  	_ =	shalt  }
0x6f: {  	_ =	shalt  }
0x70: {  	_ =	shalt  }
0x71: {  	_ =	shalt  }
0x72: {  	_ =	shalt  }
0x73: {  	_ =	shalt  }
0x74: {  	_ =	shalt  }
0x75: {  	_ =	shalt  }
0x76: {  	_ =	shalt  }
0x77: {  	_ =	shalt  }
0x78: {  	_ =	shalt  }
0x79: {  	_ =	shalt  }
0x7a: {  	_ =	shalt  }
0x7b: {  	_ =	shalt  }
0x7c: {  	_ =	shalt  }
0x7d: {  	_ =	shalt  }
0x7e: {  	_ =	shalt  }
0x7f: {  	_ =	shalt  }
0x80: {  	_ =	shalt  }
0x81: {  	_ =	shalt  }
0x82: {  	_ =	shalt  }
0x83: {  	_ =	shalt  }
0x84: {  	_ =	shalt  }
0x85: {  	_ =	shalt  }
0x86: {  	_ =	shalt  }
0x87: {  	_ =	shalt  }
.Lfunc_end0:
.L_simem_size_0:
called_computation_lowered:
.L_overlay_start_0:
0x88: {  	s2 =	sld [smem:$0x3FD9]  }
0x89: {  	s3 =	sld [smem:$0x3FFE];
	_ =	sdelay $0x1  }
0x8a: {  	s1 =	srdreg.scid  }
0x8b: {  	s0 =	sand.u32 $0x1, s1  }
0x8c: {  	s18 =	sshll.u32 s0, $0xA;
	s2 =	sadd.s32 s3, s2  }
0x8d: {  	s2 =	sadd.s32 s2, s18  }
0x8e: {  	[smem:$0x3FC7] =	sst s2  }
0x8f: {  	_ = 	snop  }
0x90: {  	s2 =	sld [smem:$0x3FC9]  }
0x91: {  	s19 =	sld [smem:$0x3FD0];
	(tm) =	ssettm $0x1  }
0x92: {  	s4 =	sld [smem:$0x3FFB];
	_ =	sdelay $0x3  }
0x93: {  	_ =	strace s4  }
0x94: {  	s4 =	sld [smem:$0x3FFC];
	_ =	sdelay $0x3  }
0x95: {  	_ =	strace s4  }
0x96: {  	s4 =	sld [smem:$0x3FFD];
	_ =	sdelay $0x3  }
0x97: {  	_ =	strace s4  }
0x98: {  	_ =	strace $0x8FFFFFFF  }
0x99: {  	s20 =	sld [smem:$0x3FDB];
	_ =	sdelay $0x1  }
0x9a: {  	s5 =	simm.s32 $_scs_section_size  }
0x9b: {  	s6 =	simm.s32 $_size__tile_overlayer_lowered;
	s7 =	simm.s32 $_tile_overlayer_lowered  }
0x9c: {  	s23 =	simm.s32 $0x1BFF;
	s22 =	sshll.u32 s7, $0x1;
	s4 =	sadd.s32 s5, s20  }
0x9d: {  	s8 =	simm.s32 $0x0;
	s21 =	sshll.u32 s6, $0x1;
	s6 =	sadd.s32 s22, s4  }
0x9e: {  	[timem:s8], [sflag:s23] =	dma.local [hbm:s6], s21  }
0x9f: {  	_ =	swait.ge [sflag:s23], s21  }
0xa0: {  	s5 =	ssub.s32 $0x0, s21;
	[sflag:s23] =	ssyncset.done $0x0  }
0xa1: {  	[sflag:s23] =	ssyncadd.s32 s5;
	_ =	sdelay $0x1  }
0xa2: {  	s24 =	simm.s32 $0x1B8B  }
0xa3: {  	_ =	swait.ge [sflag:s24], $0x1  }
0xa4: {  	[sflag:s24] =	ssyncset.done $0x0  }
0xa5: {  	s25 =	simm.s32 $0x1B8E;
	[sflag:s24] =	ssyncadd.s32 $0xFFFFFFFF  }
0xa6: {  	s26 =	simm.s32 $execute0_lowered;
	[smem:$0x3FD2] =	sst s25  }
0xa7: {  	s5 =	sshll.u32 s26, $0x1;
	_ =	strace $0x80000046;
	[dreg:$0x1] =	wrdreg $0xFFFFFFFF  }
0xa8: {  	s28 =	simm.s32 $_size_execute0_lowered;
	s4 =	sadd.s32 s4, s5;
	[dreg:$0x0] =	wrdreg $0x0  }
0xa9: {  	s5 =	sshll.u32 s28, $0x1;
	[dreg:$0x2] =	wrdreg s4  }
0xaa: {  	[dreg:$0x3] =	wrdreg s5  }
0xab: {  	[dreg:$0x4] =	wrdreg $0xC0  }
0xac: {  	_ =	task [dreg:s8], $0x5FFFF  }
0xad: {  	[dreg:$0x1] =	wrdreg $0xFFFFFFFF  }
0xae: {  	[dreg:$0x0] =	wrdreg $0x60  }
0xaf: {  	[dreg:$0x2] =	wrdreg s2  }
0xb0: {  	[dreg:$0x3] =	wrdreg s19  }
0xb1: {  	[dreg:$0x4] =	wrdreg $0x9  }
0xb2: {  	_ =	task.clear_ibuf [dreg:s8], $0x5FFFF;
	_ =	strace $0x90000046  }
0xb3: {  	s29 =	simm.s32 $0x9;
	_ =	strace $0x80000048  }
0xb4: {  	_ =	swait.ge [sflag:s29], $0x1  }
0xb5: {  	[sflag:s29] =	ssyncadd.s32 $0xFFFFFFFF  }
0xb6: {  	_ =	strace $0x90000048  }
0xb7: {  	_ =	sfence  }
0xb8: {  	s30 =	sld [smem:$0x0];
	_ =	sdelay $0x2  }
0xb9: {  	s31 =	sshll.u32 s1, $0xD;
	s1 =	sshrl.u32 s1, $0x2  }
0xba: {  	s3 =	sand.u32 $0x4000, s31;
	s1 =	sadd.s32 s1, s30  }
0xbb: {  	s0 =	sor.u32 s3, s0;
	s1 =	sshll.u32 s1, $0x11  }
0xbc: {  	s0 =	sor.u32 s1, s0  }
0xbd: {  	s0 =	sadd.s32 $0x8F2B, s0  }
0xbe: {  	[sflag:s0] =	ssyncadd.remote.s32 $0x1  }
0xbf: {  	_ =	sfence.sel $0xFFFF  }
0xc0: {  	[dreg:$0x0] =	wrdreg $0xFFFFFFFF;
	(pc) =	sbr.abs _section_cstart, $3  }
0xc1: {  	[dreg:$0x1] =	wrdreg $0xFFFFFFFF  }
0xc2: {  	_ =	task.clear_ibuf [dreg:s8], $0x2FFFF;
	_ =	strace $0x9FFFFFFF  }
0xc3: {  	(tm) =	ssettm $0x7FFFFFFF  }
tec
execute0_lowered:
.L_overlay_start_1:
0x0: {  	(tag) =	ssettag $0x1  }
0x1: {  	s5 =	rddreg [dreg:$0x0]  }
0x2: {  	s6 =	rddreg [dreg:$0x1]  }
0x3: {  	s0 =	rddreg [dreg:$0x2]  }
0x4: {  	s2 =	srdreg.scid;
	s1 =	stileid.u32  }
0x5: {  	s9 =	simm.s32 $0x400;
	s10 =	simm.s32 $0x1;
	s11 =	simm.s32 $0x18700  }
0x6: {  	s12 =	simm.s32 $0x2;
	s13 =	simm.s32 $0x0;
	s3 =	sand.u32 $0x1, s2  }
0x7: {  	s28 =	sshll.u32 s1, $0x9;
	s4 =	sshrl.u32 s1, $0x1;
	s7 =	sshll.u32 s3, $0x8  }
0x8: {  	s4 =	smul.u32 $0xC3800, s4;
	s8 =	sand.u32 $0x200, s28;
	s3 =	ssub.s32 $0x2, s3  }
0x9: {  	s2 =	simm.s32 $0x0;
	s7 =	sor.u32 s7, s8;
	s29 =	sshrl.u32 s3, $0x1  }
0xa: {  	[smem:$0x7FF] =	sst s2;
	s4 =	sor.u32 s4, s7;
	s30 =	ssub.s32 s3, s29  }
0xb: {  	_ =	strace $0x80000047;
	s31 =	sshrl.u32 s4, $0x3;
	s7 =	smax.u32 s30, $0x1  }
0xc: {  	s3 =	sadd.s32 s5, s31;
	s4 =	sadd.s32 s6, s31;
	s8 =	sor.u32 $0x10, s31  }
0xd: {  	v0 =	vimm.f32 $0.0e+00;
	v1 =	vlaneseq.u32;
	s5 =	sadd.s32 s5, s8;
	s6 =	sadd.s32 s6, s8;
	s8 =	simm.s32 $0x80  }
.LBB2_1:
0xe: {  	[tilespmem:s2], [sflag:$0x1] =	stream.strided.gather [hbm4b:s3+s8], $0x18700, s9, s8, $0x38;
	[tilespmem:$0x1C700] =	vst v63  }
0xf: {  	s14 =	simm.s32 $0x18740  }
0x10: {  	[tilespmem:s14+$0xFFFFFFC0] =	vst v0  }
0x11: {  	[tilespmem:s14+$0x30] =	vst v0  }
0x12: {  	[tilespmem:s14+$0x20] =	vst v0  }
0x13: {  	[tilespmem:s14+$0x10] =	vst v0  }
0x14: {  	[tilespmem:s14+$0x0] =	vst v0  }
0x15: {  	[tilespmem:s14+$0xFFFFFFF0] =	vst v0  }
0x16: {  	s15 =	simm.s32 $0x0;
	[tilespmem:s14+$0xFFFFFFE0] =	vst v0  }
.LBB2_2:
0x17: {  	s15 =	sadd.s32 $0x80, s15;
	[tilespmem:s14+$0xFFFFFFD0] =	vst v0;
	s14 =	sadd.s32 $0x80, s14  }
0x18: {  	[tilespmem:s14+$0xFFFFFFC0] =	vst v0;
	p0 =	slt.u32 s15, $0x3F80  }
0x19: {  	[tilespmem:s14+$0x30] =	vst v0  }
.Ltmp0:
0x1a: {  	[tilespmem:s14+$0x20] =	vst v0;
	(pc) =	sbr.rel @p0 .LBB2_2-.Ltmp0, $4  }
0x1b: {  	[tilespmem:s14+$0x10] =	vst v0  }
0x1c: {  	[tilespmem:s14+$0x0] =	vst v0  }
0x1d: {  	[tilespmem:s14+$0xFFFFFFF0] =	vst v0  }
0x1e: {  	[tilespmem:s14+$0xFFFFFFE0] =	vst v0  }
0x1f: {  	[tilespmem:s14+$0xFFFFFFD0] =	vst v0  }
0x20: {  	_ =	swait.ge [sflag:s10], $0x18700  }
0x21: {  	[sflag:s10] =	ssyncset.done $0x0  }
0x22: {  	s15 =	simm.s32 $0x18740;
	v2 =	vimm.f32 $0.0e+00;
	[sflag:s10] =	ssyncadd.s32 $0xFFFE7900  }
0x23: {  	[tilespmem:s15+$0x30] =	vst v2  }
0x24: {  	[tilespmem:s15+$0xFFFFFFC0] =	vst v2  }
0x25: {  	[tilespmem:s15+$0xFFFFFFD0] =	vst v2  }
0x26: {  	[tilespmem:s15+$0xFFFFFFE0] =	vst v2  }
0x27: {  	[tilespmem:s15+$0xFFFFFFF0] =	vst v2  }
0x28: {  	[tilespmem:s15+$0x0] =	vst v2  }
0x29: {  	s16 =	simm.s32 $0x0;
	s14 =	simm.s32 $0x50;
	[tilespmem:s15+$0x10] =	vst v2  }
.LBB2_4:
0x2a: {  	s16 =	sadd.s32 $0x80, s16;
	[tilespmem:s15+$0x20] =	vst v2;
	s15 =	sadd.s32 $0x80, s15  }
0x2b: {  	[tilespmem:s15+$0x30] =	vst v2;
	p0 =	slt.u32 s16, $0x3F80  }
0x2c: {  	[tilespmem:s15+$0xFFFFFFC0] =	vst v2  }
.Ltmp1:
0x2d: {  	[tilespmem:s15+$0xFFFFFFD0] =	vst v2;
	(pc) =	sbr.rel @p0 .LBB2_4-.Ltmp1, $4  }
0x2e: {  	[tilespmem:s15+$0xFFFFFFE0] =	vst v2  }
0x2f: {  	[tilespmem:s15+$0xFFFFFFF0] =	vst v2  }
0x30: {  	[tilespmem:s15+$0x0] =	vst v2  }
0x31: {  	[tilespmem:s15+$0x10] =	vst v2  }
0x32: {  	[tilespmem:s15+$0x20] =	vst v2  }
0x33: {  	v3 =	vld [tilespmem:s14+$0xFFFFFFB0];
	_ =	sdelay $0x1  }
0x34: {  	v4 =	vld [tilespmem:s14+$0xFFFFFFC0]  }
0x35: {  	v5 =	vld [tilespmem:s14+$0xFFFFFFD0];
	_ =	sdelay $0x1  }
0x36: {  	v3 =	vmin.f32 v3, $8.000000000e+00  }
0x37: {  	v6 =	vld [tilespmem:s14+$0xFFFFFFE0];
	v3 =	vadd.f32 $-8.000000000e+00, v3  }
0x38: {  	v4 =	vmin.f32 v4, $8.000000000e+00  }
0x39: {  	v7 =	vld [tilespmem:s14+$0xFFFFFFF0];
	v5 =	vmin.f32 v5, $8.000000000e+00;
	v4 =	vadd.f32 $-8.000000000e+00, v4;
	v3 =	vmul.f32 $1.442695020e+00, v3  }
0x3a: {  	v8 =	vld [tilespmem:s14+$0x0];
	v5 =	vadd.f32 $-8.000000000e+00, v5  }
0x3b: {  	v4 =	vmul.f32 $1.442695020e+00, v4;
	(erf) = vpow2.f32 v3  }
0x3c: {  	s16 =	simm.s32 $0x0;
	v5 =	vmul.f32 $1.442695020e+00, v5;
	v3 =	vmin.f32 v6, $8.000000000e+00;
	v6 =	vld [tilespmem:s14+$0x10]  }
0x3d: {  	s15 =	sand.u32 $0x1FFE0, s16;
	v3 =	vadd.f32 $-8.000000000e+00, v3;
	(erf) = vpow2.f32 v4;
	v4 =	vld [tilespmem:s14+$0x20]  }
0x3e: {  	v9 =	vld [tilespmem:s15+$0x80];
	v7 =	vmin.f32 v7, $8.000000000e+00;
	(erf) = vpow2.f32 v5  }
0x3f: {  	v5 =	vadd.f32 $-8.000000000e+00, v7;
	v7 =	vmin.f32 v8, $8.000000000e+00;
	v3 =	vmul.f32 $1.442695020e+00, v3  }
0x40: {  	v8 =	vld [tilespmem:s14+$0x40];
	v7 =	vadd.f32 $-8.000000000e+00, v7  }
0x41: {  	(erf) = vpow2.f32 v3;
	v3 =	vmul.f32 $1.442695020e+00, v5;
	v5 =	vmin.f32 v6, $8.000000000e+00  }
0x42: {  	v6 =	vmul.f32 $1.442695020e+00, v7;
	v4 =	vmin.f32 v4, $8.000000000e+00;
	v7 =	vadd.f32 $-8.000000000e+00, v5  }
0x43: {  	(erf) = vpow2.f32 v3;
	v3 =	vadd.f32 $-8.000000000e+00, v4;
	v4 =	vmin.f32 v9, $8.000000000e+00  }
0x44: {  	v7 =	vmul.f32 $1.442695020e+00, v7;
	v10 =	vadd.f32 $-8.000000000e+00, v4;
	v5 =	vpop (erf)  }
0x45: {  	v4 =	vmin.f32 v8, $8.000000000e+00;
	(erf) = vpow2.f32 v6;
	v9 =	vadd.f32 v5, v2  }
0x46: {  	v3 =	vmul.f32 $1.442695020e+00, v3;
	v2 =	vpop (erf)  }
0x47: {  	v6 =	vshrl.u32 v5, $0x10;
	(erf) = vpow2.f32 v7;
	v8 =	vadd.f32 v2, v9  }
0x48: {  	v11 =	vadd.f32 $-8.000000000e+00, v4;
	v12 =	vmul.f32 $1.442695020e+00, v10;
	v6 =	vand.u32 $0xFFF0, v6;
	v4 =	vpop (erf)  }
0x49: {  	[tilespmem:s14+$0xFFFFFFB0] =	vst v5;
	v7 =	vshrl.u32 v2, $0x10;
	(erf) = vpow2.f32 v3;
	v9 =	vadd.f32 v4, v8  }
0x4a: {  	[tilespmem:s14+$0xFFFFFFC0] =	vst v2;
	v10 =	vmul.f32 $1.442695020e+00, v11;
	v6 =	vor.u32 v1, v6;
	v8 =	vand.u32 $0xFFF0, v7;
	v3 =	vpop (erf)  }
0x4b: {  	s17 =	simm.s32 $0xF0;
	[tilespmem:s14+$0xFFFFFFD0] =	vst v4;
	v7 =	vshrl.u32 v4, $0x10;
	(erf) = vpow2.f32 v12;
	v9 =	vadd.f32 v3, v9  }
.LBB2_6:
0x4c: {  	v11 =	vld [tilespmem:s17+$0xFFFFFFB0];
	v8 =	vor.u32 v1, v8;
	v7 =	vand.u32 $0xFFF0, v7;
	[tilespmem:s14+$0xFFFFFFE0] =	vst v3;
	v12 =	vshrl.u32 v3, $0x10;
	v13 =	vpop (erf)  }
0x4d: {  	[tilespmem:s14+$0xFFFFFFF0] =	vst v13;
	v14 =	vshrl.u32 v13, $0x10;
	v9 =	vadd.f32 v13, v9;
	(erf) = vpow2.f32 v10  }
0x4e: {  	v7 =	vor.u32 v1, v7;
	v12 =	vand.u32 $0xFFF0, v12;
	v10 =	vld [tilespmem:s17+$0xFFFFFFC0];
	v14 =	vand.u32 $0xFFF0, v14;
	v15 =	vpop (erf)  }
0x4f: {  	[tilespmem:v6+s11+$0x0] =	vst.idx.add.f32.msk $0xffff, v5;
	v5 =	vor.u32 v1, v12;
	v6 =	vshrl.u32 v15, $0x10;
	v9 =	vadd.f32 v15, v9  }
0x50: {  	v14 =	vor.u32 v1, v14;
	v12 =	vld [tilespmem:s17+$0xFFFFFFD0];
	[tilespmem:s14+$0x0] =	vst v15;
	v6 =	vand.u32 $0xFFF0, v6;
	v16 =	vpop (erf)  }
0x51: {  	v11 =	vmin.f32 v11, $8.000000000e+00;
	[tilespmem:v8+s11+$0x0] =	vst.idx.add.f32.msk $0xffff, v2;
	v2 =	vshrl.u32 v16, $0x10;
	v8 =	vadd.f32 v16, v9  }
0x52: {  	v6 =	vor.u32 v1, v6;
	v9 =	vadd.f32 $-8.000000000e+00, v11;
	v11 =	vld [tilespmem:s17+$0xFFFFFFE0];
	[tilespmem:s14+$0x10] =	vst v16;
	v2 =	vand.u32 $0xFFF0, v2;
	v17 =	vpop (erf)  }
0x53: {  	v10 =	vmin.f32 v10, $8.000000000e+00;
	[tilespmem:v7+s11+$0x0] =	vst.idx.add.f32.msk $0xffff, v4;
	v4 =	vshrl.u32 v17, $0x10;
	v7 =	vadd.f32 v17, v8  }
0x54: {  	v19 =	vmul.f32 $1.442695020e+00, v9;
	v9 =	vadd.f32 $-8.000000000e+00, v10;
	v10 =	vld [tilespmem:s17+$0xFFFFFFF0];
	[tilespmem:s14+$0x20] =	vst v17;
	v4 =	vand.u32 $0xFFF0, v4;
	v18 =	vpop (erf)  }
0x55: {  	v12 =	vmin.f32 v12, $8.000000000e+00;
	[tilespmem:v5+s11+$0x0] =	vst.idx.add.f32.msk $0xffff, v3;
	v3 =	vshrl.u32 v18, $0x10;
	v5 =	vadd.f32 v18, v7  }
0x56: {  	v7 =	vmul.f32 $1.442695020e+00, v9;
	v9 =	vadd.f32 $-8.000000000e+00, v12;
	v12 =	vld [tilespmem:s17+$0x0];
	(erf) = vpow2.f32 v19;
	[tilespmem:s15+$0x80] =	vst v18;
	v8 =	vpop (erf)  }
0x57: {  	v11 =	vmin.f32 v11, $8.000000000e+00;
	v19 =	vld [tilespmem:s17+$0x10];
	[tilespmem:s14+$0x40] =	vst v8;
	v20 =	vshrl.u32 v8, $0x10;
	v21 =	vadd.f32 v8, v5;
	s14 =	smov.u32 s17  }
0x58: {  	s16 =	sadd.s32 $0xA0, s16;
	v5 =	vmul.f32 $1.442695020e+00, v9;
	v9 =	vadd.f32 $-8.000000000e+00, v11;
	v11 =	vld [tilespmem:s17+$0x20];
	(erf) = vpow2.f32 v7  }
0x59: {  	p0 =	slt.u32 s16, $0x18600;
	s15 =	sand.u32 $0x1FFE0, s16;
	v3 =	vand.u32 $0xFFF0, v3;
	v7 =	vmin.f32 v10, $8.000000000e+00;
	[tilespmem:v14+s11+$0x0] =	vst.idx.add.f32.msk $0xffff, v13;
	v10 =	vand.u32 $0xFFF0, v20  }
0x5a: {  	v9 =	vmul.f32 $1.442695020e+00, v9;
	v7 =	vadd.f32 $-8.000000000e+00, v7;
	v13 =	vld [tilespmem:s15+$0x80];
	(erf) = vpow2.f32 v5  }
0x5b: {  	v5 =	vmin.f32 v12, $8.000000000e+00;
	[tilespmem:v6+s11+$0x0] =	vst.idx.add.f32.msk $0xffff, v15;
	v6 =	vor.u32 v1, v2;
	v2 =	vor.u32 v1, v3  }
0x5c: {  	v3 =	vmul.f32 $1.442695020e+00, v7;
	v14 =	vadd.f32 $-8.000000000e+00, v5;
	v7 =	vld [tilespmem:s17+$0x40];
	(erf) = vpow2.f32 v9  }
0x5d: {  	v4 =	vor.u32 v1, v4;
	v9 =	vmin.f32 v19, $8.000000000e+00;
	v11 =	vmin.f32 v11, $8.000000000e+00  }
0x5e: {  	v9 =	vadd.f32 $-8.000000000e+00, v9;
	v12 =	vmul.f32 $1.442695020e+00, v14;
	(erf) = vpow2.f32 v3  }
0x5f: {  	v10 =	vor.u32 v1, v10;
	v3 =	vadd.f32 $-8.000000000e+00, v11;
	v11 =	vmin.f32 v13, $8.000000000e+00;
	v5 =	vpop (erf)  }
0x60: {  	v9 =	vmul.f32 $1.442695020e+00, v9;
	v13 =	vadd.f32 v5, v21;
	(erf) = vpow2.f32 v12;
	[tilespmem:v2+s11+$0x0] =	vst.idx.add.f32.msk $0xffff, v18  }
0x61: {  	v12 =	vshrl.u32 v5, $0x10;
	v11 =	vadd.f32 $-8.000000000e+00, v11;
	v7 =	vmin.f32 v7, $8.000000000e+00;
	v2 =	vpop (erf);
	[tilespmem:v6+s11+$0x0] =	vst.idx.add.f32.msk $0xffff, v16  }
.Ltmp2:
0x62: {  	v15 =	vmul.f32 $1.442695020e+00, v3;
	v6 =	vadd.f32 v2, v13;
	(erf) = vpow2.f32 v9;
	[tilespmem:v4+s11+$0x0] =	vst.idx.add.f32.msk $0xffff, v17;
	(pc) =	sbr.rel @p0 .LBB2_6-.Ltmp2, $4  }
0x63: {  	v9 =	vand.u32 $0xFFF0, v12;
	v12 =	vshrl.u32 v2, $0x10;
	v13 =	vadd.f32 $-8.000000000e+00, v7;
	[tilespmem:s17+$0xFFFFFFB0] =	vst v5;
	v4 =	vpop (erf)  }
0x64: {  	v11 =	vmul.f32 $1.442695020e+00, v11;
	v14 =	vadd.f32 v4, v6;
	(erf) = vpow2.f32 v15;
	[tilespmem:v10+s11+$0x0] =	vst.idx.add.f32.msk $0xffff, v8  }
0x65: {  	v6 =	vor.u32 v1, v9;
	v8 =	vand.u32 $0xFFF0, v12;
	v7 =	vshrl.u32 v4, $0x10;
	[tilespmem:s17+$0xFFFFFFC0] =	vst v2;
	v3 =	vpop (erf)  }
0x66: {  	v10 =	vmul.f32 $1.442695020e+00, v13;
	s17 =	sadd.s32 $0xA0, s17;
	[tilespmem:s14+$0xFFFFFFD0] =	vst v4;
	v9 =	vadd.f32 v3, v14;
	(erf) = vpow2.f32 v11  }
0x67: {  	v11 =	vpop (erf)  }
0x68: {  	v9 =	vadd.f32 v11, v9;
	(erf) = vpow2.f32 v10  }
0x69: {  	v54 =	vpop (erf)  }
0x6a: {  	v9 =	vadd.f32 v54, v9  }
0x6b: {  	v12 =	vpop (erf)  }
0x6c: {  	v9 =	vadd.f32 v12, v9  }
0x6d: {  	v13 =	vpop (erf)  }
0x6e: {  	v9 =	vadd.f32 v13, v9  }
0x6f: {  	v14 =	vpop (erf)  }
0x70: {  	v9 =	vadd.f32 v14, v9  }
0x71: {  	v15 =	vpop (erf)  }
0x72: {  	v9 =	vadd.f32 v15, v9;
	_ =	sdelay $0x1  }
0x73: {  	(xrf2) =	vadd.scan.msk.f32 $0xffff, v9;
	_ =	sdelay $0x9  }
0x74: {  	v8 =	vor.u32 v1, v8;
	v9, _, _ =	vpop (xrf2)  }
0x75: {  	v7 =	vand.u32 $0xFFF0, v7;
	[tilespmem:s14+$0xFFFFFFE0] =	vst v3;
	(v2sf) =	vpush v9, $0xF  }
0x76: {  	[tilespmem:v6+s11+$0x0] =	vst.idx.add.f32.msk $0xffff, v5;
	v55 =	vshrl.u32 v3, $0x10;
	v56 =	vor.u32 v1, v7  }
0x77: {  	[tilespmem:s14+$0xFFFFFFF0] =	vst v11;
	v5 =	vand.u32 $0xFFF0, v55  }
0x78: {  	v5 =	vor.u32 v1, v5;
	[tilespmem:s14+$0x0] =	vst v54;
	v58 =	vshrl.u32 v54, $0x10  }
0x79: {  	v57 =	vshrl.u32 v11, $0x10;
	v7 =	vand.u32 $0xFFF0, v58;
	[tilespmem:v8+s11+$0x0] =	vst.idx.add.f32.msk $0xffff, v2  }
0x7a: {  	v2 =	vand.u32 $0xFFF0, v57;
	[tilespmem:s14+$0x10] =	vst v12;
	v7 =	vor.u32 v1, v7  }
0x7b: {  	v60 =	vshrl.u32 v12, $0x10;
	v2 =	vor.u32 v1, v2;
	[tilespmem:v56+s11+$0x0] =	vst.idx.add.f32.msk $0xffff, v4  }
0x7c: {  	v6 =	vand.u32 $0xFFF0, v60;
	[tilespmem:s14+$0x20] =	vst v13;
	v59 =	vshrl.u32 v14, $0x10  }
0x7d: {  	v61 =	vshrl.u32 v13, $0x10;
	[tilespmem:v5+s11+$0x0] =	vst.idx.add.f32.msk $0xffff, v3;
	v6 =	vor.u32 v1, v6;
	v4 =	vand.u32 $0xFFF0, v59  }
0x7e: {  	v62 =	vand.u32 $0xFFF0, v61;
	[tilespmem:s15+$0x80] =	vst v14;
	v3 =	vor.u32 v1, v4;
	v63 =	vshrl.u32 v15, $0x10  }
0x7f: {  	[tilespmem:v7+s11+$0x0] =	vst.idx.add.f32.msk $0xffff, v54;
	v4 =	vor.u32 v1, v62;
	v5 =	vand.u32 $0xFFF0, v63  }
0x80: {  	[tilespmem:v2+s11+$0x0] =	vst.idx.add.f32.msk $0xffff, v11;
	v2 =	vor.u32 v1, v5  }
0x81: {  	[tilespmem:s14+$0x40] =	vst v15  }
0x82: {  	[tilespmem:v6+s11+$0x0] =	vst.idx.add.f32.msk $0xffff, v12  }
0x83: {  	[tilespmem:v3+s11+$0x0] =	vst.idx.add.f32.msk $0xffff, v14  }
0x84: {  	[tilespmem:v4+s11+$0x0] =	vst.idx.add.f32.msk $0xffff, v13;
	s31 =	spop (v2sf)  }
0x85: {  	s15 =	simm.s32 $0x3F;
	s14 =	simm.f32 $0.0e+00;
	[tilespmem:v2+s11+$0x0] =	vst.idx.add.f32.msk $0xffff, v15;
	s16 =	smul.f32 $8.000000110e-01, s31  }
.LBB2_8:
0x86: {  	s17 =	sshll.u32 s15, $0xA  }
0x87: {  	s17 =	sshra.s32 s17, $0x2  }
0x88: {  	v2 =	vld [tilespmem:s17+$0x18700]  }
0x89: {  	v3 =	vld [tilespmem:s17+$0x18710];
	_ =	sdelay $0x1  }
0x8a: {  	v4 =	vld [tilespmem:s17+$0x18720];
	_ =	sdelay $0x1  }
0x8b: {  	v5 =	vld [tilespmem:s17+$0x18730]  }
0x8c: {  	v2 =	vadd.f32 v3, v2  }
0x8d: {  	v3 =	vld [tilespmem:s17+$0x18740]  }
0x8e: {  	v2 =	vadd.f32 v4, v2  }
0x8f: {  	v56 =	vld [tilespmem:s17+$0x18750]  }
0x90: {  	v2 =	vadd.f32 v5, v2  }
0x91: {  	v57 =	vld [tilespmem:s17+$0x18760]  }
0x92: {  	v2 =	vadd.f32 v3, v2  }
0x93: {  	v3 =	vld [tilespmem:s17+$0x18770]  }
0x94: {  	v2 =	vadd.f32 v56, v2  }
0x95: {  	v58 =	vld [tilespmem:s17+$0x18780]  }
0x96: {  	v2 =	vadd.f32 v57, v2  }
0x97: {  	v59 =	vld [tilespmem:s17+$0x18790]  }
0x98: {  	v2 =	vadd.f32 v3, v2  }
0x99: {  	v3 =	vld [tilespmem:s17+$0x187A0]  }
0x9a: {  	v2 =	vadd.f32 v58, v2  }
0x9b: {  	v60 =	vld [tilespmem:s17+$0x187B0]  }
0x9c: {  	v2 =	vadd.f32 v59, v2  }
0x9d: {  	v61 =	vld [tilespmem:s17+$0x187C0]  }
0x9e: {  	v2 =	vadd.f32 v3, v2  }
0x9f: {  	v3 =	vld [tilespmem:s17+$0x187D0]  }
0xa0: {  	v2 =	vadd.f32 v60, v2  }
0xa1: {  	v62 =	vld [tilespmem:s17+$0x187E0]  }
0xa2: {  	v2 =	vadd.f32 v61, v2  }
0xa3: {  	v63 =	vld [tilespmem:s17+$0x187F0]  }
0xa4: {  	v2 =	vadd.f32 v3, v2;
	_ =	sdelay $0x1  }
0xa5: {  	v2 =	vadd.f32 v62, v2;
	_ =	sdelay $0x1  }
0xa6: {  	v2 =	vadd.f32 v63, v2;
	_ =	sdelay $0x1  }
0xa7: {  	(xrf2) =	vadd.scan.msk.f32 $0xffff, v2;
	_ =	sdelay $0x9  }
0xa8: {  	v2, _, _ =	vpop (xrf2)  }
0xa9: {  	(v2sf) =	vpush v2, $0xF;
	_ =	sdelay $0xe  }
0xaa: {  	s18 =	smov.u32 s14;
	s31 =	spop (v2sf)  }
0xab: {  	s14 =	sadd.f32 s31, s18;
	_ =	sdelay $0x1  }
0xac: {  	p0 =	sgt.f32 s14, s16;
	_ =	sdelay $0x1  }
0xad: {  	p1 =	sne.s32 s15, $0x0;
	p0 =	por !p0, !p0  }
0xae: {  	p0 =	por !p1, !p0  }
0xaf: {  	p0 =	por !p0, !p0  }
.Ltmp3:
0xb0: {  	_ = 	snop;
	(pc) =	sbr.rel @p0 .LBB2_8-.Ltmp3, $4  }
0xb1: {  	_ = 	snop  }
0xb2: {  	s17 =	simm.s32 $0x1  }
0xb3: {  	s17 =	simm.s32 @!p0 $0x0  }
0xb4: {  	s15 =	ssub.s32 s15, s17  }
0xb5: {  	s20 =	sshll.u32 s15, $0x8;
	s17 =	simm.s32 $0xF  }
.LBB2_10:
0xb6: {  	s14 =	sshll.u32 s17, $0x4  }
0xb7: {  	s19 =	sadd.s32 s20, s14  }
0xb8: {  	s14 =	sand.u32 $0x70, s14;
	s19 =	sand.u32 $0xFFFFFF80, s19  }
0xb9: {  	s14 =	sor.u32 s14, s19  }
0xba: {  	v2 =	vld [tilespmem:s14+$0x18700];
	_ =	sdelay $0x4  }
0xbb: {  	(xrf2) =	vadd.scan.msk.f32 $0xffff, v2;
	_ =	sdelay $0x9  }
0xbc: {  	v2, _, _ =	vpop (xrf2)  }
0xbd: {  	(v2sf) =	vpush v2, $0xF;
	_ =	sdelay $0xe  }
0xbe: {  	s14 =	smov.u32 s18;
	s31 =	spop (v2sf)  }
0xbf: {  	s18 =	sadd.f32 s31, s14;
	_ =	sdelay $0x1  }
0xc0: {  	p0 =	sgt.f32 s18, s16;
	_ =	sdelay $0x1  }
0xc1: {  	p1 =	sne.s32 s17, $0x0;
	p0 =	por !p0, !p0  }
0xc2: {  	p0 =	por !p1, !p0  }
0xc3: {  	p0 =	por !p0, !p0  }
.Ltmp4:
0xc4: {  	_ = 	snop;
	(pc) =	sbr.rel @p0 .LBB2_10-.Ltmp4, $4  }
0xc5: {  	_ = 	snop  }
0xc6: {  	s19 =	simm.s32 $0x1  }
0xc7: {  	s19 =	simm.s32 @!p0 $0x0  }
0xc8: {  	s21 =	simm.s32 $0xFFFFFF80;
	s17 =	ssub.s32 s17, s19;
	s19 =	simm.s32 $0x18740  }
0xc9: {  	[tilespmem:s19+$0xFFFFFFC0] =	vst v0  }
0xca: {  	[tilespmem:s19+$0x30] =	vst v0  }
0xcb: {  	[tilespmem:s19+$0x20] =	vst v0  }
0xcc: {  	[tilespmem:s19+$0x10] =	vst v0  }
0xcd: {  	[tilespmem:s19+$0x0] =	vst v0  }
0xce: {  	[tilespmem:s19+$0xFFFFFFF0] =	vst v0  }
0xcf: {  	s18 =	sadd.s32 $0x80, s21;
	[tilespmem:s19+$0xFFFFFFE0] =	vst v0  }
.LBB2_12:
0xd0: {  	s18 =	sadd.s32 $0x80, s18;
	[tilespmem:s19+$0xFFFFFFD0] =	vst v0;
	s19 =	sadd.s32 $0x80, s19  }
0xd1: {  	[tilespmem:s19+$0xFFFFFFC0] =	vst v0;
	p0 =	slt.u32 s18, $0x3F80  }
0xd2: {  	[tilespmem:s19+$0x30] =	vst v0  }
.Ltmp5:
0xd3: {  	[tilespmem:s19+$0x20] =	vst v0;
	(pc) =	sbr.rel @p0 .LBB2_12-.Ltmp5, $4  }
0xd4: {  	[tilespmem:s19+$0x10] =	vst v0  }
0xd5: {  	[tilespmem:s19+$0x0] =	vst v0  }
0xd6: {  	[tilespmem:s19+$0xFFFFFFF0] =	vst v0  }
0xd7: {  	[tilespmem:s19+$0xFFFFFFE0] =	vst v0  }
0xd8: {  	[tilespmem:s19+$0xFFFFFFD0] =	vst v0;
	s18 =	simm.s32 $0x50  }
0xd9: {  	v4 =	vld [tilespmem:s18+$0xFFFFFFF0]  }
0xda: {  	v5 =	vld [tilespmem:s18+$0xFFFFFFC0]  }
0xdb: {  	v15 =	vld [tilespmem:s18+$0xFFFFFFE0]  }
0xdc: {  	v3 =	vld [tilespmem:s18+$0x10]  }
0xdd: {  	v8 =	vld [tilespmem:s18+$0x20]  }
0xde: {  	s15 =	sshll.u32 s15, $0x4;
	v10 =	vld [tilespmem:s18+$0xFFFFFFB0]  }
0xdf: {  	s15 =	sadd.s32 s15, s17  }
0xe0: {  	v2 =	vmov s15  }
0xe1: {  	v6 =	vshra.s32 v15, $0x14;
	v7 =	vshrl.u32 v15, $0x6;
	v12 =	vshrl.u32 v4, $0x6  }
0xe2: {  	s17 =	simm.s32 $0x0;
	v11 =	vshra.s32 v5, $0x14;
	v17 =	vshrl.u32 v3, $0x6;
	v19 =	vshra.s32 v8, $0x14  }
0xe3: {  	s31 =	sand.u32 $0x1FFE0, s17;
	vm2 =	veq.s32 v6, v2;
	v6 =	vshrl.u32 v10, $0x6;
	v7 =	vand.u32 $0x3FF0, v7  }
0xe4: {  	v9 =	vld [tilespmem:s31+$0x80];
	vm0 =	veq.s32 v11, v2;
	v11 =	vshra.s32 v10, $0x14;
	v18 =	vor.u32 v1, v7  }
0xe5: {  	v21 =	vshra.s32 v3, $0x14;
	v6 =	vand.u32 $0x3FF0, v6;
	vm3 =	veq.s32 v11, v2  }
0xe6: {  	v7 =	vshrl.u32 v8, $0x6;
	v11 =	vshrl.u32 v5, $0x6;
	v14 =	vor.u32 v1, v6;
	v6 =	vld [tilespmem:s18+$0xFFFFFFD0]  }
0xe7: {  	vm1 =	veq.s32 v21, v2;
	v20 =	vand.u32 $0x3FF0, v7;
	v11 =	vand.u32 $0x3FF0, v11;
	v7 =	vld [tilespmem:s18+$0x0]  }
0xe8: {  	vm4 =	veq.s32 v19, v2;
	v17 =	vand.u32 $0x3FF0, v17;
	v13 =	vor.u32 v1, v11;
	v11 =	vld [tilespmem:s18+$0x40]  }
0xe9: {  	v16 =	vshrl.u32 v9, $0x6;
	s18 =	simm.s32 $0xF0;
	[tilespmem:v18+s11+$0x0] =	vst.idx.add.f32.msk vm2, v15;
	v18 =	vshra.s32 v4, $0x14;
	v15 =	vor.u32 v1, v20  }
.LBB2_14:
0xea: {  	s17 =	sadd.s32 $0xA0, s17;
	v19 =	vld [tilespmem:s18+$0xFFFFFFB0];
	vm2 =	veq.s32 v18, v2;
	v12 =	vand.u32 $0x3FF0, v12;
	v18 =	vshra.s32 v9, $0x14  }
0xeb: {  	s19 =	sand.u32 $0x1FFE0, s17;
	p0 =	slt.u32 s17, $0x18600;
	[tilespmem:v14+s11+$0x0] =	vst.idx.add.f32.msk vm3, v10;
	v20 =	vor.u32 v1, v12;
	v14 =	vor.u32 v1, v17;
	v10 =	vand.u32 $0x3FF0, v16  }
0xec: {  	v12 =	vshra.s32 v6, $0x14;
	v17 =	vshrl.u32 v6, $0x6;
	vm3 =	veq.s32 v18, v2;
	v16 =	vld [tilespmem:s18+$0xFFFFFFF0]  }
0xed: {  	v17 =	vand.u32 $0x3FF0, v17;
	v18 =	vld [tilespmem:s18+$0xFFFFFFC0];
	v21 =	vshra.s32 v11, $0x14;
	v22 =	vshrl.u32 v11, $0x6  }
0xee: {  	v23 =	vshra.s32 v7, $0x14;
	v24 =	vshrl.u32 v7, $0x6;
	v17 =	vor.u32 v1, v17;
	[tilespmem:v15+s11+$0x0] =	vst.idx.add.f32.msk vm4, v8  }
0xef: {  	vm4 =	veq.s32 v23, v2;
	v23 =	vor.u32 v1, v10;
	v8 =	vand.u32 $0x3FF0, v22;
	v15 =	vld [tilespmem:s18+$0x10];
	v10 =	vmovc v19  }
0xf0: {  	v22 =	vand.u32 $0x3FF0, v24;
	vm6 =	veq.s32 v21, v2;
	v21 =	vor.u32 v1, v8;
	v19 =	vld [tilespmem:s18+$0xFFFFFFE0]  }
0xf1: {  	vm7 =	veq.s32 v12, v2;
	v22 =	vor.u32 v1, v22;
	v24 =	vld [tilespmem:s18+$0xFFFFFFD0]  }
0xf2: {  	v8 =	vld [tilespmem:s18+$0x20]  }
0xf3: {  	v25 =	vld [tilespmem:s19+$0x80]  }
0xf4: {  	[tilespmem:v13+s11+$0x0] =	vst.idx.add.f32.msk vm0, v5;
	v5 =	vmov v18  }
0xf5: {  	v12 =	vshrl.u32 v16, $0x6;
	v13 =	vshra.s32 v19, $0x14;
	v18 =	vshrl.u32 v19, $0x6;
	[tilespmem:v23+s11+$0x0] =	vst.idx.add.f32.msk vm3, v9  }
0xf6: {  	v9 =	vshra.s32 v5, $0x14;
	v23 =	vshrl.u32 v15, $0x6;
	vm5 =	veq.s32 v13, v2;
	[tilespmem:v21+s11+$0x0] =	vst.idx.add.f32.msk vm6, v11  }
0xf7: {  	v11 =	vshrl.u32 v10, $0x6;
	vm0 =	veq.s32 v9, v2;
	v9 =	vand.u32 $0x3FF0, v18;
	[tilespmem:v17+s11+$0x0] =	vst.idx.add.f32.msk vm7, v6;
	v6 =	vmovc v24  }
0xf8: {  	v13 =	vshra.s32 v10, $0x14;
	v11 =	vand.u32 $0x3FF0, v11;
	v17 =	vor.u32 v1, v9;
	[tilespmem:v14+s11+$0x0] =	vst.idx.add.f32.msk vm1, v3;
	v3 =	vmovc v15  }
.Ltmp6:
0xf9: {  	vm3 =	veq.s32 v13, v2;
	v13 =	vshrl.u32 v8, $0x6;
	v14 =	vor.u32 v1, v11;
	[tilespmem:v20+s11+$0x0] =	vst.idx.add.f32.msk vm2, v4;
	(pc) =	sbr.rel @p0 .LBB2_14-.Ltmp6, $4  }
0xfa: {  	v11 =	vshrl.u32 v5, $0x6;
	v15 =	vshra.s32 v8, $0x14;
	v20 =	vand.u32 $0x3FF0, v13;
	v4 =	vmovc v16;
	v9 =	vmovc v25;
	[tilespmem:v22+s11+$0x0] =	vst.idx.add.f32.msk vm4, v7  }
0xfb: {  	v11 =	vand.u32 $0x3FF0, v11;
	v18 =	vshra.s32 v3, $0x14;
	v16 =	vshrl.u32 v9, $0x6;
	v7 =	vld [tilespmem:s18+$0x0]  }
0xfc: {  	v13 =	vor.u32 v1, v11;
	vm1 =	veq.s32 v18, v2;
	vm4 =	veq.s32 v15, v2;
	v11 =	vld [tilespmem:s18+$0x40]  }
0xfd: {  	v18 =	vshra.s32 v4, $0x14;
	v15 =	vor.u32 v1, v20;
	s18 =	sadd.s32 $0xA0, s18;
	[tilespmem:v17+s11+$0x0] =	vst.idx.add.f32.msk vm5, v19;
	v17 =	vand.u32 $0x3FF0, v23  }
0xfe: {  	v19 =	vshra.s32 v9, $0x14  }
0xff: {  	v16 =	vand.u32 $0x3FF0, v16;
	v20 =	vshra.s32 v6, $0x14;
	v57 =	vshrl.u32 v6, $0x6  }
0x100: {  	vm14 =	veq.s32 v18, v2;
	v58 =	vand.u32 $0x3FF0, v12;
	v60 =	vor.u32 v1, v17  }
0x101: {  	vm2 =	veq.s32 v19, v2;
	v16 =	vor.u32 v1, v16;
	vm6 =	veq.s32 v20, v2  }
0x102: {  	v63 =	vor.u32 v1, v58;
	v21 =	vshra.s32 v11, $0x14;
	v56 =	vshrl.u32 v11, $0x6  }
0x103: {  	[tilespmem:v14+s11+$0x0] =	vst.idx.add.f32.msk vm3, v10;
	v61 =	vshra.s32 v7, $0x14;
	vm5 =	veq.s32 v21, v2;
	v19 =	vand.u32 $0x3FF0, v56  }
0x104: {  	[tilespmem:v15+s11+$0x0] =	vst.idx.add.f32.msk vm4, v8;
	v62 =	vshrl.u32 v7, $0x6;
	v21 =	vand.u32 $0x3FF0, v57;
	v19 =	vor.u32 v1, v19  }
0x105: {  	[tilespmem:v13+s11+$0x0] =	vst.idx.add.f32.msk vm0, v5;
	vm15 =	veq.s32 v61, v2;
	v2 =	vand.u32 $0x3FF0, v62;
	v59 =	vor.u32 v1, v21  }
0x106: {  	v2 =	vor.u32 v1, v2;
	[tilespmem:v60+s11+$0x0] =	vst.idx.add.f32.msk vm1, v3  }
0x107: {  	[tilespmem:v63+s11+$0x0] =	vst.idx.add.f32.msk vm14, v4  }
0x108: {  	[tilespmem:v16+s11+$0x0] =	vst.idx.add.f32.msk vm2, v9  }
0x109: {  	[tilespmem:v19+s11+$0x0] =	vst.idx.add.f32.msk vm5, v11  }
0x10a: {  	[tilespmem:v59+s11+$0x0] =	vst.idx.add.f32.msk vm6, v6  }
0x10b: {  	s17 =	ssub.f32 s16, s14;
	s18 =	simm.s32 $0x3F;
	s16 =	simm.f32 $0.0e+00;
	[tilespmem:v2+s11+$0x0] =	vst.idx.add.f32.msk vm15, v7  }
.LBB2_16:
0x10c: {  	s19 =	sshll.u32 s18, $0xA  }
0x10d: {  	s19 =	sshra.s32 s19, $0x2  }
0x10e: {  	v2 =	vld [tilespmem:s19+$0x18700]  }
0x10f: {  	v3 =	vld [tilespmem:s19+$0x18710];
	_ =	sdelay $0x1  }
0x110: {  	v4 =	vld [tilespmem:s19+$0x18720];
	_ =	sdelay $0x1  }
0x111: {  	v5 =	vld [tilespmem:s19+$0x18730]  }
0x112: {  	v2 =	vadd.f32 v3, v2  }
0x113: {  	v3 =	vld [tilespmem:s19+$0x18740]  }
0x114: {  	v2 =	vadd.f32 v4, v2  }
0x115: {  	v56 =	vld [tilespmem:s19+$0x18750]  }
0x116: {  	v2 =	vadd.f32 v5, v2  }
0x117: {  	v57 =	vld [tilespmem:s19+$0x18760]  }
0x118: {  	v2 =	vadd.f32 v3, v2  }
0x119: {  	v3 =	vld [tilespmem:s19+$0x18770]  }
0x11a: {  	v2 =	vadd.f32 v56, v2  }
0x11b: {  	v58 =	vld [tilespmem:s19+$0x18780]  }
0x11c: {  	v2 =	vadd.f32 v57, v2  }
0x11d: {  	v59 =	vld [tilespmem:s19+$0x18790]  }
0x11e: {  	v2 =	vadd.f32 v3, v2  }
0x11f: {  	v3 =	vld [tilespmem:s19+$0x187A0]  }
0x120: {  	v2 =	vadd.f32 v58, v2  }
0x121: {  	v60 =	vld [tilespmem:s19+$0x187B0]  }
0x122: {  	v2 =	vadd.f32 v59, v2  }
0x123: {  	v61 =	vld [tilespmem:s19+$0x187C0]  }
0x124: {  	v2 =	vadd.f32 v3, v2  }
0x125: {  	v3 =	vld [tilespmem:s19+$0x187D0]  }
0x126: {  	v2 =	vadd.f32 v60, v2  }
0x127: {  	v62 =	vld [tilespmem:s19+$0x187E0]  }
0x128: {  	v2 =	vadd.f32 v61, v2  }
0x129: {  	v63 =	vld [tilespmem:s19+$0x187F0]  }
0x12a: {  	v2 =	vadd.f32 v3, v2;
	_ =	sdelay $0x1  }
0x12b: {  	v2 =	vadd.f32 v62, v2;
	_ =	sdelay $0x1  }
0x12c: {  	v2 =	vadd.f32 v63, v2;
	_ =	sdelay $0x1  }
0x12d: {  	(xrf2) =	vadd.scan.msk.f32 $0xffff, v2;
	_ =	sdelay $0x9  }
0x12e: {  	v2, _, _ =	vpop (xrf2)  }
0x12f: {  	(v2sf) =	vpush v2, $0xF;
	_ =	sdelay $0xe  }
0x130: {  	s20 =	smov.u32 s16;
	s31 =	spop (v2sf)  }
0x131: {  	s16 =	sadd.f32 s31, s20;
	_ =	sdelay $0x1  }
0x132: {  	p0 =	sgt.f32 s16, s17;
	_ =	sdelay $0x1  }
0x133: {  	p1 =	sne.s32 s18, $0x0;
	p0 =	por !p0, !p0  }
0x134: {  	p0 =	por !p1, !p0  }
0x135: {  	p0 =	por !p0, !p0  }
.Ltmp7:
0x136: {  	_ = 	snop;
	(pc) =	sbr.rel @p0 .LBB2_16-.Ltmp7, $4  }
0x137: {  	_ = 	snop  }
0x138: {  	s19 =	simm.s32 $0x1  }
0x139: {  	s19 =	simm.s32 @!p0 $0x0  }
0x13a: {  	s18 =	ssub.s32 s18, s19  }
0x13b: {  	s22 =	sshll.u32 s18, $0x8;
	s19 =	simm.s32 $0xF  }
.LBB2_18:
0x13c: {  	s16 =	sshll.u32 s19, $0x4  }
0x13d: {  	s21 =	sadd.s32 s22, s16  }
0x13e: {  	s16 =	sand.u32 $0x70, s16;
	s21 =	sand.u32 $0xFFFFFF80, s21  }
0x13f: {  	s16 =	sor.u32 s16, s21  }
0x140: {  	v2 =	vld [tilespmem:s16+$0x18700];
	_ =	sdelay $0x4  }
0x141: {  	(xrf2) =	vadd.scan.msk.f32 $0xffff, v2;
	_ =	sdelay $0x9  }
0x142: {  	v2, _, _ =	vpop (xrf2)  }
0x143: {  	(v2sf) =	vpush v2, $0xF;
	_ =	sdelay $0xe  }
0x144: {  	s16 =	smov.u32 s20;
	s31 =	spop (v2sf)  }
0x145: {  	s20 =	sadd.f32 s31, s16;
	_ =	sdelay $0x1  }
0x146: {  	p0 =	sgt.f32 s20, s17;
	_ =	sdelay $0x1  }
0x147: {  	p1 =	sne.s32 s19, $0x0;
	p0 =	por !p0, !p0  }
0x148: {  	p0 =	por !p1, !p0  }
0x149: {  	p0 =	por !p0, !p0  }
.Ltmp8:
0x14a: {  	_ = 	snop;
	(pc) =	sbr.rel @p0 .LBB2_18-.Ltmp8, $4  }
0x14b: {  	_ = 	snop  }
0x14c: {  	s21 =	simm.s32 $0x1  }
0x14d: {  	s21 =	simm.s32 @!p0 $0x0  }
0x14e: {  	s23 =	simm.s32 $0xFFFFFF80;
	s19 =	ssub.s32 s19, s21;
	s21 =	simm.s32 $0x18740  }
0x14f: {  	[tilespmem:s21+$0xFFFFFFC0] =	vst v0  }
0x150: {  	[tilespmem:s21+$0x30] =	vst v0  }
0x151: {  	[tilespmem:s21+$0x20] =	vst v0  }
0x152: {  	[tilespmem:s21+$0x10] =	vst v0  }
0x153: {  	[tilespmem:s21+$0x0] =	vst v0  }
0x154: {  	[tilespmem:s21+$0xFFFFFFF0] =	vst v0  }
0x155: {  	s20 =	sadd.s32 $0x80, s23;
	[tilespmem:s21+$0xFFFFFFE0] =	vst v0  }
.LBB2_20:
0x156: {  	s20 =	sadd.s32 $0x80, s20;
	[tilespmem:s21+$0xFFFFFFD0] =	vst v0;
	s21 =	sadd.s32 $0x80, s21  }
0x157: {  	[tilespmem:s21+$0xFFFFFFC0] =	vst v0;
	p0 =	slt.u32 s20, $0x3F80  }
0x158: {  	[tilespmem:s21+$0x30] =	vst v0  }
.Ltmp9:
0x159: {  	[tilespmem:s21+$0x20] =	vst v0;
	(pc) =	sbr.rel @p0 .LBB2_20-.Ltmp9, $4  }
0x15a: {  	[tilespmem:s21+$0x10] =	vst v0  }
0x15b: {  	[tilespmem:s21+$0x0] =	vst v0  }
0x15c: {  	[tilespmem:s21+$0xFFFFFFF0] =	vst v0  }
0x15d: {  	[tilespmem:s21+$0xFFFFFFE0] =	vst v0  }
0x15e: {  	[tilespmem:s21+$0xFFFFFFD0] =	vst v0;
	s29 =	simm.s32 $0x50  }
0x15f: {  	v17 =	vld [tilespmem:s29+$0xFFFFFFB0]  }
0x160: {  	s20 =	simm.s32 $0x0;
	v22 =	vld [tilespmem:s29+$0xFFFFFFC0]  }
0x161: {  	s26 =	simm.s32 $0xA0;
	s20 =	sand.u32 $0x1FFE0, s20;
	v24 =	vld [tilespmem:s29+$0xFFFFFFD0]  }
0x162: {  	s18 =	sshll.u32 s18, $0x4;
	s28 =	sand.u32 $0x1FFE0, s26;
	v3 =	vld [tilespmem:s20+$0x80]  }
0x163: {  	s30 =	sshll.u32 s15, $0xA;
	s18 =	sadd.s32 s18, s19;
	v4 =	vld [tilespmem:s28+$0x80]  }
0x164: {  	s19 =	sadd.s32 s30, s18  }
0x165: {  	v2 =	vmov s19;
	v10 =	vshll.u32 v17, $0x4  }
0x166: {  	v5 =	vld [tilespmem:s29+$0x40];
	s20 =	simm.s32 $0xF0;
	v11 =	vshra.s32 v17, $0xA;
	v12 =	vshll.u32 v22, $0x4;
	v15 =	vshll.u32 v24, $0x4  }
0x167: {  	v35 =	vld [tilespmem:s20+$0x40];
	v16 =	vshra.s32 v24, $0xA;
	v6 =	vshra.s32 v3, $0xA;
	v7 =	vshll.u32 v3, $0x4  }
0x168: {  	v8 =	vshra.s32 v4, $0xA;
	v10 =	vor.u32 v1, v10;
	v12 =	vor.u32 v1, v12  }
0x169: {  	v15 =	vor.u32 v1, v15;
	vm8 =	veq.s32 v11, v2;
	vm6 =	veq.s32 v16, v2  }
0x16a: {  	v27 =	vld [tilespmem:s29+$0xFFFFFFE0];
	vm1 =	veq.s32 v6, v2;
	v6 =	vor.u32 v1, v7;
	v7 =	vshll.u32 v4, $0x4  }
0x16b: {  	v31 =	vld [tilespmem:s29+$0xFFFFFFF0];
	vm0 =	veq.s32 v8, v2;
	v8 =	vshll.u32 v5, $0x4;
	v29 =	vand.u32 $0x3FFF, v10  }
0x16c: {  	v32 =	vld [tilespmem:s29+$0x0];
	v30 =	vand.u32 $0x3FFF, v12;
	v33 =	vand.u32 $0x3FFF, v15;
	v10 =	vshra.s32 v35, $0xA  }
0x16d: {  	v12 =	vld [tilespmem:s20+$0xFFFFFFF0];
	v11 =	vshll.u32 v35, $0x4;
	v6 =	vand.u32 $0x3FFF, v6;
	v7 =	vor.u32 v1, v7  }
0x16e: {  	v8 =	vor.u32 v1, v8;
	vm9 =	veq.s32 v10, v2;
	v10 =	vor.u32 v1, v11;
	v11 =	vld [tilespmem:s20+$0x10]  }
0x16f: {  	v9 =	vand.u32 $0x3FFF, v7;
	v7 =	vshra.s32 v5, $0xA;
	v13 =	vand.u32 $0x3FFF, v8;
	v8 =	vld [tilespmem:s29+$0x20]  }
0x170: {  	vm2 =	veq.s32 v7, v2;
	v7 =	vld [tilespmem:s29+$0x10]  }
0x171: {  	v14 =	vshra.s32 v22, $0xA;
	v18 =	vshll.u32 v27, $0x4;
	v19 =	vshra.s32 v27, $0xA;
	[tilespmem:v29+s11+$0x0] =	vst.idx.add.f32.msk vm8, v17  }
0x172: {  	v20 =	vshll.u32 v31, $0x4;
	v21 =	vshra.s32 v31, $0xA;
	v18 =	vor.u32 v1, v18;
	[tilespmem:v33+s11+$0x0] =	vst.idx.add.f32.msk vm6, v24  }
0x173: {  	v23 =	vshll.u32 v32, $0x4;
	v20 =	vor.u32 v1, v20;
	vm7 =	veq.s32 v14, v2;
	[tilespmem:v6+s11+$0x0] =	vst.idx.add.f32.msk vm1, v3  }
0x174: {  	v25 =	vshra.s32 v32, $0xA;
	vm4 =	veq.s32 v19, v2;
	vm3 =	veq.s32 v21, v2;
	[tilespmem:v9+s11+$0x0] =	vst.idx.add.f32.msk vm0, v4  }
0x175: {  	s19 =	simm.s32 $0x140;
	vm5 =	veq.s32 v25, v2;
	v34 =	vand.u32 $0x3FFF, v18;
	v17 =	vshll.u32 v12, $0x4;
	v4 =	vld [tilespmem:s20+$0xFFFFFFB0]  }
0x176: {  	s31 =	sand.u32 $0x1FFE0, s19;
	v36 =	vand.u32 $0x3FFF, v20;
	v6 =	vor.u32 v1, v23;
	v24 =	vor.u32 v1, v17;
	[tilespmem:v13+s11+$0x0] =	vst.idx.add.f32.msk vm2, v5  }
0x177: {  	v17 =	vshll.u32 v11, $0x4;
	v26 =	vshra.s32 v8, $0xA;
	v37 =	vand.u32 $0x3FFF, v6;
	v13 =	vld [tilespmem:s31+$0x80]  }
0x178: {  	v6 =	vld [tilespmem:s20+$0xFFFFFFD0];
	v29 =	vor.u32 v1, v17;
	v3 =	vshll.u32 v7, $0x4;
	v23 =	vshra.s32 v7, $0xA  }
0x179: {  	vm0 =	veq.s32 v26, v2;
	v26 =	vand.u32 $0x3FFF, v10;
	v5 =	vshll.u32 v8, $0x4  }
0x17a: {  	v10 =	vld [tilespmem:s20+$0x20];
	v3 =	vor.u32 v1, v3;
	vm1 =	veq.s32 v23, v2;
	v28 =	vor.u32 v1, v5  }
0x17b: {  	v14 =	vand.u32 $0x3FFF, v3;
	v5 =	vld [tilespmem:s20+$0xFFFFFFC0];
	v15 =	vand.u32 $0x3FFF, v28;
	v18 =	vshll.u32 v4, $0x4  }
0x17c: {  	[tilespmem:v30+s11+$0x0] =	vst.idx.add.f32.msk vm7, v22;
	v38 =	vshra.s32 v4, $0xA;
	v3 =	vshra.s32 v13, $0xA;
	v9 =	vshll.u32 v13, $0x4  }
0x17d: {  	v20 =	vshll.u32 v6, $0x4;
	vm2 =	veq.s32 v3, v2;
	v9 =	vor.u32 v1, v9;
	v3 =	vld [tilespmem:s20+$0xFFFFFFE0]  }
0x17e: {  	v39 =	vor.u32 v1, v18;
	v21 =	vor.u32 v1, v20;
	v16 =	vand.u32 $0x3FFF, v9;
	v9 =	vld [tilespmem:s20+$0x0]  }
0x17f: {  	[tilespmem:v26+s11+$0x0] =	vst.idx.add.f32.msk vm9, v35;
	v26 =	vshra.s32 v11, $0xA;
	v63 =	vshll.u32 v10, $0x4;
	v30 =	vshra.s32 v10, $0xA  }
0x180: {  	[tilespmem:v34+s11+$0x0] =	vst.idx.add.f32.msk vm4, v27;
	vm4 =	veq.s32 v38, v2;
	v27 =	vor.u32 v1, v63;
	v19 =	vshll.u32 v5, $0x4  }
0x181: {  	v17 =	vand.u32 $0x3FFF, v39;
	v40 =	vshra.s32 v5, $0xA;
	v18 =	vor.u32 v1, v19  }
0x182: {  	[tilespmem:v36+s11+$0x0] =	vst.idx.add.f32.msk vm3, v31;
	v19 =	vshra.s32 v6, $0xA;
	vm3 =	veq.s32 v40, v2;
	v23 =	vshll.u32 v3, $0x4  }
0x183: {  	v20 =	vshra.s32 v3, $0xA;
	v22 =	vor.u32 v1, v23;
	v28 =	vshll.u32 v9, $0x4  }
0x184: {  	[tilespmem:v37+s11+$0x0] =	vst.idx.add.f32.msk vm5, v32;
	v23 =	vshra.s32 v12, $0xA;
	v25 =	vshra.s32 v9, $0xA;
	v28 =	vor.u32 v1, v28  }
.LBB2_22:
0x185: {  	s19 =	sadd.s32 $0xA0, s19;
	v31 =	vand.u32 $0x3FFF, v18;
	vm8 =	veq.s32 v19, v2;
	v32 =	vand.u32 $0x3FFF, v21;
	[tilespmem:v14+s11+$0x0] =	vst.idx.add.f32.msk vm1, v7;
	v33 =	vmovc v12  }
0x186: {  	vm7 =	veq.s32 v20, v2;
	v34 =	vand.u32 $0x3FFF, v22;
	vm5 =	veq.s32 v23, v2;
	s21 =	sand.u32 $0x1FFE0, s19;
	[tilespmem:v15+s11+$0x0] =	vst.idx.add.f32.msk vm0, v8  }
0x187: {  	v35 =	vand.u32 $0x3FFF, v24;
	vm6 =	veq.s32 v25, v2;
	v36 =	vand.u32 $0x3FFF, v28;
	v37 =	vmovc v9;
	v7 =	vmovc v11;
	p0 =	slt.u32 s19, $0x18600;
	v12 =	vld [tilespmem:s21+$0x80]  }
0x188: {  	vm1 =	veq.s32 v26, v2;
	v14 =	vand.u32 $0x3FFF, v29;
	s20 =	sadd.s32 $0xA0, s20;
	vm0 =	veq.s32 v30, v2;
	[tilespmem:v16+s11+$0x0] =	vst.idx.add.f32.msk vm2, v13  }
0x189: {  	v15 =	vand.u32 $0x3FFF, v27;
	v8 =	vmov v10;
	v26 =	vld [tilespmem:s20+$0x40]  }
0x18a: {  	v20 =	vld [tilespmem:s20+$0xFFFFFFB0]  }
0x18b: {  	v22 =	vld [tilespmem:s20+$0xFFFFFFC0]  }
0x18c: {  	v9 =	vshra.s32 v12, $0xA;
	v10 =	vshll.u32 v12, $0x4;
	v24 =	vld [tilespmem:s20+$0xFFFFFFD0];
	v13 =	vmov v12  }
0x18d: {  	vm2 =	veq.s32 v9, v2;
	v9 =	vor.u32 v1, v10;
	v27 =	vld [tilespmem:s20+$0xFFFFFFE0]  }
0x18e: {  	v16 =	vand.u32 $0x3FFF, v9;
	v12 =	vld [tilespmem:s20+$0xFFFFFFF0];
	v10 =	vshra.s32 v26, $0xA;
	v11 =	vshll.u32 v26, $0x4  }
0x18f: {  	v18 =	vshll.u32 v20, $0x4;
	v9 =	vld [tilespmem:s20+$0x0];
	vm9 =	veq.s32 v10, v2;
	v10 =	vor.u32 v1, v11  }
0x190: {  	v38 =	vshra.s32 v20, $0xA;
	v19 =	vshll.u32 v22, $0x4;
	v11 =	vld [tilespmem:s20+$0x10];
	v28 =	vand.u32 $0x3FFF, v10  }
0x191: {  	v39 =	vor.u32 v1, v18;
	v40 =	vshra.s32 v22, $0xA;
	v21 =	vshll.u32 v24, $0x4;
	v10 =	vld [tilespmem:s20+$0x20]  }
0x192: {  	v18 =	vor.u32 v1, v19;
	v19 =	vshra.s32 v24, $0xA;
	v23 =	vshll.u32 v27, $0x4;
	[tilespmem:v17+s11+$0x0] =	vst.idx.add.f32.msk vm4, v4;
	v4 =	vmovc v20  }
0x193: {  	v21 =	vor.u32 v1, v21;
	v20 =	vshra.s32 v27, $0xA;
	v17 =	vshll.u32 v12, $0x4;
	[tilespmem:v31+s11+$0x0] =	vst.idx.add.f32.msk vm3, v5;
	v5 =	vmovc v22  }
.Ltmp10:
0x194: {  	v22 =	vor.u32 v1, v23;
	v23 =	vshra.s32 v12, $0xA;
	v29 =	vshll.u32 v9, $0x4;
	[tilespmem:v32+s11+$0x0] =	vst.idx.add.f32.msk vm8, v6;
	v6 =	vmovc v24;
	(pc) =	sbr.rel @p0 .LBB2_22-.Ltmp10, $4  }
0x195: {  	v24 =	vor.u32 v1, v17;
	v25 =	vshra.s32 v9, $0xA;
	v17 =	vshll.u32 v11, $0x4;
	[tilespmem:v28+s11+$0x0] =	vst.idx.add.f32.msk vm9, v26  }
0x196: {  	v28 =	vor.u32 v1, v29;
	v26 =	vshra.s32 v11, $0xA;
	v31 =	vshll.u32 v10, $0x4;
	[tilespmem:v34+s11+$0x0] =	vst.idx.add.f32.msk vm7, v3;
	v3 =	vmovc v27  }
0x197: {  	v29 =	vor.u32 v1, v17;
	v30 =	vshra.s32 v10, $0xA;
	v27 =	vor.u32 v1, v31;
	[tilespmem:v35+s11+$0x0] =	vst.idx.add.f32.msk vm5, v33  }
0x198: {  	vm4 =	veq.s32 v38, v2;
	vm3 =	veq.s32 v40, v2;
	v17 =	vand.u32 $0x3FFF, v39;
	[tilespmem:v36+s11+$0x0] =	vst.idx.add.f32.msk vm6, v37  }
0x199: {  	_ =	sdelay $0x4  }
0x19a: {  	[tilespmem:v14+s11+$0x0] =	vst.idx.add.f32.msk vm1, v7  }
0x19b: {  	[tilespmem:v16+s11+$0x0] =	vst.idx.add.f32.msk vm2, v13;
	s19 =	sadd.s32 $0xA0, s20  }
0x19c: {  	v58 =	vld [tilespmem:s19+$0x40]  }
0x19d: {  	v14 =	vld [tilespmem:s19+$0xFFFFFFB0]  }
0x19e: {  	v16 =	vld [tilespmem:s19+$0xFFFFFFC0]  }
0x19f: {  	v36 =	vld [tilespmem:s19+$0xFFFFFFD0]  }
0x1a0: {  	v59 =	vand.u32 $0x3FFF, v18;
	vm7 =	veq.s32 v19, v2;
	v60 =	vand.u32 $0x3FFF, v21;
	v38 =	vld [tilespmem:s19+$0xFFFFFFE0]  }
0x1a1: {  	vm6 =	veq.s32 v20, v2;
	v61 =	vand.u32 $0x3FFF, v22;
	vm5 =	veq.s32 v23, v2;
	v40 =	vld [tilespmem:s19+$0xFFFFFFF0]  }
0x1a2: {  	v62 =	vand.u32 $0x3FFF, v24;
	vm12 =	veq.s32 v25, v2;
	v63 =	vand.u32 $0x3FFF, v28;
	v44 =	vld [tilespmem:s19+$0x0]  }
0x1a3: {  	vm13 =	veq.s32 v26, v2;
	v37 =	vand.u32 $0x3FFF, v29;
	vm14 =	veq.s32 v30, v2;
	v48 =	vld [tilespmem:s19+$0x10]  }
0x1a4: {  	v39 =	vand.u32 $0x3FFF, v27;
	v33 =	vld [tilespmem:s19+$0x20];
	v41 =	vshra.s32 v58, $0xA;
	v42 =	vshll.u32 v58, $0x4  }
0x1a5: {  	v43 =	vshll.u32 v14, $0x4;
	v46 =	vshra.s32 v14, $0xA;
	v47 =	vshll.u32 v16, $0x4  }
0x1a6: {  	v31 =	vshra.s32 v16, $0xA;
	v32 =	vshll.u32 v36, $0x4;
	v34 =	vshra.s32 v36, $0xA  }
0x1a7: {  	[tilespmem:v15+s11+$0x0] =	vst.idx.add.f32.msk vm0, v8;
	v35 =	vshll.u32 v38, $0x4;
	v50 =	vshra.s32 v38, $0xA;
	v51 =	vshll.u32 v40, $0x4  }
0x1a8: {  	v53 =	vshra.s32 v40, $0xA;
	v54 =	vshll.u32 v44, $0x4;
	[tilespmem:v60+s11+$0x0] =	vst.idx.add.f32.msk vm7, v6;
	v56 =	vshra.s32 v44, $0xA  }
0x1a9: {  	v57 =	vshll.u32 v48, $0x4;
	[tilespmem:v61+s11+$0x0] =	vst.idx.add.f32.msk vm6, v3;
	v60 =	vshra.s32 v48, $0xA;
	v61 =	vshll.u32 v33, $0x4  }
0x1aa: {  	[tilespmem:v62+s11+$0x0] =	vst.idx.add.f32.msk vm5, v12;
	v62 =	vshra.s32 v33, $0xA;
	vm8 =	veq.s32 v41, v2;
	v45 =	vor.u32 v1, v42  }
0x1ab: {  	[tilespmem:v17+s11+$0x0] =	vst.idx.add.f32.msk vm4, v4;
	v27 =	vor.u32 v1, v43;
	vm15 =	veq.s32 v46, v2;
	v25 =	vand.u32 $0x3FFF, v45  }
0x1ac: {  	[tilespmem:v59+s11+$0x0] =	vst.idx.add.f32.msk vm3, v5;
	v29 =	vor.u32 v1, v47;
	vm9 =	veq.s32 v31, v2;
	v3 =	vand.u32 $0x3FFF, v27  }
0x1ad: {  	[tilespmem:v63+s11+$0x0] =	vst.idx.add.f32.msk vm12, v9;
	v49 =	vor.u32 v1, v32;
	vm10 =	veq.s32 v34, v2;
	v59 =	vand.u32 $0x3FFF, v29  }
0x1ae: {  	[tilespmem:v37+s11+$0x0] =	vst.idx.add.f32.msk vm13, v11;
	v52 =	vor.u32 v1, v35;
	vm11 =	veq.s32 v50, v2;
	v4 =	vand.u32 $0x3FFF, v49  }
0x1af: {  	[tilespmem:v39+s11+$0x0] =	vst.idx.add.f32.msk vm14, v10;
	v55 =	vor.u32 v1, v51;
	vm12 =	veq.s32 v53, v2;
	v5 =	vand.u32 $0x3FFF, v52  }
0x1b0: {  	v7 =	vor.u32 v1, v57;
	vm14 =	veq.s32 v60, v2;
	v6 =	vand.u32 $0x3FFF, v55;
	[tilespmem:v25+s11+$0x0] =	vst.idx.add.f32.msk vm8, v58  }
0x1b1: {  	vm13 =	veq.s32 v56, v2;
	v7 =	vand.u32 $0x3FFF, v7;
	v58 =	vor.u32 v1, v54;
	[tilespmem:v3+s11+$0x0] =	vst.idx.add.f32.msk vm15, v14  }
0x1b2: {  	v3 =	vor.u32 v1, v61;
	vm15 =	veq.s32 v62, v2;
	[tilespmem:v59+s11+$0x0] =	vst.idx.add.f32.msk vm9, v16;
	v63 =	vand.u32 $0x3FFF, v58  }
0x1b3: {  	[tilespmem:v4+s11+$0x0] =	vst.idx.add.f32.msk vm10, v36;
	v2 =	vand.u32 $0x3FFF, v3  }
0x1b4: {  	[tilespmem:v5+s11+$0x0] =	vst.idx.add.f32.msk vm11, v38  }
0x1b5: {  	[tilespmem:v6+s11+$0x0] =	vst.idx.add.f32.msk vm12, v40  }
0x1b6: {  	[tilespmem:v7+s11+$0x0] =	vst.idx.add.f32.msk vm14, v48  }
0x1b7: {  	[tilespmem:v63+s11+$0x0] =	vst.idx.add.f32.msk vm13, v44  }
0x1b8: {  	s20 =	simm.f32 $0.0e+00;
	s19 =	ssub.f32 s17, s16;
	s17 =	simm.s32 $0x3F;
	[tilespmem:v2+s11+$0x0] =	vst.idx.add.f32.msk vm15, v33  }
.LBB2_24:
0x1b9: {  	s21 =	sshll.u32 s17, $0xA  }
0x1ba: {  	s21 =	sshra.s32 s21, $0x2  }
0x1bb: {  	v2 =	vld [tilespmem:s21+$0x18700]  }
0x1bc: {  	v3 =	vld [tilespmem:s21+$0x18710];
	_ =	sdelay $0x1  }
0x1bd: {  	v4 =	vld [tilespmem:s21+$0x18720];
	_ =	sdelay $0x1  }
0x1be: {  	v5 =	vld [tilespmem:s21+$0x18730]  }
0x1bf: {  	v2 =	vadd.f32 v3, v2  }
0x1c0: {  	v3 =	vld [tilespmem:s21+$0x18740]  }
0x1c1: {  	v2 =	vadd.f32 v4, v2  }
0x1c2: {  	v56 =	vld [tilespmem:s21+$0x18750]  }
0x1c3: {  	v2 =	vadd.f32 v5, v2  }
0x1c4: {  	v57 =	vld [tilespmem:s21+$0x18760]  }
0x1c5: {  	v2 =	vadd.f32 v3, v2  }
0x1c6: {  	v3 =	vld [tilespmem:s21+$0x18770]  }
0x1c7: {  	v2 =	vadd.f32 v56, v2  }
0x1c8: {  	v58 =	vld [tilespmem:s21+$0x18780]  }
0x1c9: {  	v2 =	vadd.f32 v57, v2  }
0x1ca: {  	v59 =	vld [tilespmem:s21+$0x18790]  }
0x1cb: {  	v2 =	vadd.f32 v3, v2  }
0x1cc: {  	v3 =	vld [tilespmem:s21+$0x187A0]  }
0x1cd: {  	v2 =	vadd.f32 v58, v2  }
0x1ce: {  	v60 =	vld [tilespmem:s21+$0x187B0]  }
0x1cf: {  	v2 =	vadd.f32 v59, v2  }
0x1d0: {  	v61 =	vld [tilespmem:s21+$0x187C0]  }
0x1d1: {  	v2 =	vadd.f32 v3, v2  }
0x1d2: {  	v3 =	vld [tilespmem:s21+$0x187D0]  }
0x1d3: {  	v2 =	vadd.f32 v60, v2  }
0x1d4: {  	v62 =	vld [tilespmem:s21+$0x187E0]  }
0x1d5: {  	v2 =	vadd.f32 v61, v2  }
0x1d6: {  	v63 =	vld [tilespmem:s21+$0x187F0]  }
0x1d7: {  	v2 =	vadd.f32 v3, v2;
	_ =	sdelay $0x1  }
0x1d8: {  	v2 =	vadd.f32 v62, v2;
	_ =	sdelay $0x1  }
0x1d9: {  	v2 =	vadd.f32 v63, v2;
	_ =	sdelay $0x1  }
0x1da: {  	(xrf2) =	vadd.scan.msk.f32 $0xffff, v2;
	_ =	sdelay $0x9  }
0x1db: {  	v2, _, _ =	vpop (xrf2)  }
0x1dc: {  	(v2sf) =	vpush v2, $0xF;
	_ =	sdelay $0xe  }
0x1dd: {  	s21 =	smov.u32 s20;
	s31 =	spop (v2sf)  }
0x1de: {  	s20 =	sadd.f32 s31, s21;
	_ =	sdelay $0x1  }
0x1df: {  	p0 =	sgt.f32 s20, s19;
	_ =	sdelay $0x1  }
0x1e0: {  	p1 =	sne.s32 s17, $0x0;
	p0 =	por !p0, !p0  }
0x1e1: {  	p0 =	por !p1, !p0  }
0x1e2: {  	p0 =	por !p0, !p0  }
.Ltmp11:
0x1e3: {  	_ = 	snop;
	(pc) =	sbr.rel @p0 .LBB2_24-.Ltmp11, $4  }
0x1e4: {  	_ = 	snop  }
0x1e5: {  	s22 =	simm.s32 $0x1  }
0x1e6: {  	s22 =	simm.s32 @!p0 $0x0  }
0x1e7: {  	s17 =	ssub.s32 s17, s22  }
0x1e8: {  	s22 =	sshll.u32 s17, $0x8;
	s20 =	simm.s32 $0xF  }
.LBB2_26:
0x1e9: {  	s23 =	sshll.u32 s20, $0x4  }
0x1ea: {  	s24 =	sadd.s32 s22, s23  }
0x1eb: {  	s23 =	sand.u32 $0x70, s23;
	s24 =	sand.u32 $0xFFFFFF80, s24  }
0x1ec: {  	s23 =	sor.u32 s23, s24  }
0x1ed: {  	v2 =	vld [tilespmem:s23+$0x18700];
	_ =	sdelay $0x4  }
0x1ee: {  	(xrf2) =	vadd.scan.msk.f32 $0xffff, v2;
	_ =	sdelay $0x9  }
0x1ef: {  	v2, _, _ =	vpop (xrf2)  }
0x1f0: {  	(v2sf) =	vpush v2, $0xF;
	_ =	sdelay $0xe  }
0x1f1: {  	s24 =	spop (v2sf)  }
0x1f2: {  	s23 =	smov.u32 s21;
	s21 =	sadd.f32 s24, s21;
	_ =	sdelay $0x1  }
0x1f3: {  	p0 =	sgt.f32 s21, s19;
	_ =	sdelay $0x1  }
0x1f4: {  	p1 =	sne.s32 s20, $0x0;
	p0 =	por !p0, !p0  }
0x1f5: {  	p0 =	por !p1, !p0  }
0x1f6: {  	p0 =	por !p0, !p0  }
.Ltmp12:
0x1f7: {  	_ = 	snop;
	(pc) =	sbr.rel @p0 .LBB2_26-.Ltmp12, $4  }
0x1f8: {  	_ = 	snop  }
0x1f9: {  	s25 =	simm.s32 $0x1  }
0x1fa: {  	s25 =	simm.s32 @!p0 $0x0  }
0x1fb: {  	s20 =	ssub.s32 s20, s25  }
0x1fc: {  	s14 =	sadd.f32 s16, s14;
	_ =	sdelay $0x1  }
0x1fd: {  	s14 =	sadd.f32 s23, s14;
	_ =	sdelay $0x1  }
0x1fe: {  	s14 =	sadd.f32 s24, s14;
	_ =	sdelay $0x1  }
0x1ff: {  	v2 =	vmov s14  }
0x200: {  	v2 =	vsub.s32 $0x7EF477D5, v2  }
0x201: {  	v3 =	vmul.f32 s14, v2;
	_ =	sdelay $0x1  }
0x202: {  	v3 =	vsub.f32 $2.000000000e+00, v3;
	_ =	sdelay $0x1  }
0x203: {  	v2 =	vmul.f32 v2, v3;
	_ =	sdelay $0x1  }
0x204: {  	v3 =	vmul.f32 s14, v2;
	_ =	sdelay $0x1  }
0x205: {  	v3 =	vsub.f32 $2.000000000e+00, v3;
	_ =	sdelay $0x1  }
0x206: {  	v2 =	vmul.f32 v3, v2;
	_ =	sdelay $0x1  }
0x207: {  	v3 =	vmul.f32 s14, v2;
	_ =	sdelay $0x1  }
0x208: {  	v3 =	vsub.f32 $2.000000000e+00, v3;
	_ =	sdelay $0x1  }
0x209: {  	s29 =	simm.s32 $0x0;
	v2 =	vmul.f32 v3, v2  }
0x20a: {  	s19 =	sand.u32 $0x1FFE0, s29  }
0x20b: {  	v5 =	vld [tilespmem:s19+$0x80];
	v3 =	vmul.f32 s14, v2;
	s14 =	simm.s32 $0x50  }
0x20c: {  	v4 =	vld [tilespmem:s14+$0x40]  }
0x20d: {  	s30 =	sshll.u32 s17, $0x4;
	s15 =	sshll.u32 s15, $0x14;
	s31 =	sshll.u32 s18, $0xA;
	v6 =	vld [tilespmem:s14+$0xFFFFFFB0];
	v3 =	vsub.f32 $2.000000000e+00, v3  }
0x20e: {  	s16 =	sadd.s32 s30, s20;
	s15 =	sor.u32 s15, s31;
	v8 =	vld [tilespmem:s14+$0xFFFFFFD0]  }
0x20f: {  	s15 =	sor.u32 s16, s15;
	v7 =	vld [tilespmem:s14+$0xFFFFFFC0];
	v2 =	vmul.f32 v3, v2  }
0x210: {  	v9 =	vld [tilespmem:s14+$0xFFFFFFE0];
	v3 =	vmov s15  }
0x211: {  	v11 =	vld [tilespmem:s14+$0xFFFFFFF0];
	vm1 =	vgt.s32 v3, v5;
	v10 =	vmul.f32 v4, v2  }
0x212: {  	v13 =	vld [tilespmem:s14+$0x0];
	s15 =	simm.s32 $0xF0;
	v12 =	vmul.f32 v5, v2;
	vm0 =	vgt.s32 v3, v4;
	v4 =	vmul.f32 v6, v2  }
0x213: {  	v14 =	vld [tilespmem:s15+$0xFFFFFFB0];
	vm2 =	vgt.s32 v3, v8;
	v5 =	vsel vm0, $0x0, v10;
	vm0 =	vgt.s32 v3, v6  }
0x214: {  	v6 =	vmul.f32 v7, v2;
	v10 =	vld [tilespmem:s14+$0x10];
	v12 =	vsel vm1, $0x0, v12;
	vm1 =	vgt.s32 v3, v7;
	[tilespmem:s14+$0x40] =	vst v5  }
0x215: {  	s16 =	simm.s32 $0xA0;
	v7 =	vld [tilespmem:s14+$0x20];
	v5 =	vmul.f32 v8, v2;
	[tilespmem:s19+$0x80] =	vst v12;
	v4 =	vsel vm0, $0x0, v4;
	vm0 =	vgt.s32 v3, v9  }
0x216: {  	s17 =	sand.u32 $0x1FFE0, s16;
	v12 =	vld [tilespmem:s15+$0x40];
	v8 =	vmul.f32 v9, v2;
	[tilespmem:s14+$0xFFFFFFB0] =	vst v4;
	v4 =	vsel vm1, $0x0, v6;
	vm1 =	vgt.s32 v3, v11  }
0x217: {  	v9 =	vld [tilespmem:s17+$0x80];
	v6 =	vmul.f32 v11, v2;
	v11 =	vmul.f32 v13, v2;
	v5 =	vsel vm2, $0x0, v5  }
0x218: {  	vm2 =	vgt.s32 v3, v13;
	[tilespmem:s14+$0xFFFFFFD0] =	vst v5;
	v5 =	vsel vm0, $0x0, v8  }
0x219: {  	[tilespmem:s14+$0xFFFFFFC0] =	vst v4;
	v4 =	vld [tilespmem:s15+$0xFFFFFFC0];
	v11 =	vsel vm2, $0x0, v11;
	vm0 =	vgt.s32 v3, v10;
	v10 =	vmul.f32 v10, v2  }
0x21a: {  	v8 =	vld [tilespmem:s15+$0xFFFFFFD0];
	[tilespmem:s14+$0xFFFFFFE0] =	vst v5;
	v5 =	vsel vm1, $0x0, v6;
	vm1 =	vgt.s32 v3, v7;
	v7 =	vmul.f32 v7, v2  }
0x21b: {  	v6 =	vld [tilespmem:s15+$0xFFFFFFE0];
	[tilespmem:s14+$0x0] =	vst v11;
	v11 =	vmul.f32 v14, v2;
	v13 =	vmul.f32 v12, v2  }
0x21c: {  	[tilespmem:s14+$0xFFFFFFF0] =	vst v5;
	v5 =	vld [tilespmem:s15+$0xFFFFFFF0];
	v16 =	vmul.f32 v9, v2;
	v15 =	vsel vm0, $0x0, v10;
	vm0 =	vgt.s32 v3, v12  }
0x21d: {  	v10 =	vsel vm1, $0x0, v7;
	v7 =	vld [tilespmem:s15+$0x0];
	vm1 =	vgt.s32 v3, v9;
	v17 =	vsel vm0, $0x0, v13;
	[tilespmem:s14+$0x10] =	vst v15  }
0x21e: {  	s18 =	simm.s32 $0xF0;
	v9 =	vld [tilespmem:s15+$0x10];
	vm0 =	vgt.s32 v3, v14;
	v12 =	vmul.f32 v4, v2;
	v13 =	vsel vm1, $0x0, v16;
	[tilespmem:s15+$0x40] =	vst v17  }
.LBB2_28:
0x21f: {  	s16 =	sadd.s32 $0xA0, s16;
	vm1 =	vgt.s32 v3, v4;
	vm2 =	vgt.s32 v3, v8;
	v4 =	vmul.f32 v8, v2;
	v14 =	vld [tilespmem:s15+$0x20];
	[tilespmem:s17+$0x80] =	vst v13;
	s18 =	sadd.s32 $0xA0, s18  }
0x220: {  	v8 =	vsel vm0, $0x0, v11;
	s17 =	sand.u32 $0x1FFE0, s16;
	v13 =	vld [tilespmem:s18+$0x40];
	p0 =	slt.u32 s16, $0x18600;
	vm0 =	vgt.s32 v3, v6;
	v6 =	vmul.f32 v6, v2;
	[tilespmem:s14+$0x20] =	vst v10;
	s14 =	smov.u32 s15  }
0x221: {  	s15 =	smov.u32 s18;
	v15 =	vld [tilespmem:s17+$0x80];
	[tilespmem:s14+$0xFFFFFFB0] =	vst v8;
	v8 =	vsel vm1, $0x0, v12;
	vm1 =	vgt.s32 v3, v5;
	v5 =	vmul.f32 v5, v2  }
0x222: {  	v12 =	vld [tilespmem:s18+$0xFFFFFFB0];
	[tilespmem:s14+$0xFFFFFFC0] =	vst v8;
	v8 =	vsel vm2, $0x0, v4;
	vm2 =	vgt.s32 v3, v7;
	v7 =	vmul.f32 v7, v2  }
0x223: {  	v6 =	vsel vm0, $0x0, v6;
	v4 =	vld [tilespmem:s18+$0xFFFFFFC0];
	[tilespmem:s14+$0xFFFFFFD0] =	vst v8;
	vm0 =	vgt.s32 v3, v9;
	v9 =	vmul.f32 v9, v2  }
.Ltmp13:
0x224: {  	v5 =	vsel vm1, $0x0, v5;
	v8 =	vld [tilespmem:s18+$0xFFFFFFD0];
	[tilespmem:s14+$0xFFFFFFE0] =	vst v6;
	vm1 =	vgt.s32 v3, v14;
	v10 =	vmul.f32 v14, v2;
	(pc) =	sbr.rel @p0 .LBB2_28-.Ltmp13, $4  }
0x225: {  	v7 =	vsel vm2, $0x0, v7;
	v6 =	vld [tilespmem:s18+$0xFFFFFFE0];
	v14 =	vmul.f32 v13, v2;
	[tilespmem:s14+$0xFFFFFFF0] =	vst v5;
	v9 =	vsel vm0, $0x0, v9  }
0x226: {  	vm0 =	vgt.s32 v3, v13;
	v5 =	vld [tilespmem:s18+$0xFFFFFFF0];
	v16 =	vmul.f32 v15, v2;
	[tilespmem:s14+$0x0] =	vst v7;
	v10 =	vsel vm1, $0x0, v10  }
0x227: {  	vm1 =	vgt.s32 v3, v15;
	v11 =	vmul.f32 v12, v2;
	v7 =	vld [tilespmem:s18+$0x0];
	v14 =	vsel vm0, $0x0, v14;
	[tilespmem:s14+$0x10] =	vst v9  }
0x228: {  	vm0 =	vgt.s32 v3, v12;
	v12 =	vmul.f32 v4, v2;
	v9 =	vld [tilespmem:s18+$0x10];
	v13 =	vsel vm1, $0x0, v16;
	[tilespmem:s18+$0x40] =	vst v14  }
0x229: {  	[tilespmem:s17+$0x80] =	vst v13  }
0x22a: {  	vm1 =	vgt.s32 v3, v4;
	v54 =	vmul.f32 v8, v2;
	v55 =	vld [tilespmem:s15+$0x20];
	v11 =	vsel vm0, $0x0, v11;
	[tilespmem:s14+$0x20] =	vst v10  }
0x22b: {  	vm10 =	vgt.s32 v3, v8;
	v56 =	vmul.f32 v6, v2;
	[tilespmem:s15+$0xFFFFFFB0] =	vst v11;
	v57 =	vsel vm1, $0x0, v12  }
0x22c: {  	vm11 =	vgt.s32 v3, v6;
	v58 =	vmul.f32 v5, v2;
	[tilespmem:s15+$0xFFFFFFC0] =	vst v57;
	v4 =	vsel vm10, $0x0, v54  }
0x22d: {  	vm12 =	vgt.s32 v3, v5;
	v59 =	vmul.f32 v7, v2;
	[tilespmem:s15+$0xFFFFFFD0] =	vst v4;
	v60 =	vsel vm11, $0x0, v56  }
0x22e: {  	vm13 =	vgt.s32 v3, v7;
	v61 =	vmul.f32 v9, v2;
	[tilespmem:s15+$0xFFFFFFE0] =	vst v60;
	v62 =	vsel vm12, $0x0, v58  }
0x22f: {  	vm14 =	vgt.s32 v3, v9;
	v2 =	vmul.f32 v55, v2;
	[tilespmem:s15+$0xFFFFFFF0] =	vst v62;
	v63 =	vsel vm13, $0x0, v59  }
0x230: {  	vm15 =	vgt.s32 v3, v55;
	v3 =	vsel vm14, $0x0, v61;
	[tilespmem:s15+$0x0] =	vst v63  }
0x231: {  	v2 =	vsel vm15, $0x0, v2;
	[tilespmem:s15+$0x10] =	vst v3  }
0x232: {  	[tilespmem:s15+$0x20] =	vst v2  }
0x233: {  	[hbm4b:s4+s8] =	stream.strided.scatter [tilespmem:s2], [sflag:$0x2], $0x18700, s9, s8, $0x38;
	[tilespmem:$0x1C700] =	vst v63  }
0x234: {  	_ =	swait.ge [sflag:s12], $0x18700  }
0x235: {  	[sflag:s12] =	ssyncset.done $0x0  }
0x236: {  	s14 =	simm.s32 $0x18740;
	[sflag:s12] =	ssyncadd.s32 $0xFFFE7900  }
0x237: {  	[tilespmem:s2], [sflag:$0x1] =	stream.strided.gather [hbm4b:s5+s8], $0x18700, s9, s8, $0x38;
	[tilespmem:$0x1C700] =	vst v63  }
0x238: {  	[tilespmem:s14+$0xFFFFFFC0] =	vst v0  }
0x239: {  	[tilespmem:s14+$0x30] =	vst v0  }
0x23a: {  	[tilespmem:s14+$0x20] =	vst v0  }
0x23b: {  	[tilespmem:s14+$0x10] =	vst v0  }
0x23c: {  	[tilespmem:s14+$0x0] =	vst v0  }
0x23d: {  	[tilespmem:s14+$0xFFFFFFF0] =	vst v0  }
0x23e: {  	s15 =	simm.s32 $0x0;
	[tilespmem:s14+$0xFFFFFFE0] =	vst v0  }
.LBB2_30:
0x23f: {  	s15 =	sadd.s32 $0x80, s15;
	[tilespmem:s14+$0xFFFFFFD0] =	vst v0;
	s14 =	sadd.s32 $0x80, s14  }
0x240: {  	[tilespmem:s14+$0xFFFFFFC0] =	vst v0;
	p0 =	slt.u32 s15, $0x3F80  }
0x241: {  	[tilespmem:s14+$0x30] =	vst v0  }
.Ltmp14:
0x242: {  	[tilespmem:s14+$0x20] =	vst v0;
	(pc) =	sbr.rel @p0 .LBB2_30-.Ltmp14, $4  }
0x243: {  	[tilespmem:s14+$0x10] =	vst v0  }
0x244: {  	[tilespmem:s14+$0x0] =	vst v0  }
0x245: {  	[tilespmem:s14+$0xFFFFFFF0] =	vst v0  }
0x246: {  	[tilespmem:s14+$0xFFFFFFE0] =	vst v0  }
0x247: {  	[tilespmem:s14+$0xFFFFFFD0] =	vst v0  }
0x248: {  	_ =	swait.ge [sflag:s10], $0x18700  }
0x249: {  	[sflag:s10] =	ssyncset.done $0x0  }
0x24a: {  	s15 =	simm.s32 $0x18740;
	v2 =	vimm.f32 $0.0e+00;
	[sflag:s10] =	ssyncadd.s32 $0xFFFE7900  }
0x24b: {  	[tilespmem:s15+$0x30] =	vst v2  }
0x24c: {  	[tilespmem:s15+$0xFFFFFFC0] =	vst v2  }
0x24d: {  	[tilespmem:s15+$0xFFFFFFD0] =	vst v2  }
0x24e: {  	[tilespmem:s15+$0xFFFFFFE0] =	vst v2  }
0x24f: {  	[tilespmem:s15+$0xFFFFFFF0] =	vst v2  }
0x250: {  	[tilespmem:s15+$0x0] =	vst v2  }
0x251: {  	s16 =	simm.s32 $0x0;
	[tilespmem:s15+$0x10] =	vst v2  }
.LBB2_32:
0x252: {  	s16 =	sadd.s32 $0x80, s16;
	[tilespmem:s15+$0x20] =	vst v2;
	s15 =	sadd.s32 $0x80, s15  }
0x253: {  	s14 =	simm.s32 $0x50;
	[tilespmem:s15+$0x30] =	vst v2;
	p0 =	slt.u32 s16, $0x3F80  }
0x254: {  	[tilespmem:s15+$0xFFFFFFC0] =	vst v2  }
.Ltmp15:
0x255: {  	[tilespmem:s15+$0xFFFFFFD0] =	vst v2;
	(pc) =	sbr.rel @p0 .LBB2_32-.Ltmp15, $4  }
0x256: {  	[tilespmem:s15+$0xFFFFFFE0] =	vst v2  }
0x257: {  	[tilespmem:s15+$0xFFFFFFF0] =	vst v2  }
0x258: {  	[tilespmem:s15+$0x0] =	vst v2  }
0x259: {  	[tilespmem:s15+$0x10] =	vst v2  }
0x25a: {  	[tilespmem:s15+$0x20] =	vst v2  }
0x25b: {  	v3 =	vld [tilespmem:s14+$0xFFFFFFB0];
	_ =	sdelay $0x1  }
0x25c: {  	v4 =	vld [tilespmem:s14+$0xFFFFFFC0]  }
0x25d: {  	v5 =	vld [tilespmem:s14+$0xFFFFFFD0];
	_ =	sdelay $0x1  }
0x25e: {  	v3 =	vmin.f32 v3, $8.000000000e+00  }
0x25f: {  	v6 =	vld [tilespmem:s14+$0xFFFFFFE0];
	v3 =	vadd.f32 $-8.000000000e+00, v3  }
0x260: {  	v4 =	vmin.f32 v4, $8.000000000e+00  }
0x261: {  	v7 =	vld [tilespmem:s14+$0xFFFFFFF0];
	v5 =	vmin.f32 v5, $8.000000000e+00;
	v4 =	vadd.f32 $-8.000000000e+00, v4;
	v3 =	vmul.f32 $1.442695020e+00, v3  }
0x262: {  	v8 =	vld [tilespmem:s14+$0x0];
	v5 =	vadd.f32 $-8.000000000e+00, v5  }
0x263: {  	v4 =	vmul.f32 $1.442695020e+00, v4;
	(erf) = vpow2.f32 v3  }
0x264: {  	s16 =	simm.s32 $0x0;
	v5 =	vmul.f32 $1.442695020e+00, v5;
	v3 =	vmin.f32 v6, $8.000000000e+00;
	v6 =	vld [tilespmem:s14+$0x10]  }
0x265: {  	s15 =	sand.u32 $0x1FFE0, s16;
	v3 =	vadd.f32 $-8.000000000e+00, v3;
	(erf) = vpow2.f32 v4;
	v4 =	vld [tilespmem:s14+$0x20]  }
0x266: {  	v9 =	vld [tilespmem:s15+$0x80];
	v7 =	vmin.f32 v7, $8.000000000e+00;
	(erf) = vpow2.f32 v5  }
0x267: {  	v5 =	vadd.f32 $-8.000000000e+00, v7;
	v7 =	vmin.f32 v8, $8.000000000e+00;
	v3 =	vmul.f32 $1.442695020e+00, v3  }
0x268: {  	v8 =	vld [tilespmem:s14+$0x40];
	v7 =	vadd.f32 $-8.000000000e+00, v7  }
0x269: {  	(erf) = vpow2.f32 v3;
	v3 =	vmul.f32 $1.442695020e+00, v5;
	v5 =	vmin.f32 v6, $8.000000000e+00  }
0x26a: {  	v6 =	vmul.f32 $1.442695020e+00, v7;
	v4 =	vmin.f32 v4, $8.000000000e+00;
	v7 =	vadd.f32 $-8.000000000e+00, v5  }
0x26b: {  	(erf) = vpow2.f32 v3;
	v3 =	vadd.f32 $-8.000000000e+00, v4;
	v4 =	vmin.f32 v9, $8.000000000e+00  }
0x26c: {  	v7 =	vmul.f32 $1.442695020e+00, v7;
	v10 =	vadd.f32 $-8.000000000e+00, v4;
	v5 =	vpop (erf)  }
0x26d: {  	v4 =	vmin.f32 v8, $8.000000000e+00;
	(erf) = vpow2.f32 v6;
	v9 =	vadd.f32 v5, v2  }
0x26e: {  	v3 =	vmul.f32 $1.442695020e+00, v3;
	v2 =	vpop (erf)  }
0x26f: {  	v6 =	vshrl.u32 v5, $0x10;
	(erf) = vpow2.f32 v7;
	v8 =	vadd.f32 v2, v9  }
0x270: {  	v11 =	vadd.f32 $-8.000000000e+00, v4;
	v12 =	vmul.f32 $1.442695020e+00, v10;
	v6 =	vand.u32 $0xFFF0, v6;
	v4 =	vpop (erf)  }
0x271: {  	[tilespmem:s14+$0xFFFFFFB0] =	vst v5;
	v7 =	vshrl.u32 v2, $0x10;
	(erf) = vpow2.f32 v3;
	v9 =	vadd.f32 v4, v8  }
0x272: {  	[tilespmem:s14+$0xFFFFFFC0] =	vst v2;
	v10 =	vmul.f32 $1.442695020e+00, v11;
	v6 =	vor.u32 v1, v6;
	v8 =	vand.u32 $0xFFF0, v7;
	v3 =	vpop (erf)  }
0x273: {  	s17 =	simm.s32 $0xF0;
	[tilespmem:s14+$0xFFFFFFD0] =	vst v4;
	v7 =	vshrl.u32 v4, $0x10;
	(erf) = vpow2.f32 v12;
	v9 =	vadd.f32 v3, v9  }
.LBB2_34:
0x274: {  	v11 =	vld [tilespmem:s17+$0xFFFFFFB0];
	v8 =	vor.u32 v1, v8;
	v7 =	vand.u32 $0xFFF0, v7;
	[tilespmem:s14+$0xFFFFFFE0] =	vst v3;
	v12 =	vshrl.u32 v3, $0x10;
	v13 =	vpop (erf)  }
0x275: {  	[tilespmem:s14+$0xFFFFFFF0] =	vst v13;
	v14 =	vshrl.u32 v13, $0x10;
	v9 =	vadd.f32 v13, v9;
	(erf) = vpow2.f32 v10  }
0x276: {  	v7 =	vor.u32 v1, v7;
	v12 =	vand.u32 $0xFFF0, v12;
	v10 =	vld [tilespmem:s17+$0xFFFFFFC0];
	v14 =	vand.u32 $0xFFF0, v14;
	v15 =	vpop (erf)  }
0x277: {  	[tilespmem:v6+s11+$0x0] =	vst.idx.add.f32.msk $0xffff, v5;
	v5 =	vor.u32 v1, v12;
	v6 =	vshrl.u32 v15, $0x10;
	v9 =	vadd.f32 v15, v9  }
0x278: {  	v14 =	vor.u32 v1, v14;
	v12 =	vld [tilespmem:s17+$0xFFFFFFD0];
	[tilespmem:s14+$0x0] =	vst v15;
	v6 =	vand.u32 $0xFFF0, v6;
	v16 =	vpop (erf)  }
0x279: {  	v11 =	vmin.f32 v11, $8.000000000e+00;
	[tilespmem:v8+s11+$0x0] =	vst.idx.add.f32.msk $0xffff, v2;
	v2 =	vshrl.u32 v16, $0x10;
	v8 =	vadd.f32 v16, v9  }
0x27a: {  	v6 =	vor.u32 v1, v6;
	v9 =	vadd.f32 $-8.000000000e+00, v11;
	v11 =	vld [tilespmem:s17+$0xFFFFFFE0];
	[tilespmem:s14+$0x10] =	vst v16;
	v2 =	vand.u32 $0xFFF0, v2;
	v17 =	vpop (erf)  }
0x27b: {  	v10 =	vmin.f32 v10, $8.000000000e+00;
	[tilespmem:v7+s11+$0x0] =	vst.idx.add.f32.msk $0xffff, v4;
	v4 =	vshrl.u32 v17, $0x10;
	v7 =	vadd.f32 v17, v8  }
0x27c: {  	v19 =	vmul.f32 $1.442695020e+00, v9;
	v9 =	vadd.f32 $-8.000000000e+00, v10;
	v10 =	vld [tilespmem:s17+$0xFFFFFFF0];
	[tilespmem:s14+$0x20] =	vst v17;
	v4 =	vand.u32 $0xFFF0, v4;
	v18 =	vpop (erf)  }
0x27d: {  	v12 =	vmin.f32 v12, $8.000000000e+00;
	[tilespmem:v5+s11+$0x0] =	vst.idx.add.f32.msk $0xffff, v3;
	v3 =	vshrl.u32 v18, $0x10;
	v5 =	vadd.f32 v18, v7  }
0x27e: {  	v7 =	vmul.f32 $1.442695020e+00, v9;
	v9 =	vadd.f32 $-8.000000000e+00, v12;
	v12 =	vld [tilespmem:s17+$0x0];
	(erf) = vpow2.f32 v19;
	[tilespmem:s15+$0x80] =	vst v18;
	v8 =	vpop (erf)  }
0x27f: {  	v11 =	vmin.f32 v11, $8.000000000e+00;
	v19 =	vld [tilespmem:s17+$0x10];
	[tilespmem:s14+$0x40] =	vst v8;
	v20 =	vshrl.u32 v8, $0x10;
	v21 =	vadd.f32 v8, v5;
	s14 =	smov.u32 s17  }
0x280: {  	s16 =	sadd.s32 $0xA0, s16;
	v5 =	vmul.f32 $1.442695020e+00, v9;
	v9 =	vadd.f32 $-8.000000000e+00, v11;
	v11 =	vld [tilespmem:s17+$0x20];
	(erf) = vpow2.f32 v7  }
0x281: {  	p0 =	slt.u32 s16, $0x18600;
	s15 =	sand.u32 $0x1FFE0, s16;
	v3 =	vand.u32 $0xFFF0, v3;
	v7 =	vmin.f32 v10, $8.000000000e+00;
	[tilespmem:v14+s11+$0x0] =	vst.idx.add.f32.msk $0xffff, v13;
	v10 =	vand.u32 $0xFFF0, v20  }
0x282: {  	v9 =	vmul.f32 $1.442695020e+00, v9;
	v7 =	vadd.f32 $-8.000000000e+00, v7;
	v13 =	vld [tilespmem:s15+$0x80];
	(erf) = vpow2.f32 v5  }
0x283: {  	v5 =	vmin.f32 v12, $8.000000000e+00;
	[tilespmem:v6+s11+$0x0] =	vst.idx.add.f32.msk $0xffff, v15;
	v6 =	vor.u32 v1, v2;
	v2 =	vor.u32 v1, v3  }
0x284: {  	v3 =	vmul.f32 $1.442695020e+00, v7;
	v14 =	vadd.f32 $-8.000000000e+00, v5;
	v7 =	vld [tilespmem:s17+$0x40];
	(erf) = vpow2.f32 v9  }
0x285: {  	v4 =	vor.u32 v1, v4;
	v9 =	vmin.f32 v19, $8.000000000e+00;
	v11 =	vmin.f32 v11, $8.000000000e+00  }
0x286: {  	v9 =	vadd.f32 $-8.000000000e+00, v9;
	v12 =	vmul.f32 $1.442695020e+00, v14;
	(erf) = vpow2.f32 v3  }
0x287: {  	v10 =	vor.u32 v1, v10;
	v3 =	vadd.f32 $-8.000000000e+00, v11;
	v11 =	vmin.f32 v13, $8.000000000e+00;
	v5 =	vpop (erf)  }
0x288: {  	v9 =	vmul.f32 $1.442695020e+00, v9;
	v13 =	vadd.f32 v5, v21;
	(erf) = vpow2.f32 v12;
	[tilespmem:v2+s11+$0x0] =	vst.idx.add.f32.msk $0xffff, v18  }
0x289: {  	v12 =	vshrl.u32 v5, $0x10;
	v11 =	vadd.f32 $-8.000000000e+00, v11;
	v7 =	vmin.f32 v7, $8.000000000e+00;
	v2 =	vpop (erf);
	[tilespmem:v6+s11+$0x0] =	vst.idx.add.f32.msk $0xffff, v16  }
.Ltmp16:
0x28a: {  	v15 =	vmul.f32 $1.442695020e+00, v3;
	v6 =	vadd.f32 v2, v13;
	(erf) = vpow2.f32 v9;
	[tilespmem:v4+s11+$0x0] =	vst.idx.add.f32.msk $0xffff, v17;
	(pc) =	sbr.rel @p0 .LBB2_34-.Ltmp16, $4  }
0x28b: {  	v9 =	vand.u32 $0xFFF0, v12;
	v12 =	vshrl.u32 v2, $0x10;
	v13 =	vadd.f32 $-8.000000000e+00, v7;
	[tilespmem:s17+$0xFFFFFFB0] =	vst v5;
	v4 =	vpop (erf)  }
0x28c: {  	v11 =	vmul.f32 $1.442695020e+00, v11;
	v14 =	vadd.f32 v4, v6;
	(erf) = vpow2.f32 v15;
	[tilespmem:v10+s11+$0x0] =	vst.idx.add.f32.msk $0xffff, v8  }
0x28d: {  	v6 =	vor.u32 v1, v9;
	v8 =	vand.u32 $0xFFF0, v12;
	v7 =	vshrl.u32 v4, $0x10;
	[tilespmem:s17+$0xFFFFFFC0] =	vst v2;
	v3 =	vpop (erf)  }
0x28e: {  	v10 =	vmul.f32 $1.442695020e+00, v13;
	s17 =	sadd.s32 $0xA0, s17;
	[tilespmem:s14+$0xFFFFFFD0] =	vst v4;
	v9 =	vadd.f32 v3, v14;
	(erf) = vpow2.f32 v11  }
0x28f: {  	v11 =	vpop (erf)  }
0x290: {  	v9 =	vadd.f32 v11, v9;
	(erf) = vpow2.f32 v10  }
0x291: {  	v54 =	vpop (erf)  }
0x292: {  	v9 =	vadd.f32 v54, v9  }
0x293: {  	v12 =	vpop (erf)  }
0x294: {  	v9 =	vadd.f32 v12, v9  }
0x295: {  	v13 =	vpop (erf)  }
0x296: {  	v9 =	vadd.f32 v13, v9  }
0x297: {  	v14 =	vpop (erf)  }
0x298: {  	v9 =	vadd.f32 v14, v9  }
0x299: {  	v15 =	vpop (erf)  }
0x29a: {  	v9 =	vadd.f32 v15, v9;
	_ =	sdelay $0x1  }
0x29b: {  	(xrf2) =	vadd.scan.msk.f32 $0xffff, v9;
	_ =	sdelay $0x9  }
0x29c: {  	v8 =	vor.u32 v1, v8;
	v9, _, _ =	vpop (xrf2)  }
0x29d: {  	v7 =	vand.u32 $0xFFF0, v7;
	[tilespmem:s14+$0xFFFFFFE0] =	vst v3;
	(v2sf) =	vpush v9, $0xF  }
0x29e: {  	[tilespmem:v6+s11+$0x0] =	vst.idx.add.f32.msk $0xffff, v5;
	v55 =	vshrl.u32 v3, $0x10;
	v56 =	vor.u32 v1, v7  }
0x29f: {  	[tilespmem:s14+$0xFFFFFFF0] =	vst v11;
	v5 =	vand.u32 $0xFFF0, v55  }
0x2a0: {  	v5 =	vor.u32 v1, v5;
	[tilespmem:s14+$0x0] =	vst v54;
	v58 =	vshrl.u32 v54, $0x10  }
0x2a1: {  	v57 =	vshrl.u32 v11, $0x10;
	v7 =	vand.u32 $0xFFF0, v58;
	[tilespmem:v8+s11+$0x0] =	vst.idx.add.f32.msk $0xffff, v2  }
0x2a2: {  	v2 =	vand.u32 $0xFFF0, v57;
	[tilespmem:s14+$0x10] =	vst v12;
	v7 =	vor.u32 v1, v7  }
0x2a3: {  	v60 =	vshrl.u32 v12, $0x10;
	v2 =	vor.u32 v1, v2;
	[tilespmem:v56+s11+$0x0] =	vst.idx.add.f32.msk $0xffff, v4  }
0x2a4: {  	v6 =	vand.u32 $0xFFF0, v60;
	[tilespmem:s14+$0x20] =	vst v13;
	v59 =	vshrl.u32 v14, $0x10  }
0x2a5: {  	v61 =	vshrl.u32 v13, $0x10;
	[tilespmem:v5+s11+$0x0] =	vst.idx.add.f32.msk $0xffff, v3;
	v6 =	vor.u32 v1, v6;
	v4 =	vand.u32 $0xFFF0, v59  }
0x2a6: {  	v62 =	vand.u32 $0xFFF0, v61;
	[tilespmem:s15+$0x80] =	vst v14;
	v3 =	vor.u32 v1, v4;
	v63 =	vshrl.u32 v15, $0x10  }
0x2a7: {  	[tilespmem:v7+s11+$0x0] =	vst.idx.add.f32.msk $0xffff, v54;
	v4 =	vor.u32 v1, v62;
	v5 =	vand.u32 $0xFFF0, v63  }
0x2a8: {  	[tilespmem:v2+s11+$0x0] =	vst.idx.add.f32.msk $0xffff, v11;
	v2 =	vor.u32 v1, v5  }
0x2a9: {  	[tilespmem:s14+$0x40] =	vst v15  }
0x2aa: {  	[tilespmem:v6+s11+$0x0] =	vst.idx.add.f32.msk $0xffff, v12  }
0x2ab: {  	[tilespmem:v3+s11+$0x0] =	vst.idx.add.f32.msk $0xffff, v14  }
0x2ac: {  	[tilespmem:v4+s11+$0x0] =	vst.idx.add.f32.msk $0xffff, v13;
	s31 =	spop (v2sf)  }
0x2ad: {  	s15 =	simm.s32 $0x3F;
	s14 =	simm.f32 $0.0e+00;
	[tilespmem:v2+s11+$0x0] =	vst.idx.add.f32.msk $0xffff, v15;
	s16 =	smul.f32 $8.000000110e-01, s31  }
.LBB2_36:
0x2ae: {  	s17 =	sshll.u32 s15, $0xA  }
0x2af: {  	s17 =	sshra.s32 s17, $0x2  }
0x2b0: {  	v2 =	vld [tilespmem:s17+$0x18700]  }
0x2b1: {  	v3 =	vld [tilespmem:s17+$0x18710];
	_ =	sdelay $0x1  }
0x2b2: {  	v4 =	vld [tilespmem:s17+$0x18720];
	_ =	sdelay $0x1  }
0x2b3: {  	v5 =	vld [tilespmem:s17+$0x18730]  }
0x2b4: {  	v2 =	vadd.f32 v3, v2  }
0x2b5: {  	v3 =	vld [tilespmem:s17+$0x18740]  }
0x2b6: {  	v2 =	vadd.f32 v4, v2  }
0x2b7: {  	v56 =	vld [tilespmem:s17+$0x18750]  }
0x2b8: {  	v2 =	vadd.f32 v5, v2  }
0x2b9: {  	v57 =	vld [tilespmem:s17+$0x18760]  }
0x2ba: {  	v2 =	vadd.f32 v3, v2  }
0x2bb: {  	v3 =	vld [tilespmem:s17+$0x18770]  }
0x2bc: {  	v2 =	vadd.f32 v56, v2  }
0x2bd: {  	v58 =	vld [tilespmem:s17+$0x18780]  }
0x2be: {  	v2 =	vadd.f32 v57, v2  }
0x2bf: {  	v59 =	vld [tilespmem:s17+$0x18790]  }
0x2c0: {  	v2 =	vadd.f32 v3, v2  }
0x2c1: {  	v3 =	vld [tilespmem:s17+$0x187A0]  }
0x2c2: {  	v2 =	vadd.f32 v58, v2  }
0x2c3: {  	v60 =	vld [tilespmem:s17+$0x187B0]  }
0x2c4: {  	v2 =	vadd.f32 v59, v2  }
0x2c5: {  	v61 =	vld [tilespmem:s17+$0x187C0]  }
0x2c6: {  	v2 =	vadd.f32 v3, v2  }
0x2c7: {  	v3 =	vld [tilespmem:s17+$0x187D0]  }
0x2c8: {  	v2 =	vadd.f32 v60, v2  }
0x2c9: {  	v62 =	vld [tilespmem:s17+$0x187E0]  }
0x2ca: {  	v2 =	vadd.f32 v61, v2  }
0x2cb: {  	v63 =	vld [tilespmem:s17+$0x187F0]  }
0x2cc: {  	v2 =	vadd.f32 v3, v2;
	_ =	sdelay $0x1  }
0x2cd: {  	v2 =	vadd.f32 v62, v2;
	_ =	sdelay $0x1  }
0x2ce: {  	v2 =	vadd.f32 v63, v2;
	_ =	sdelay $0x1  }
0x2cf: {  	(xrf2) =	vadd.scan.msk.f32 $0xffff, v2;
	_ =	sdelay $0x9  }
0x2d0: {  	v2, _, _ =	vpop (xrf2)  }
0x2d1: {  	(v2sf) =	vpush v2, $0xF;
	_ =	sdelay $0xe  }
0x2d2: {  	s18 =	smov.u32 s14;
	s31 =	spop (v2sf)  }
0x2d3: {  	s14 =	sadd.f32 s31, s18;
	_ =	sdelay $0x1  }
0x2d4: {  	p0 =	sgt.f32 s14, s16;
	_ =	sdelay $0x1  }
0x2d5: {  	p1 =	sne.s32 s15, $0x0;
	p0 =	por !p0, !p0  }
0x2d6: {  	p0 =	por !p1, !p0  }
0x2d7: {  	p0 =	por !p0, !p0  }
.Ltmp17:
0x2d8: {  	_ = 	snop;
	(pc) =	sbr.rel @p0 .LBB2_36-.Ltmp17, $4  }
0x2d9: {  	_ = 	snop  }
0x2da: {  	s17 =	simm.s32 $0x1  }
0x2db: {  	s17 =	simm.s32 @!p0 $0x0  }
0x2dc: {  	s15 =	ssub.s32 s15, s17  }
0x2dd: {  	s20 =	sshll.u32 s15, $0x8;
	s17 =	simm.s32 $0xF  }
.LBB2_38:
0x2de: {  	s14 =	sshll.u32 s17, $0x4  }
0x2df: {  	s19 =	sadd.s32 s20, s14  }
0x2e0: {  	s14 =	sand.u32 $0x70, s14;
	s19 =	sand.u32 $0xFFFFFF80, s19  }
0x2e1: {  	s14 =	sor.u32 s14, s19  }
0x2e2: {  	v2 =	vld [tilespmem:s14+$0x18700];
	_ =	sdelay $0x4  }
0x2e3: {  	(xrf2) =	vadd.scan.msk.f32 $0xffff, v2;
	_ =	sdelay $0x9  }
0x2e4: {  	v2, _, _ =	vpop (xrf2)  }
0x2e5: {  	(v2sf) =	vpush v2, $0xF;
	_ =	sdelay $0xe  }
0x2e6: {  	s14 =	smov.u32 s18;
	s31 =	spop (v2sf)  }
0x2e7: {  	s18 =	sadd.f32 s31, s14;
	_ =	sdelay $0x1  }
0x2e8: {  	p0 =	sgt.f32 s18, s16;
	_ =	sdelay $0x1  }
0x2e9: {  	p1 =	sne.s32 s17, $0x0;
	p0 =	por !p0, !p0  }
0x2ea: {  	p0 =	por !p1, !p0  }
0x2eb: {  	p0 =	por !p0, !p0  }
.Ltmp18:
0x2ec: {  	_ = 	snop;
	(pc) =	sbr.rel @p0 .LBB2_38-.Ltmp18, $4  }
0x2ed: {  	_ = 	snop  }
0x2ee: {  	s19 =	simm.s32 $0x1  }
0x2ef: {  	s19 =	simm.s32 @!p0 $0x0  }
0x2f0: {  	s21 =	simm.s32 $0xFFFFFF80;
	s17 =	ssub.s32 s17, s19;
	s19 =	simm.s32 $0x18740  }
0x2f1: {  	[tilespmem:s19+$0xFFFFFFC0] =	vst v0  }
0x2f2: {  	[tilespmem:s19+$0x30] =	vst v0  }
0x2f3: {  	[tilespmem:s19+$0x20] =	vst v0  }
0x2f4: {  	[tilespmem:s19+$0x10] =	vst v0  }
0x2f5: {  	[tilespmem:s19+$0x0] =	vst v0  }
0x2f6: {  	[tilespmem:s19+$0xFFFFFFF0] =	vst v0  }
0x2f7: {  	s18 =	sadd.s32 $0x80, s21;
	[tilespmem:s19+$0xFFFFFFE0] =	vst v0  }
.LBB2_40:
0x2f8: {  	s18 =	sadd.s32 $0x80, s18;
	[tilespmem:s19+$0xFFFFFFD0] =	vst v0;
	s19 =	sadd.s32 $0x80, s19  }
0x2f9: {  	[tilespmem:s19+$0xFFFFFFC0] =	vst v0;
	p0 =	slt.u32 s18, $0x3F80  }
0x2fa: {  	[tilespmem:s19+$0x30] =	vst v0  }
.Ltmp19:
0x2fb: {  	[tilespmem:s19+$0x20] =	vst v0;
	(pc) =	sbr.rel @p0 .LBB2_40-.Ltmp19, $4  }
0x2fc: {  	[tilespmem:s19+$0x10] =	vst v0  }
0x2fd: {  	[tilespmem:s19+$0x0] =	vst v0  }
0x2fe: {  	[tilespmem:s19+$0xFFFFFFF0] =	vst v0  }
0x2ff: {  	[tilespmem:s19+$0xFFFFFFE0] =	vst v0  }
0x300: {  	[tilespmem:s19+$0xFFFFFFD0] =	vst v0;
	s18 =	simm.s32 $0x50  }
0x301: {  	v4 =	vld [tilespmem:s18+$0xFFFFFFF0]  }
0x302: {  	v5 =	vld [tilespmem:s18+$0xFFFFFFC0]  }
0x303: {  	v15 =	vld [tilespmem:s18+$0xFFFFFFE0]  }
0x304: {  	v3 =	vld [tilespmem:s18+$0x10]  }
0x305: {  	v8 =	vld [tilespmem:s18+$0x20]  }
0x306: {  	s15 =	sshll.u32 s15, $0x4;
	v10 =	vld [tilespmem:s18+$0xFFFFFFB0]  }
0x307: {  	s15 =	sadd.s32 s15, s17  }
0x308: {  	v2 =	vmov s15  }
0x309: {  	v6 =	vshra.s32 v15, $0x14;
	v7 =	vshrl.u32 v15, $0x6;
	v12 =	vshrl.u32 v4, $0x6  }
0x30a: {  	s17 =	simm.s32 $0x0;
	v11 =	vshra.s32 v5, $0x14;
	v17 =	vshrl.u32 v3, $0x6;
	v19 =	vshra.s32 v8, $0x14  }
0x30b: {  	s31 =	sand.u32 $0x1FFE0, s17;
	vm2 =	veq.s32 v6, v2;
	v6 =	vshrl.u32 v10, $0x6;
	v7 =	vand.u32 $0x3FF0, v7  }
0x30c: {  	v9 =	vld [tilespmem:s31+$0x80];
	vm0 =	veq.s32 v11, v2;
	v11 =	vshra.s32 v10, $0x14;
	v18 =	vor.u32 v1, v7  }
0x30d: {  	v21 =	vshra.s32 v3, $0x14;
	v6 =	vand.u32 $0x3FF0, v6;
	vm3 =	veq.s32 v11, v2  }
0x30e: {  	v7 =	vshrl.u32 v8, $0x6;
	v11 =	vshrl.u32 v5, $0x6;
	v14 =	vor.u32 v1, v6;
	v6 =	vld [tilespmem:s18+$0xFFFFFFD0]  }
0x30f: {  	vm1 =	veq.s32 v21, v2;
	v20 =	vand.u32 $0x3FF0, v7;
	v11 =	vand.u32 $0x3FF0, v11;
	v7 =	vld [tilespmem:s18+$0x0]  }
0x310: {  	vm4 =	veq.s32 v19, v2;
	v17 =	vand.u32 $0x3FF0, v17;
	v13 =	vor.u32 v1, v11;
	v11 =	vld [tilespmem:s18+$0x40]  }
0x311: {  	v16 =	vshrl.u32 v9, $0x6;
	s18 =	simm.s32 $0xF0;
	[tilespmem:v18+s11+$0x0] =	vst.idx.add.f32.msk vm2, v15;
	v18 =	vshra.s32 v4, $0x14;
	v15 =	vor.u32 v1, v20  }
.LBB2_42:
0x312: {  	s17 =	sadd.s32 $0xA0, s17;
	v19 =	vld [tilespmem:s18+$0xFFFFFFB0];
	vm2 =	veq.s32 v18, v2;
	v12 =	vand.u32 $0x3FF0, v12;
	v18 =	vshra.s32 v9, $0x14  }
0x313: {  	s19 =	sand.u32 $0x1FFE0, s17;
	p0 =	slt.u32 s17, $0x18600;
	[tilespmem:v14+s11+$0x0] =	vst.idx.add.f32.msk vm3, v10;
	v20 =	vor.u32 v1, v12;
	v14 =	vor.u32 v1, v17;
	v10 =	vand.u32 $0x3FF0, v16  }
0x314: {  	v12 =	vshra.s32 v6, $0x14;
	v17 =	vshrl.u32 v6, $0x6;
	vm3 =	veq.s32 v18, v2;
	v16 =	vld [tilespmem:s18+$0xFFFFFFF0]  }
0x315: {  	v17 =	vand.u32 $0x3FF0, v17;
	v18 =	vld [tilespmem:s18+$0xFFFFFFC0];
	v21 =	vshra.s32 v11, $0x14;
	v22 =	vshrl.u32 v11, $0x6  }
0x316: {  	v23 =	vshra.s32 v7, $0x14;
	v24 =	vshrl.u32 v7, $0x6;
	v17 =	vor.u32 v1, v17;
	[tilespmem:v15+s11+$0x0] =	vst.idx.add.f32.msk vm4, v8  }
0x317: {  	vm4 =	veq.s32 v23, v2;
	v23 =	vor.u32 v1, v10;
	v8 =	vand.u32 $0x3FF0, v22;
	v15 =	vld [tilespmem:s18+$0x10];
	v10 =	vmovc v19  }
0x318: {  	v22 =	vand.u32 $0x3FF0, v24;
	vm6 =	veq.s32 v21, v2;
	v21 =	vor.u32 v1, v8;
	v19 =	vld [tilespmem:s18+$0xFFFFFFE0]  }
0x319: {  	vm7 =	veq.s32 v12, v2;
	v22 =	vor.u32 v1, v22;
	v24 =	vld [tilespmem:s18+$0xFFFFFFD0]  }
0x31a: {  	v8 =	vld [tilespmem:s18+$0x20]  }
0x31b: {  	v25 =	vld [tilespmem:s19+$0x80]  }
0x31c: {  	[tilespmem:v13+s11+$0x0] =	vst.idx.add.f32.msk vm0, v5;
	v5 =	vmov v18  }
0x31d: {  	v12 =	vshrl.u32 v16, $0x6;
	v13 =	vshra.s32 v19, $0x14;
	v18 =	vshrl.u32 v19, $0x6;
	[tilespmem:v23+s11+$0x0] =	vst.idx.add.f32.msk vm3, v9  }
0x31e: {  	v9 =	vshra.s32 v5, $0x14;
	v23 =	vshrl.u32 v15, $0x6;
	vm5 =	veq.s32 v13, v2;
	[tilespmem:v21+s11+$0x0] =	vst.idx.add.f32.msk vm6, v11  }
0x31f: {  	v11 =	vshrl.u32 v10, $0x6;
	vm0 =	veq.s32 v9, v2;
	v9 =	vand.u32 $0x3FF0, v18;
	[tilespmem:v17+s11+$0x0] =	vst.idx.add.f32.msk vm7, v6;
	v6 =	vmovc v24  }
0x320: {  	v13 =	vshra.s32 v10, $0x14;
	v11 =	vand.u32 $0x3FF0, v11;
	v17 =	vor.u32 v1, v9;
	[tilespmem:v14+s11+$0x0] =	vst.idx.add.f32.msk vm1, v3;
	v3 =	vmovc v15  }
.Ltmp20:
0x321: {  	vm3 =	veq.s32 v13, v2;
	v13 =	vshrl.u32 v8, $0x6;
	v14 =	vor.u32 v1, v11;
	[tilespmem:v20+s11+$0x0] =	vst.idx.add.f32.msk vm2, v4;
	(pc) =	sbr.rel @p0 .LBB2_42-.Ltmp20, $4  }
0x322: {  	v11 =	vshrl.u32 v5, $0x6;
	v15 =	vshra.s32 v8, $0x14;
	v20 =	vand.u32 $0x3FF0, v13;
	v4 =	vmovc v16;
	v9 =	vmovc v25;
	[tilespmem:v22+s11+$0x0] =	vst.idx.add.f32.msk vm4, v7  }
0x323: {  	v11 =	vand.u32 $0x3FF0, v11;
	v18 =	vshra.s32 v3, $0x14;
	v16 =	vshrl.u32 v9, $0x6;
	v7 =	vld [tilespmem:s18+$0x0]  }
0x324: {  	v13 =	vor.u32 v1, v11;
	vm1 =	veq.s32 v18, v2;
	vm4 =	veq.s32 v15, v2;
	v11 =	vld [tilespmem:s18+$0x40]  }
0x325: {  	v18 =	vshra.s32 v4, $0x14;
	v15 =	vor.u32 v1, v20;
	s18 =	sadd.s32 $0xA0, s18;
	[tilespmem:v17+s11+$0x0] =	vst.idx.add.f32.msk vm5, v19;
	v17 =	vand.u32 $0x3FF0, v23  }
0x326: {  	v19 =	vshra.s32 v9, $0x14  }
0x327: {  	v16 =	vand.u32 $0x3FF0, v16;
	v20 =	vshra.s32 v6, $0x14;
	v57 =	vshrl.u32 v6, $0x6  }
0x328: {  	vm14 =	veq.s32 v18, v2;
	v58 =	vand.u32 $0x3FF0, v12;
	v60 =	vor.u32 v1, v17  }
0x329: {  	vm2 =	veq.s32 v19, v2;
	v16 =	vor.u32 v1, v16;
	vm6 =	veq.s32 v20, v2  }
0x32a: {  	v63 =	vor.u32 v1, v58;
	v21 =	vshra.s32 v11, $0x14;
	v56 =	vshrl.u32 v11, $0x6  }
0x32b: {  	[tilespmem:v14+s11+$0x0] =	vst.idx.add.f32.msk vm3, v10;
	v61 =	vshra.s32 v7, $0x14;
	vm5 =	veq.s32 v21, v2;
	v19 =	vand.u32 $0x3FF0, v56  }
0x32c: {  	[tilespmem:v15+s11+$0x0] =	vst.idx.add.f32.msk vm4, v8;
	v62 =	vshrl.u32 v7, $0x6;
	v21 =	vand.u32 $0x3FF0, v57;
	v19 =	vor.u32 v1, v19  }
0x32d: {  	[tilespmem:v13+s11+$0x0] =	vst.idx.add.f32.msk vm0, v5;
	vm15 =	veq.s32 v61, v2;
	v2 =	vand.u32 $0x3FF0, v62;
	v59 =	vor.u32 v1, v21  }
0x32e: {  	v2 =	vor.u32 v1, v2;
	[tilespmem:v60+s11+$0x0] =	vst.idx.add.f32.msk vm1, v3  }
0x32f: {  	[tilespmem:v63+s11+$0x0] =	vst.idx.add.f32.msk vm14, v4  }
0x330: {  	[tilespmem:v16+s11+$0x0] =	vst.idx.add.f32.msk vm2, v9  }
0x331: {  	[tilespmem:v19+s11+$0x0] =	vst.idx.add.f32.msk vm5, v11  }
0x332: {  	[tilespmem:v59+s11+$0x0] =	vst.idx.add.f32.msk vm6, v6  }
0x333: {  	s17 =	ssub.f32 s16, s14;
	s18 =	simm.s32 $0x3F;
	s16 =	simm.f32 $0.0e+00;
	[tilespmem:v2+s11+$0x0] =	vst.idx.add.f32.msk vm15, v7  }
.LBB2_44:
0x334: {  	s19 =	sshll.u32 s18, $0xA  }
0x335: {  	s19 =	sshra.s32 s19, $0x2  }
0x336: {  	v2 =	vld [tilespmem:s19+$0x18700]  }
0x337: {  	v3 =	vld [tilespmem:s19+$0x18710];
	_ =	sdelay $0x1  }
0x338: {  	v4 =	vld [tilespmem:s19+$0x18720];
	_ =	sdelay $0x1  }
0x339: {  	v5 =	vld [tilespmem:s19+$0x18730]  }
0x33a: {  	v2 =	vadd.f32 v3, v2  }
0x33b: {  	v3 =	vld [tilespmem:s19+$0x18740]  }
0x33c: {  	v2 =	vadd.f32 v4, v2  }
0x33d: {  	v56 =	vld [tilespmem:s19+$0x18750]  }
0x33e: {  	v2 =	vadd.f32 v5, v2  }
0x33f: {  	v57 =	vld [tilespmem:s19+$0x18760]  }
0x340: {  	v2 =	vadd.f32 v3, v2  }
0x341: {  	v3 =	vld [tilespmem:s19+$0x18770]  }
0x342: {  	v2 =	vadd.f32 v56, v2  }
0x343: {  	v58 =	vld [tilespmem:s19+$0x18780]  }
0x344: {  	v2 =	vadd.f32 v57, v2  }
0x345: {  	v59 =	vld [tilespmem:s19+$0x18790]  }
0x346: {  	v2 =	vadd.f32 v3, v2  }
0x347: {  	v3 =	vld [tilespmem:s19+$0x187A0]  }
0x348: {  	v2 =	vadd.f32 v58, v2  }
0x349: {  	v60 =	vld [tilespmem:s19+$0x187B0]  }
0x34a: {  	v2 =	vadd.f32 v59, v2  }
0x34b: {  	v61 =	vld [tilespmem:s19+$0x187C0]  }
0x34c: {  	v2 =	vadd.f32 v3, v2  }
0x34d: {  	v3 =	vld [tilespmem:s19+$0x187D0]  }
0x34e: {  	v2 =	vadd.f32 v60, v2  }
0x34f: {  	v62 =	vld [tilespmem:s19+$0x187E0]  }
0x350: {  	v2 =	vadd.f32 v61, v2  }
0x351: {  	v63 =	vld [tilespmem:s19+$0x187F0]  }
0x352: {  	v2 =	vadd.f32 v3, v2;
	_ =	sdelay $0x1  }
0x353: {  	v2 =	vadd.f32 v62, v2;
	_ =	sdelay $0x1  }
0x354: {  	v2 =	vadd.f32 v63, v2;
	_ =	sdelay $0x1  }
0x355: {  	(xrf2) =	vadd.scan.msk.f32 $0xffff, v2;
	_ =	sdelay $0x9  }
0x356: {  	v2, _, _ =	vpop (xrf2)  }
0x357: {  	(v2sf) =	vpush v2, $0xF;
	_ =	sdelay $0xe  }
0x358: {  	s20 =	smov.u32 s16;
	s31 =	spop (v2sf)  }
0x359: {  	s16 =	sadd.f32 s31, s20;
	_ =	sdelay $0x1  }
0x35a: {  	p0 =	sgt.f32 s16, s17;
	_ =	sdelay $0x1  }
0x35b: {  	p1 =	sne.s32 s18, $0x0;
	p0 =	por !p0, !p0  }
0x35c: {  	p0 =	por !p1, !p0  }
0x35d: {  	p0 =	por !p0, !p0  }
.Ltmp21:
0x35e: {  	_ = 	snop;
	(pc) =	sbr.rel @p0 .LBB2_44-.Ltmp21, $4  }
0x35f: {  	_ = 	snop  }
0x360: {  	s19 =	simm.s32 $0x1  }
0x361: {  	s19 =	simm.s32 @!p0 $0x0  }
0x362: {  	s18 =	ssub.s32 s18, s19  }
0x363: {  	s22 =	sshll.u32 s18, $0x8;
	s19 =	simm.s32 $0xF  }
.LBB2_46:
0x364: {  	s16 =	sshll.u32 s19, $0x4  }
0x365: {  	s21 =	sadd.s32 s22, s16  }
0x366: {  	s16 =	sand.u32 $0x70, s16;
	s21 =	sand.u32 $0xFFFFFF80, s21  }
0x367: {  	s16 =	sor.u32 s16, s21  }
0x368: {  	v2 =	vld [tilespmem:s16+$0x18700];
	_ =	sdelay $0x4  }
0x369: {  	(xrf2) =	vadd.scan.msk.f32 $0xffff, v2;
	_ =	sdelay $0x9  }
0x36a: {  	v2, _, _ =	vpop (xrf2)  }
0x36b: {  	(v2sf) =	vpush v2, $0xF;
	_ =	sdelay $0xe  }
0x36c: {  	s16 =	smov.u32 s20;
	s31 =	spop (v2sf)  }
0x36d: {  	s20 =	sadd.f32 s31, s16;
	_ =	sdelay $0x1  }
0x36e: {  	p0 =	sgt.f32 s20, s17;
	_ =	sdelay $0x1  }
0x36f: {  	p1 =	sne.s32 s19, $0x0;
	p0 =	por !p0, !p0  }
0x370: {  	p0 =	por !p1, !p0  }
0x371: {  	p0 =	por !p0, !p0  }
.Ltmp22:
0x372: {  	_ = 	snop;
	(pc) =	sbr.rel @p0 .LBB2_46-.Ltmp22, $4  }
0x373: {  	_ = 	snop  }
0x374: {  	s21 =	simm.s32 $0x1  }
0x375: {  	s21 =	simm.s32 @!p0 $0x0  }
0x376: {  	s23 =	simm.s32 $0xFFFFFF80;
	s19 =	ssub.s32 s19, s21;
	s21 =	simm.s32 $0x18740  }
0x377: {  	[tilespmem:s21+$0xFFFFFFC0] =	vst v0  }
0x378: {  	[tilespmem:s21+$0x30] =	vst v0  }
0x379: {  	[tilespmem:s21+$0x20] =	vst v0  }
0x37a: {  	[tilespmem:s21+$0x10] =	vst v0  }
0x37b: {  	[tilespmem:s21+$0x0] =	vst v0  }
0x37c: {  	[tilespmem:s21+$0xFFFFFFF0] =	vst v0  }
0x37d: {  	s20 =	sadd.s32 $0x80, s23;
	[tilespmem:s21+$0xFFFFFFE0] =	vst v0  }
.LBB2_48:
0x37e: {  	s20 =	sadd.s32 $0x80, s20;
	[tilespmem:s21+$0xFFFFFFD0] =	vst v0;
	s21 =	sadd.s32 $0x80, s21  }
0x37f: {  	[tilespmem:s21+$0xFFFFFFC0] =	vst v0;
	p0 =	slt.u32 s20, $0x3F80  }
0x380: {  	[tilespmem:s21+$0x30] =	vst v0  }
.Ltmp23:
0x381: {  	[tilespmem:s21+$0x20] =	vst v0;
	(pc) =	sbr.rel @p0 .LBB2_48-.Ltmp23, $4  }
0x382: {  	[tilespmem:s21+$0x10] =	vst v0  }
0x383: {  	[tilespmem:s21+$0x0] =	vst v0  }
0x384: {  	[tilespmem:s21+$0xFFFFFFF0] =	vst v0  }
0x385: {  	[tilespmem:s21+$0xFFFFFFE0] =	vst v0  }
0x386: {  	[tilespmem:s21+$0xFFFFFFD0] =	vst v0;
	s29 =	simm.s32 $0x50  }
0x387: {  	v17 =	vld [tilespmem:s29+$0xFFFFFFB0]  }
0x388: {  	s20 =	simm.s32 $0x0;
	v22 =	vld [tilespmem:s29+$0xFFFFFFC0]  }
0x389: {  	s26 =	simm.s32 $0xA0;
	s20 =	sand.u32 $0x1FFE0, s20;
	v24 =	vld [tilespmem:s29+$0xFFFFFFD0]  }
0x38a: {  	s18 =	sshll.u32 s18, $0x4;
	s28 =	sand.u32 $0x1FFE0, s26;
	v3 =	vld [tilespmem:s20+$0x80]  }
0x38b: {  	s30 =	sshll.u32 s15, $0xA;
	s18 =	sadd.s32 s18, s19;
	v4 =	vld [tilespmem:s28+$0x80]  }
0x38c: {  	s19 =	sadd.s32 s30, s18  }
0x38d: {  	v2 =	vmov s19;
	v10 =	vshll.u32 v17, $0x4  }
0x38e: {  	v5 =	vld [tilespmem:s29+$0x40];
	s20 =	simm.s32 $0xF0;
	v11 =	vshra.s32 v17, $0xA;
	v12 =	vshll.u32 v22, $0x4;
	v15 =	vshll.u32 v24, $0x4  }
0x38f: {  	v35 =	vld [tilespmem:s20+$0x40];
	v16 =	vshra.s32 v24, $0xA;
	v6 =	vshra.s32 v3, $0xA;
	v7 =	vshll.u32 v3, $0x4  }
0x390: {  	v8 =	vshra.s32 v4, $0xA;
	v10 =	vor.u32 v1, v10;
	v12 =	vor.u32 v1, v12  }
0x391: {  	v15 =	vor.u32 v1, v15;
	vm8 =	veq.s32 v11, v2;
	vm6 =	veq.s32 v16, v2  }
0x392: {  	v27 =	vld [tilespmem:s29+$0xFFFFFFE0];
	vm1 =	veq.s32 v6, v2;
	v6 =	vor.u32 v1, v7;
	v7 =	vshll.u32 v4, $0x4  }
0x393: {  	v31 =	vld [tilespmem:s29+$0xFFFFFFF0];
	vm0 =	veq.s32 v8, v2;
	v8 =	vshll.u32 v5, $0x4;
	v29 =	vand.u32 $0x3FFF, v10  }
0x394: {  	v32 =	vld [tilespmem:s29+$0x0];
	v30 =	vand.u32 $0x3FFF, v12;
	v33 =	vand.u32 $0x3FFF, v15;
	v10 =	vshra.s32 v35, $0xA  }
0x395: {  	v12 =	vld [tilespmem:s20+$0xFFFFFFF0];
	v11 =	vshll.u32 v35, $0x4;
	v6 =	vand.u32 $0x3FFF, v6;
	v7 =	vor.u32 v1, v7  }
0x396: {  	v8 =	vor.u32 v1, v8;
	vm9 =	veq.s32 v10, v2;
	v10 =	vor.u32 v1, v11;
	v11 =	vld [tilespmem:s20+$0x10]  }
0x397: {  	v9 =	vand.u32 $0x3FFF, v7;
	v7 =	vshra.s32 v5, $0xA;
	v13 =	vand.u32 $0x3FFF, v8;
	v8 =	vld [tilespmem:s29+$0x20]  }
0x398: {  	vm2 =	veq.s32 v7, v2;
	v7 =	vld [tilespmem:s29+$0x10]  }
0x399: {  	v14 =	vshra.s32 v22, $0xA;
	v18 =	vshll.u32 v27, $0x4;
	v19 =	vshra.s32 v27, $0xA;
	[tilespmem:v29+s11+$0x0] =	vst.idx.add.f32.msk vm8, v17  }
0x39a: {  	v20 =	vshll.u32 v31, $0x4;
	v21 =	vshra.s32 v31, $0xA;
	v18 =	vor.u32 v1, v18;
	[tilespmem:v33+s11+$0x0] =	vst.idx.add.f32.msk vm6, v24  }
0x39b: {  	v23 =	vshll.u32 v32, $0x4;
	v20 =	vor.u32 v1, v20;
	vm7 =	veq.s32 v14, v2;
	[tilespmem:v6+s11+$0x0] =	vst.idx.add.f32.msk vm1, v3  }
0x39c: {  	v25 =	vshra.s32 v32, $0xA;
	vm4 =	veq.s32 v19, v2;
	vm3 =	veq.s32 v21, v2;
	[tilespmem:v9+s11+$0x0] =	vst.idx.add.f32.msk vm0, v4  }
0x39d: {  	s19 =	simm.s32 $0x140;
	vm5 =	veq.s32 v25, v2;
	v34 =	vand.u32 $0x3FFF, v18;
	v17 =	vshll.u32 v12, $0x4;
	v4 =	vld [tilespmem:s20+$0xFFFFFFB0]  }
0x39e: {  	s31 =	sand.u32 $0x1FFE0, s19;
	v36 =	vand.u32 $0x3FFF, v20;
	v6 =	vor.u32 v1, v23;
	v24 =	vor.u32 v1, v17;
	[tilespmem:v13+s11+$0x0] =	vst.idx.add.f32.msk vm2, v5  }
0x39f: {  	v17 =	vshll.u32 v11, $0x4;
	v26 =	vshra.s32 v8, $0xA;
	v37 =	vand.u32 $0x3FFF, v6;
	v13 =	vld [tilespmem:s31+$0x80]  }
0x3a0: {  	v6 =	vld [tilespmem:s20+$0xFFFFFFD0];
	v29 =	vor.u32 v1, v17;
	v3 =	vshll.u32 v7, $0x4;
	v23 =	vshra.s32 v7, $0xA  }
0x3a1: {  	vm0 =	veq.s32 v26, v2;
	v26 =	vand.u32 $0x3FFF, v10;
	v5 =	vshll.u32 v8, $0x4  }
0x3a2: {  	v10 =	vld [tilespmem:s20+$0x20];
	v3 =	vor.u32 v1, v3;
	vm1 =	veq.s32 v23, v2;
	v28 =	vor.u32 v1, v5  }
0x3a3: {  	v14 =	vand.u32 $0x3FFF, v3;
	v5 =	vld [tilespmem:s20+$0xFFFFFFC0];
	v15 =	vand.u32 $0x3FFF, v28;
	v18 =	vshll.u32 v4, $0x4  }
0x3a4: {  	[tilespmem:v30+s11+$0x0] =	vst.idx.add.f32.msk vm7, v22;
	v38 =	vshra.s32 v4, $0xA;
	v3 =	vshra.s32 v13, $0xA;
	v9 =	vshll.u32 v13, $0x4  }
0x3a5: {  	v20 =	vshll.u32 v6, $0x4;
	vm2 =	veq.s32 v3, v2;
	v9 =	vor.u32 v1, v9;
	v3 =	vld [tilespmem:s20+$0xFFFFFFE0]  }
0x3a6: {  	v39 =	vor.u32 v1, v18;
	v21 =	vor.u32 v1, v20;
	v16 =	vand.u32 $0x3FFF, v9;
	v9 =	vld [tilespmem:s20+$0x0]  }
0x3a7: {  	[tilespmem:v26+s11+$0x0] =	vst.idx.add.f32.msk vm9, v35;
	v26 =	vshra.s32 v11, $0xA;
	v63 =	vshll.u32 v10, $0x4;
	v30 =	vshra.s32 v10, $0xA  }
0x3a8: {  	[tilespmem:v34+s11+$0x0] =	vst.idx.add.f32.msk vm4, v27;
	vm4 =	veq.s32 v38, v2;
	v27 =	vor.u32 v1, v63;
	v19 =	vshll.u32 v5, $0x4  }
0x3a9: {  	v17 =	vand.u32 $0x3FFF, v39;
	v40 =	vshra.s32 v5, $0xA;
	v18 =	vor.u32 v1, v19  }
0x3aa: {  	[tilespmem:v36+s11+$0x0] =	vst.idx.add.f32.msk vm3, v31;
	v19 =	vshra.s32 v6, $0xA;
	vm3 =	veq.s32 v40, v2;
	v23 =	vshll.u32 v3, $0x4  }
0x3ab: {  	v20 =	vshra.s32 v3, $0xA;
	v22 =	vor.u32 v1, v23;
	v28 =	vshll.u32 v9, $0x4  }
0x3ac: {  	[tilespmem:v37+s11+$0x0] =	vst.idx.add.f32.msk vm5, v32;
	v23 =	vshra.s32 v12, $0xA;
	v25 =	vshra.s32 v9, $0xA;
	v28 =	vor.u32 v1, v28  }
.LBB2_50:
0x3ad: {  	s19 =	sadd.s32 $0xA0, s19;
	v31 =	vand.u32 $0x3FFF, v18;
	vm8 =	veq.s32 v19, v2;
	v32 =	vand.u32 $0x3FFF, v21;
	[tilespmem:v14+s11+$0x0] =	vst.idx.add.f32.msk vm1, v7;
	v33 =	vmovc v12  }
0x3ae: {  	vm7 =	veq.s32 v20, v2;
	v34 =	vand.u32 $0x3FFF, v22;
	vm5 =	veq.s32 v23, v2;
	s21 =	sand.u32 $0x1FFE0, s19;
	[tilespmem:v15+s11+$0x0] =	vst.idx.add.f32.msk vm0, v8  }
0x3af: {  	v35 =	vand.u32 $0x3FFF, v24;
	vm6 =	veq.s32 v25, v2;
	v36 =	vand.u32 $0x3FFF, v28;
	v37 =	vmovc v9;
	v7 =	vmovc v11;
	p0 =	slt.u32 s19, $0x18600;
	v12 =	vld [tilespmem:s21+$0x80]  }
0x3b0: {  	vm1 =	veq.s32 v26, v2;
	v14 =	vand.u32 $0x3FFF, v29;
	s20 =	sadd.s32 $0xA0, s20;
	vm0 =	veq.s32 v30, v2;
	[tilespmem:v16+s11+$0x0] =	vst.idx.add.f32.msk vm2, v13  }
0x3b1: {  	v15 =	vand.u32 $0x3FFF, v27;
	v8 =	vmov v10;
	v26 =	vld [tilespmem:s20+$0x40]  }
0x3b2: {  	v20 =	vld [tilespmem:s20+$0xFFFFFFB0]  }
0x3b3: {  	v22 =	vld [tilespmem:s20+$0xFFFFFFC0]  }
0x3b4: {  	v9 =	vshra.s32 v12, $0xA;
	v10 =	vshll.u32 v12, $0x4;
	v24 =	vld [tilespmem:s20+$0xFFFFFFD0];
	v13 =	vmov v12  }
0x3b5: {  	vm2 =	veq.s32 v9, v2;
	v9 =	vor.u32 v1, v10;
	v27 =	vld [tilespmem:s20+$0xFFFFFFE0]  }
0x3b6: {  	v16 =	vand.u32 $0x3FFF, v9;
	v12 =	vld [tilespmem:s20+$0xFFFFFFF0];
	v10 =	vshra.s32 v26, $0xA;
	v11 =	vshll.u32 v26, $0x4  }
0x3b7: {  	v18 =	vshll.u32 v20, $0x4;
	v9 =	vld [tilespmem:s20+$0x0];
	vm9 =	veq.s32 v10, v2;
	v10 =	vor.u32 v1, v11  }
0x3b8: {  	v38 =	vshra.s32 v20, $0xA;
	v19 =	vshll.u32 v22, $0x4;
	v11 =	vld [tilespmem:s20+$0x10];
	v28 =	vand.u32 $0x3FFF, v10  }
0x3b9: {  	v39 =	vor.u32 v1, v18;
	v40 =	vshra.s32 v22, $0xA;
	v21 =	vshll.u32 v24, $0x4;
	v10 =	vld [tilespmem:s20+$0x20]  }
0x3ba: {  	v18 =	vor.u32 v1, v19;
	v19 =	vshra.s32 v24, $0xA;
	v23 =	vshll.u32 v27, $0x4;
	[tilespmem:v17+s11+$0x0] =	vst.idx.add.f32.msk vm4, v4;
	v4 =	vmovc v20  }
0x3bb: {  	v21 =	vor.u32 v1, v21;
	v20 =	vshra.s32 v27, $0xA;
	v17 =	vshll.u32 v12, $0x4;
	[tilespmem:v31+s11+$0x0] =	vst.idx.add.f32.msk vm3, v5;
	v5 =	vmovc v22  }
.Ltmp24:
0x3bc: {  	v22 =	vor.u32 v1, v23;
	v23 =	vshra.s32 v12, $0xA;
	v29 =	vshll.u32 v9, $0x4;
	[tilespmem:v32+s11+$0x0] =	vst.idx.add.f32.msk vm8, v6;
	v6 =	vmovc v24;
	(pc) =	sbr.rel @p0 .LBB2_50-.Ltmp24, $4  }
0x3bd: {  	v24 =	vor.u32 v1, v17;
	v25 =	vshra.s32 v9, $0xA;
	v17 =	vshll.u32 v11, $0x4;
	[tilespmem:v28+s11+$0x0] =	vst.idx.add.f32.msk vm9, v26  }
0x3be: {  	v28 =	vor.u32 v1, v29;
	v26 =	vshra.s32 v11, $0xA;
	v31 =	vshll.u32 v10, $0x4;
	[tilespmem:v34+s11+$0x0] =	vst.idx.add.f32.msk vm7, v3;
	v3 =	vmovc v27  }
0x3bf: {  	v29 =	vor.u32 v1, v17;
	v30 =	vshra.s32 v10, $0xA;
	v27 =	vor.u32 v1, v31;
	[tilespmem:v35+s11+$0x0] =	vst.idx.add.f32.msk vm5, v33  }
0x3c0: {  	vm4 =	veq.s32 v38, v2;
	vm3 =	veq.s32 v40, v2;
	v17 =	vand.u32 $0x3FFF, v39;
	[tilespmem:v36+s11+$0x0] =	vst.idx.add.f32.msk vm6, v37  }
0x3c1: {  	_ =	sdelay $0x4  }
0x3c2: {  	[tilespmem:v14+s11+$0x0] =	vst.idx.add.f32.msk vm1, v7  }
0x3c3: {  	[tilespmem:v16+s11+$0x0] =	vst.idx.add.f32.msk vm2, v13;
	s19 =	sadd.s32 $0xA0, s20  }
0x3c4: {  	v58 =	vld [tilespmem:s19+$0x40]  }
0x3c5: {  	v14 =	vld [tilespmem:s19+$0xFFFFFFB0]  }
0x3c6: {  	v16 =	vld [tilespmem:s19+$0xFFFFFFC0]  }
0x3c7: {  	v36 =	vld [tilespmem:s19+$0xFFFFFFD0]  }
0x3c8: {  	v59 =	vand.u32 $0x3FFF, v18;
	vm7 =	veq.s32 v19, v2;
	v60 =	vand.u32 $0x3FFF, v21;
	v38 =	vld [tilespmem:s19+$0xFFFFFFE0]  }
0x3c9: {  	vm6 =	veq.s32 v20, v2;
	v61 =	vand.u32 $0x3FFF, v22;
	vm5 =	veq.s32 v23, v2;
	v40 =	vld [tilespmem:s19+$0xFFFFFFF0]  }
0x3ca: {  	v62 =	vand.u32 $0x3FFF, v24;
	vm12 =	veq.s32 v25, v2;
	v63 =	vand.u32 $0x3FFF, v28;
	v44 =	vld [tilespmem:s19+$0x0]  }
0x3cb: {  	vm13 =	veq.s32 v26, v2;
	v37 =	vand.u32 $0x3FFF, v29;
	vm14 =	veq.s32 v30, v2;
	v48 =	vld [tilespmem:s19+$0x10]  }
0x3cc: {  	v39 =	vand.u32 $0x3FFF, v27;
	v33 =	vld [tilespmem:s19+$0x20];
	v41 =	vshra.s32 v58, $0xA;
	v42 =	vshll.u32 v58, $0x4  }
0x3cd: {  	v43 =	vshll.u32 v14, $0x4;
	v46 =	vshra.s32 v14, $0xA;
	v47 =	vshll.u32 v16, $0x4  }
0x3ce: {  	v31 =	vshra.s32 v16, $0xA;
	v32 =	vshll.u32 v36, $0x4;
	v34 =	vshra.s32 v36, $0xA  }
0x3cf: {  	[tilespmem:v15+s11+$0x0] =	vst.idx.add.f32.msk vm0, v8;
	v35 =	vshll.u32 v38, $0x4;
	v50 =	vshra.s32 v38, $0xA;
	v51 =	vshll.u32 v40, $0x4  }
0x3d0: {  	v53 =	vshra.s32 v40, $0xA;
	v54 =	vshll.u32 v44, $0x4;
	[tilespmem:v60+s11+$0x0] =	vst.idx.add.f32.msk vm7, v6;
	v56 =	vshra.s32 v44, $0xA  }
0x3d1: {  	v57 =	vshll.u32 v48, $0x4;
	[tilespmem:v61+s11+$0x0] =	vst.idx.add.f32.msk vm6, v3;
	v60 =	vshra.s32 v48, $0xA;
	v61 =	vshll.u32 v33, $0x4  }
0x3d2: {  	[tilespmem:v62+s11+$0x0] =	vst.idx.add.f32.msk vm5, v12;
	v62 =	vshra.s32 v33, $0xA;
	vm8 =	veq.s32 v41, v2;
	v45 =	vor.u32 v1, v42  }
0x3d3: {  	[tilespmem:v17+s11+$0x0] =	vst.idx.add.f32.msk vm4, v4;
	v27 =	vor.u32 v1, v43;
	vm15 =	veq.s32 v46, v2;
	v25 =	vand.u32 $0x3FFF, v45  }
0x3d4: {  	[tilespmem:v59+s11+$0x0] =	vst.idx.add.f32.msk vm3, v5;
	v29 =	vor.u32 v1, v47;
	vm9 =	veq.s32 v31, v2;
	v3 =	vand.u32 $0x3FFF, v27  }
0x3d5: {  	[tilespmem:v63+s11+$0x0] =	vst.idx.add.f32.msk vm12, v9;
	v49 =	vor.u32 v1, v32;
	vm10 =	veq.s32 v34, v2;
	v59 =	vand.u32 $0x3FFF, v29  }
0x3d6: {  	[tilespmem:v37+s11+$0x0] =	vst.idx.add.f32.msk vm13, v11;
	v52 =	vor.u32 v1, v35;
	vm11 =	veq.s32 v50, v2;
	v4 =	vand.u32 $0x3FFF, v49  }
0x3d7: {  	[tilespmem:v39+s11+$0x0] =	vst.idx.add.f32.msk vm14, v10;
	v55 =	vor.u32 v1, v51;
	vm12 =	veq.s32 v53, v2;
	v5 =	vand.u32 $0x3FFF, v52  }
0x3d8: {  	v7 =	vor.u32 v1, v57;
	vm14 =	veq.s32 v60, v2;
	v6 =	vand.u32 $0x3FFF, v55;
	[tilespmem:v25+s11+$0x0] =	vst.idx.add.f32.msk vm8, v58  }
0x3d9: {  	vm13 =	veq.s32 v56, v2;
	v7 =	vand.u32 $0x3FFF, v7;
	v58 =	vor.u32 v1, v54;
	[tilespmem:v3+s11+$0x0] =	vst.idx.add.f32.msk vm15, v14  }
0x3da: {  	v3 =	vor.u32 v1, v61;
	vm15 =	veq.s32 v62, v2;
	[tilespmem:v59+s11+$0x0] =	vst.idx.add.f32.msk vm9, v16;
	v63 =	vand.u32 $0x3FFF, v58  }
0x3db: {  	[tilespmem:v4+s11+$0x0] =	vst.idx.add.f32.msk vm10, v36;
	v2 =	vand.u32 $0x3FFF, v3  }
0x3dc: {  	[tilespmem:v5+s11+$0x0] =	vst.idx.add.f32.msk vm11, v38  }
0x3dd: {  	[tilespmem:v6+s11+$0x0] =	vst.idx.add.f32.msk vm12, v40  }
0x3de: {  	[tilespmem:v7+s11+$0x0] =	vst.idx.add.f32.msk vm14, v48  }
0x3df: {  	[tilespmem:v63+s11+$0x0] =	vst.idx.add.f32.msk vm13, v44  }
0x3e0: {  	s20 =	simm.f32 $0.0e+00;
	s19 =	ssub.f32 s17, s16;
	s17 =	simm.s32 $0x3F;
	[tilespmem:v2+s11+$0x0] =	vst.idx.add.f32.msk vm15, v33  }
.LBB2_52:
0x3e1: {  	s21 =	sshll.u32 s17, $0xA  }
0x3e2: {  	s21 =	sshra.s32 s21, $0x2  }
0x3e3: {  	v2 =	vld [tilespmem:s21+$0x18700]  }
0x3e4: {  	v3 =	vld [tilespmem:s21+$0x18710];
	_ =	sdelay $0x1  }
0x3e5: {  	v4 =	vld [tilespmem:s21+$0x18720];
	_ =	sdelay $0x1  }
0x3e6: {  	v5 =	vld [tilespmem:s21+$0x18730]  }
0x3e7: {  	v2 =	vadd.f32 v3, v2  }
0x3e8: {  	v3 =	vld [tilespmem:s21+$0x18740]  }
0x3e9: {  	v2 =	vadd.f32 v4, v2  }
0x3ea: {  	v56 =	vld [tilespmem:s21+$0x18750]  }
0x3eb: {  	v2 =	vadd.f32 v5, v2  }
0x3ec: {  	v57 =	vld [tilespmem:s21+$0x18760]  }
0x3ed: {  	v2 =	vadd.f32 v3, v2  }
0x3ee: {  	v3 =	vld [tilespmem:s21+$0x18770]  }
0x3ef: {  	v2 =	vadd.f32 v56, v2  }
0x3f0: {  	v58 =	vld [tilespmem:s21+$0x18780]  }
0x3f1: {  	v2 =	vadd.f32 v57, v2  }
0x3f2: {  	v59 =	vld [tilespmem:s21+$0x18790]  }
0x3f3: {  	v2 =	vadd.f32 v3, v2  }
0x3f4: {  	v3 =	vld [tilespmem:s21+$0x187A0]  }
0x3f5: {  	v2 =	vadd.f32 v58, v2  }
0x3f6: {  	v60 =	vld [tilespmem:s21+$0x187B0]  }
0x3f7: {  	v2 =	vadd.f32 v59, v2  }
0x3f8: {  	v61 =	vld [tilespmem:s21+$0x187C0]  }
0x3f9: {  	v2 =	vadd.f32 v3, v2  }
0x3fa: {  	v3 =	vld [tilespmem:s21+$0x187D0]  }
0x3fb: {  	v2 =	vadd.f32 v60, v2  }
0x3fc: {  	v62 =	vld [tilespmem:s21+$0x187E0]  }
0x3fd: {  	v2 =	vadd.f32 v61, v2  }
0x3fe: {  	v63 =	vld [tilespmem:s21+$0x187F0]  }
0x3ff: {  	v2 =	vadd.f32 v3, v2;
	_ =	sdelay $0x1  }
0x400: {  	v2 =	vadd.f32 v62, v2;
	_ =	sdelay $0x1  }
0x401: {  	v2 =	vadd.f32 v63, v2;
	_ =	sdelay $0x1  }
0x402: {  	(xrf2) =	vadd.scan.msk.f32 $0xffff, v2;
	_ =	sdelay $0x9  }
0x403: {  	v2, _, _ =	vpop (xrf2)  }
0x404: {  	(v2sf) =	vpush v2, $0xF;
	_ =	sdelay $0xe  }
0x405: {  	s21 =	smov.u32 s20;
	s31 =	spop (v2sf)  }
0x406: {  	s20 =	sadd.f32 s31, s21;
	_ =	sdelay $0x1  }
0x407: {  	p0 =	sgt.f32 s20, s19;
	_ =	sdelay $0x1  }
0x408: {  	p1 =	sne.s32 s17, $0x0;
	p0 =	por !p0, !p0  }
0x409: {  	p0 =	por !p1, !p0  }
0x40a: {  	p0 =	por !p0, !p0  }
.Ltmp25:
0x40b: {  	_ = 	snop;
	(pc) =	sbr.rel @p0 .LBB2_52-.Ltmp25, $4  }
0x40c: {  	_ = 	snop  }
0x40d: {  	s22 =	simm.s32 $0x1  }
0x40e: {  	s22 =	simm.s32 @!p0 $0x0  }
0x40f: {  	s17 =	ssub.s32 s17, s22  }
0x410: {  	s22 =	sshll.u32 s17, $0x8;
	s20 =	simm.s32 $0xF  }
.LBB2_54:
0x411: {  	s23 =	sshll.u32 s20, $0x4  }
0x412: {  	s24 =	sadd.s32 s22, s23  }
0x413: {  	s23 =	sand.u32 $0x70, s23;
	s24 =	sand.u32 $0xFFFFFF80, s24  }
0x414: {  	s23 =	sor.u32 s23, s24  }
0x415: {  	v2 =	vld [tilespmem:s23+$0x18700];
	_ =	sdelay $0x4  }
0x416: {  	(xrf2) =	vadd.scan.msk.f32 $0xffff, v2;
	_ =	sdelay $0x9  }
0x417: {  	v2, _, _ =	vpop (xrf2)  }
0x418: {  	(v2sf) =	vpush v2, $0xF;
	_ =	sdelay $0xe  }
0x419: {  	s24 =	spop (v2sf)  }
0x41a: {  	s23 =	smov.u32 s21;
	s21 =	sadd.f32 s24, s21;
	_ =	sdelay $0x1  }
0x41b: {  	p0 =	sgt.f32 s21, s19;
	_ =	sdelay $0x1  }
0x41c: {  	p1 =	sne.s32 s20, $0x0;
	p0 =	por !p0, !p0  }
0x41d: {  	p0 =	por !p1, !p0  }
0x41e: {  	p0 =	por !p0, !p0  }
.Ltmp26:
0x41f: {  	_ = 	snop;
	(pc) =	sbr.rel @p0 .LBB2_54-.Ltmp26, $4  }
0x420: {  	_ = 	snop  }
0x421: {  	s25 =	simm.s32 $0x1  }
0x422: {  	s25 =	simm.s32 @!p0 $0x0  }
0x423: {  	s20 =	ssub.s32 s20, s25  }
0x424: {  	s14 =	sadd.f32 s16, s14;
	_ =	sdelay $0x1  }
0x425: {  	s14 =	sadd.f32 s23, s14;
	_ =	sdelay $0x1  }
0x426: {  	s14 =	sadd.f32 s24, s14;
	_ =	sdelay $0x1  }
0x427: {  	v2 =	vmov s14  }
0x428: {  	v2 =	vsub.s32 $0x7EF477D5, v2  }
0x429: {  	v3 =	vmul.f32 s14, v2;
	_ =	sdelay $0x1  }
0x42a: {  	v3 =	vsub.f32 $2.000000000e+00, v3;
	_ =	sdelay $0x1  }
0x42b: {  	v2 =	vmul.f32 v2, v3;
	_ =	sdelay $0x1  }
0x42c: {  	v3 =	vmul.f32 s14, v2;
	_ =	sdelay $0x1  }
0x42d: {  	v3 =	vsub.f32 $2.000000000e+00, v3;
	_ =	sdelay $0x1  }
0x42e: {  	v2 =	vmul.f32 v3, v2;
	_ =	sdelay $0x1  }
0x42f: {  	v3 =	vmul.f32 s14, v2;
	_ =	sdelay $0x1  }
0x430: {  	v3 =	vsub.f32 $2.000000000e+00, v3;
	_ =	sdelay $0x1  }
0x431: {  	s29 =	simm.s32 $0x0;
	v2 =	vmul.f32 v3, v2  }
0x432: {  	s19 =	sand.u32 $0x1FFE0, s29  }
0x433: {  	v5 =	vld [tilespmem:s19+$0x80];
	v3 =	vmul.f32 s14, v2;
	s14 =	simm.s32 $0x50  }
0x434: {  	v4 =	vld [tilespmem:s14+$0x40]  }
0x435: {  	s30 =	sshll.u32 s17, $0x4;
	s15 =	sshll.u32 s15, $0x14;
	s31 =	sshll.u32 s18, $0xA;
	v6 =	vld [tilespmem:s14+$0xFFFFFFB0];
	v3 =	vsub.f32 $2.000000000e+00, v3  }
0x436: {  	s16 =	sadd.s32 s30, s20;
	s15 =	sor.u32 s15, s31;
	v8 =	vld [tilespmem:s14+$0xFFFFFFD0]  }
0x437: {  	s15 =	sor.u32 s16, s15;
	v7 =	vld [tilespmem:s14+$0xFFFFFFC0];
	v2 =	vmul.f32 v3, v2  }
0x438: {  	v9 =	vld [tilespmem:s14+$0xFFFFFFE0];
	v3 =	vmov s15  }
0x439: {  	v11 =	vld [tilespmem:s14+$0xFFFFFFF0];
	vm1 =	vgt.s32 v3, v5;
	v10 =	vmul.f32 v4, v2  }
0x43a: {  	v13 =	vld [tilespmem:s14+$0x0];
	s15 =	simm.s32 $0xF0;
	v12 =	vmul.f32 v5, v2;
	vm0 =	vgt.s32 v3, v4;
	v4 =	vmul.f32 v6, v2  }
0x43b: {  	v14 =	vld [tilespmem:s15+$0xFFFFFFB0];
	vm2 =	vgt.s32 v3, v8;
	v5 =	vsel vm0, $0x0, v10;
	vm0 =	vgt.s32 v3, v6  }
0x43c: {  	v6 =	vmul.f32 v7, v2;
	v10 =	vld [tilespmem:s14+$0x10];
	v12 =	vsel vm1, $0x0, v12;
	vm1 =	vgt.s32 v3, v7;
	[tilespmem:s14+$0x40] =	vst v5  }
0x43d: {  	s16 =	simm.s32 $0xA0;
	v7 =	vld [tilespmem:s14+$0x20];
	v5 =	vmul.f32 v8, v2;
	[tilespmem:s19+$0x80] =	vst v12;
	v4 =	vsel vm0, $0x0, v4;
	vm0 =	vgt.s32 v3, v9  }
0x43e: {  	s17 =	sand.u32 $0x1FFE0, s16;
	v12 =	vld [tilespmem:s15+$0x40];
	v8 =	vmul.f32 v9, v2;
	[tilespmem:s14+$0xFFFFFFB0] =	vst v4;
	v4 =	vsel vm1, $0x0, v6;
	vm1 =	vgt.s32 v3, v11  }
0x43f: {  	v9 =	vld [tilespmem:s17+$0x80];
	v6 =	vmul.f32 v11, v2;
	v11 =	vmul.f32 v13, v2;
	v5 =	vsel vm2, $0x0, v5  }
0x440: {  	vm2 =	vgt.s32 v3, v13;
	[tilespmem:s14+$0xFFFFFFD0] =	vst v5;
	v5 =	vsel vm0, $0x0, v8  }
0x441: {  	[tilespmem:s14+$0xFFFFFFC0] =	vst v4;
	v4 =	vld [tilespmem:s15+$0xFFFFFFC0];
	v11 =	vsel vm2, $0x0, v11;
	vm0 =	vgt.s32 v3, v10;
	v10 =	vmul.f32 v10, v2  }
0x442: {  	v8 =	vld [tilespmem:s15+$0xFFFFFFD0];
	[tilespmem:s14+$0xFFFFFFE0] =	vst v5;
	v5 =	vsel vm1, $0x0, v6;
	vm1 =	vgt.s32 v3, v7;
	v7 =	vmul.f32 v7, v2  }
0x443: {  	v6 =	vld [tilespmem:s15+$0xFFFFFFE0];
	[tilespmem:s14+$0x0] =	vst v11;
	v11 =	vmul.f32 v14, v2;
	v13 =	vmul.f32 v12, v2  }
0x444: {  	[tilespmem:s14+$0xFFFFFFF0] =	vst v5;
	v5 =	vld [tilespmem:s15+$0xFFFFFFF0];
	v16 =	vmul.f32 v9, v2;
	v15 =	vsel vm0, $0x0, v10;
	vm0 =	vgt.s32 v3, v12  }
0x445: {  	v10 =	vsel vm1, $0x0, v7;
	v7 =	vld [tilespmem:s15+$0x0];
	vm1 =	vgt.s32 v3, v9;
	v17 =	vsel vm0, $0x0, v13;
	[tilespmem:s14+$0x10] =	vst v15  }
0x446: {  	s18 =	simm.s32 $0xF0;
	v9 =	vld [tilespmem:s15+$0x10];
	vm0 =	vgt.s32 v3, v14;
	v12 =	vmul.f32 v4, v2;
	v13 =	vsel vm1, $0x0, v16;
	[tilespmem:s15+$0x40] =	vst v17  }
.LBB2_56:
0x447: {  	s16 =	sadd.s32 $0xA0, s16;
	vm1 =	vgt.s32 v3, v4;
	vm2 =	vgt.s32 v3, v8;
	v4 =	vmul.f32 v8, v2;
	v14 =	vld [tilespmem:s15+$0x20];
	[tilespmem:s17+$0x80] =	vst v13;
	s18 =	sadd.s32 $0xA0, s18  }
0x448: {  	v8 =	vsel vm0, $0x0, v11;
	s17 =	sand.u32 $0x1FFE0, s16;
	v13 =	vld [tilespmem:s18+$0x40];
	p0 =	slt.u32 s16, $0x18600;
	vm0 =	vgt.s32 v3, v6;
	v6 =	vmul.f32 v6, v2;
	[tilespmem:s14+$0x20] =	vst v10;
	s14 =	smov.u32 s15  }
0x449: {  	s15 =	smov.u32 s18;
	v15 =	vld [tilespmem:s17+$0x80];
	[tilespmem:s14+$0xFFFFFFB0] =	vst v8;
	v8 =	vsel vm1, $0x0, v12;
	vm1 =	vgt.s32 v3, v5;
	v5 =	vmul.f32 v5, v2  }
0x44a: {  	v12 =	vld [tilespmem:s18+$0xFFFFFFB0];
	[tilespmem:s14+$0xFFFFFFC0] =	vst v8;
	v8 =	vsel vm2, $0x0, v4;
	vm2 =	vgt.s32 v3, v7;
	v7 =	vmul.f32 v7, v2  }
0x44b: {  	v6 =	vsel vm0, $0x0, v6;
	v4 =	vld [tilespmem:s18+$0xFFFFFFC0];
	[tilespmem:s14+$0xFFFFFFD0] =	vst v8;
	vm0 =	vgt.s32 v3, v9;
	v9 =	vmul.f32 v9, v2  }
.Ltmp27:
0x44c: {  	v5 =	vsel vm1, $0x0, v5;
	v8 =	vld [tilespmem:s18+$0xFFFFFFD0];
	[tilespmem:s14+$0xFFFFFFE0] =	vst v6;
	vm1 =	vgt.s32 v3, v14;
	v10 =	vmul.f32 v14, v2;
	(pc) =	sbr.rel @p0 .LBB2_56-.Ltmp27, $4  }
0x44d: {  	v7 =	vsel vm2, $0x0, v7;
	v6 =	vld [tilespmem:s18+$0xFFFFFFE0];
	v14 =	vmul.f32 v13, v2;
	[tilespmem:s14+$0xFFFFFFF0] =	vst v5;
	v9 =	vsel vm0, $0x0, v9  }
0x44e: {  	vm0 =	vgt.s32 v3, v13;
	v5 =	vld [tilespmem:s18+$0xFFFFFFF0];
	v16 =	vmul.f32 v15, v2;
	[tilespmem:s14+$0x0] =	vst v7;
	v10 =	vsel vm1, $0x0, v10  }
0x44f: {  	vm1 =	vgt.s32 v3, v15;
	v11 =	vmul.f32 v12, v2;
	v7 =	vld [tilespmem:s18+$0x0];
	v14 =	vsel vm0, $0x0, v14;
	[tilespmem:s14+$0x10] =	vst v9  }
0x450: {  	vm0 =	vgt.s32 v3, v12;
	v12 =	vmul.f32 v4, v2;
	v9 =	vld [tilespmem:s18+$0x10];
	v13 =	vsel vm1, $0x0, v16;
	[tilespmem:s18+$0x40] =	vst v14  }
0x451: {  	[tilespmem:s17+$0x80] =	vst v13  }
0x452: {  	vm1 =	vgt.s32 v3, v4;
	v54 =	vmul.f32 v8, v2;
	v55 =	vld [tilespmem:s15+$0x20];
	v11 =	vsel vm0, $0x0, v11;
	[tilespmem:s14+$0x20] =	vst v10  }
0x453: {  	vm10 =	vgt.s32 v3, v8;
	v56 =	vmul.f32 v6, v2;
	[tilespmem:s15+$0xFFFFFFB0] =	vst v11;
	v57 =	vsel vm1, $0x0, v12  }
0x454: {  	vm11 =	vgt.s32 v3, v6;
	v58 =	vmul.f32 v5, v2;
	[tilespmem:s15+$0xFFFFFFC0] =	vst v57;
	v4 =	vsel vm10, $0x0, v54  }
0x455: {  	vm12 =	vgt.s32 v3, v5;
	v59 =	vmul.f32 v7, v2;
	[tilespmem:s15+$0xFFFFFFD0] =	vst v4;
	v60 =	vsel vm11, $0x0, v56  }
0x456: {  	vm13 =	vgt.s32 v3, v7;
	v61 =	vmul.f32 v9, v2;
	[tilespmem:s15+$0xFFFFFFE0] =	vst v60;
	v62 =	vsel vm12, $0x0, v58  }
0x457: {  	vm14 =	vgt.s32 v3, v9;
	v2 =	vmul.f32 v55, v2;
	[tilespmem:s15+$0xFFFFFFF0] =	vst v62;
	v63 =	vsel vm13, $0x0, v59  }
0x458: {  	s13 =	sadd.s32 $0x1, s13;
	vm15 =	vgt.s32 v3, v55;
	v3 =	vsel vm14, $0x0, v61;
	[tilespmem:s15+$0x0] =	vst v63  }
0x459: {  	p0 =	sne.s32 s13, s7;
	v2 =	vsel vm15, $0x0, v2;
	[tilespmem:s15+$0x10] =	vst v3  }
.Ltmp28:
0x45a: {  	[tilespmem:s15+$0x20] =	vst v2;
	(pc) =	sbr.rel @p0 .LBB2_1-.Ltmp28, $4  }
0x45b: {  	[hbm4b:s6+s8] =	stream.strided.scatter [tilespmem:s2], [sflag:$0x2], $0x18700, s9, s8, $0x38;
	[tilespmem:$0x1C700] =	vst v63  }
0x45c: {  	_ =	swait.ge [sflag:s12], $0x18700  }
0x45d: {  	[sflag:s12] =	ssyncset.done $0x0  }
0x45e: {  	[sflag:s12] =	ssyncadd.s32 $0xFFFE7900  }
0x45f: {  	_ =	sfence.sel $0x180000  }
0x460: {  	[bflag:$0x0] =	sbarrier.arrive $0xFFFF  }
0x461: {  	p0 =	sne.s32 s1, $0x0;
	_ =	strace $0x90000047  }
0x462: {  	s0 =	sadd.s32 @!p0 $0x100000, s0;
	[bflag:$0x2] =	sbarrier.arrive $0xFFFF  }
0x463: {  	[sflag:s0] =	ssyncadd.tile.s32 @!p0 $0x1;
	_ =	shalt  }
.Lfunc_end2:
_tile_overlayer_lowered:
.L_overlay_start_2:
0x464: {  	(tag) =	ssettag $0x2  }
0x465: {  	s0 =	rddreg [dreg:$0x0];
	s2 =	stileid.u32  }
0x466: {  	s1 =	rddreg [dreg:$0x1];
	p0 =	sne.s32 s2, $0x0  }
0x467: {  	s3 =	rddreg [dreg:$0x2];
	[bflag:$0x3] =	sbarrier.arrive $0xFFFF;
	s2 =	simm.s32 @!p0 $0x1C02  }
0x468: {  	[timem:s3], [sflag:s2] =	dma.local @!p0 [hbm:s0], s1  }
0x469: {  	s0 =	simm.s32 @!p0 $0x2  }
0x46a: {  	_ =	swait.ge @!p0 [sflag:s0], s1  }
0x46b: {  	s1 =	ssub.s32 @!p0 $0x0, s1;
	[sflag:s0] =	ssyncset.done @!p0 $0x0  }
0x46c: {  	[sflag:s0] =	ssyncadd.s32 @!p0 s1  }
0x46d: {  	[bflag:$0x3] =	sbarrier.arrive $0xFFFF  }
0x46e: {  	_ =	shalt  }

</sc_bundles>
